<compile_context>
chip_gen: v7x
topology: tpu7x:2x2x1
jax: 0.10.2.dev20260603
libtpu: 0.0.44.dev20260713+nightly
codegen_flags: <defaults>
</compile_context>

<pallas_src>
import functools

import jax
import jax.numpy as jnp
from jax import lax
from jax.experimental import pallas as pl
from jax.experimental.pallas import tpu as pltpu
from jax.experimental.pallas import tpu_sc as plsc

NC = 2
NS = 16
NW = NC * NS
L = 16
SUB = 8
LANE = 128


@functools.lru_cache(maxsize=None)
def _build(b: int, s: int, d: int):
  bw = b // NW
  nbt = bw // LANE
  ndt = d // SUB

  mesh = plsc.VectorSubcoreMesh(
      core_axis_name="c", subcore_axis_name="s", num_cores=NC, num_subcores=NS
  )

  @functools.partial(
      pl.kernel,
      mesh=mesh,
      out_type=jax.ShapeDtypeStruct(
          (s, ndt, (b // LANE) * SUB, LANE), jnp.float32
      ),
      scratch_types=[
          pltpu.VMEM((2, bw), jnp.int32),
          pltpu.VMEM((2, bw, d), jnp.float32),
          pltpu.VMEM((2, ndt * nbt * SUB, LANE + 1), jnp.float32),
          [pltpu.SemaphoreType.DMA] * 2,
          [pltpu.SemaphoreType.DMA] * 2,
      ],
      compiler_params=pltpu.CompilerParams(
          use_tc_tiling_on_sc=False,
          needs_layout_passes=False,
          disable_bounds_checks=True,
      ),
  )
  def gather(tok_hbm, table_hbm, out_hbm, idx_v, rows_v, rowst_v, gsem, osem):
    wid = lax.axis_index("s") * NC + lax.axis_index("c")
    bb0 = wid * bw
    iota = lax.iota(jnp.int32, L)
    zeros = jnp.zeros((L,), jnp.int32)
    pitch = LANE + 1
    rowpats = [
        [((h * L + iota) // SUB) * (nbt * SUB)
         + bt * SUB
         + (h * L + iota) % SUB
         for h in range(d // L)]
        for bt in range(nbt)
    ]

    def front(g, bf):
      pltpu.sync_copy(tok_hbm.at[pl.ds(g * b + bb0, bw)], idx_v.at[bf])
      pltpu.async_copy(table_hbm.at[idx_v.at[bf]], rows_v.at[bf], gsem[bf])

    def wait_gather(bf):
      pltpu.make_async_copy(
          table_hbm.at[idx_v.at[bf]], rows_v.at[bf], gsem[bf]
      ).wait()

    UNROLL = 1

    def transpose(bf):
      dst = rowst_v.at[bf]
      for bt in range(nbt):

        @plsc.parallel_loop(0, LANE // UNROLL, unroll=4)
        def _bi(q):
          for u in range(UNROLL):
            bi = q * UNROLL + u
            t = bt * LANE + bi
            bvec = zeros + bi
            for h in range(d // L):
              x = rows_v[bf, t, pl.ds(h * L, L)]
              plsc.store_scatter(dst, [rowpats[bt][h], bvec], x)

    def write(g, bf):
      for dt in range(ndt):
        pltpu.async_copy(
            rowst_v.at[bf, pl.ds(dt * nbt * SUB, nbt * SUB), pl.ds(0, LANE)],
            out_hbm.at[g, dt, pl.ds(wid * nbt * SUB, nbt * SUB)],
            osem[bf],
        )

    def wait_write(bf):
      for dt in range(ndt):
        pltpu.make_async_copy(
            rowst_v.at[bf, pl.ds(dt * nbt * SUB, nbt * SUB), pl.ds(0, LANE)],
            out_hbm.at[0, 0, pl.ds(0, nbt * SUB)],
            osem[bf],
        ).wait()

    front(0, 0)
    front(1, 1)

    @pl.loop(0, s // 2)
    def _blk(i):
      for bf in range(2):
        g = 2 * i + bf
        wait_gather(bf)

        @pl.when(g >= 2)
        def _():
          wait_write(bf)

        transpose(bf)

        @pl.when(g + 2 < s)
        def _():
          front(g + 2, bf)

        write(g, bf)

    wait_write(0)
    wait_write(1)

  return gather


def kernel(token, embeddings):
  b, s = token.shape
  d = embeddings.shape[1]
  tokf = token.T.reshape(s * b).astype(jnp.int32)
  out = _build(b, s, d)(tokf, embeddings)
  out = out.reshape(s, d // 8, b // 128, 8, 128)
  return out.transpose(2, 4, 0, 1, 3).reshape(b, s, d)

# --- scband reference (transcript-rebuilt; emitter-appended) ---
"""Pipeline reference for scband-layer-52029233824109 (READ-ONLY COPY).

The authoritative reference and input builder live on the scoring server;
editing this copy changes nothing except your own understanding.
"""

import jax, jax.numpy as jnp
import numpy as np

N = 1000000
D_MODEL = 32

def setup_inputs(seed: int = 0) -> dict:
    key = jax.random.key(seed)
    k_tok, k_emb = jax.random.split(key)
    token = jax.random.randint(k_tok, (16384, 200), 0, N, dtype=jnp.int64)
    # GlorotUniform for shape (N, d_model): limit = sqrt(6 / (fan_in + fan_out))
    limit = float(np.sqrt(6.0 / (N + D_MODEL)))
    embeddings = jax.random.uniform(k_emb, (N, D_MODEL), dtype=jnp.float32, minval=-limit, maxval=limit)
    return {"token": token, "embeddings": embeddings}

def reference(token, embeddings):
    # tf.nn.embedding_lookup(embeddings, cast(token, int32))
    idx = token.astype(jnp.int32)
    return jnp.take(embeddings, idx, axis=0)

if __name__ == "__main__":
    import jax
    _d = setup_inputs()
    print(jax.jit(kernel)(*tuple(_d.values())))

</pallas_src>

<mosaic_0001>
#map = affine_map<(d0, d1) -> (0)>
#map1 = affine_map<(d0, d1) -> (0, 0)>
#map2 = affine_map<(d0, d1) -> (0, 0, 0, 0)>
module attributes {stable_mosaic.version = 14 : i64} {
  func.func @gather(%arg0: i32, %arg1: i32, %arg2: memref<3276800xi32, #tpu.memory_space<hbm>>, %arg3: memref<1000000x32xf32, #tpu.memory_space<hbm>>, %arg4: memref<200x4x1024x128xf32, #tpu.memory_space<hbm>>, %arg5: memref<2x512xi32, #tpu.memory_space<vmem>>, %arg6: memref<2x512x32xf32, #tpu.memory_space<vmem>>, %arg7: memref<2x128x129xf32, #tpu.memory_space<vmem>>, %arg8: memref<!tpu.dma_semaphore, #tpu.memory_space<semaphore_mem>>, %arg9: memref<!tpu.dma_semaphore, #tpu.memory_space<semaphore_mem>>, %arg10: memref<!tpu.dma_semaphore, #tpu.memory_space<semaphore_mem>>, %arg11: memref<!tpu.dma_semaphore, #tpu.memory_space<semaphore_mem>>) attributes {dimension_semantics = [#tpu.dimension_semantics<core_parallel>, #tpu.dimension_semantics<subcore_parallel>], iteration_bounds = array<i64: 2, 16>, scalar_prefetch = 0 : i64, scratch_operands = 7 : i64, tpu.core_type = #tpu.core_type<sc_vector_subcore>, window_params = [{transform_indices = #map}, {transform_indices = #map1}, {transform_indices = #map2}]} {
    %mul3A = arith.constant 2 : i32
    %mul3A_0 = arith.muli %arg1, %mul3A : i32
    %add3A = arith.addi %mul3A_0, %arg0 : i32
    %mul3A_1 = arith.constant 512 : i32
    %mul3A_2 = arith.muli %add3A, %mul3A_1 : i32
    %iota3A = tpu.iota {dimensions = array<i32: 0>} : vector<16xi32>
    %broadcast_in_dim3A = arith.constant 0 : i32
    %broadcast_in_dim3A_3 = vector.broadcast %broadcast_in_dim3A : i32 to vector<16xi32>
    %add3A_4 = arith.constant 0 : i32
    %add3A_5 = vector.broadcast %add3A_4 : i32 to vector<16xi32>
    %add3A_6 = arith.addi %add3A_5, %iota3A : vector<16xi32>
    %jit3A = arith.constant 8 : i32
    %div3A = vector.broadcast %jit3A : i32 to vector<16xi32>
    %div3A_7 = arith.divsi %add3A_6, %div3A : vector<16xi32>
    %sign3A = arith.constant 0 : i32
    %sign3A_8 = vector.broadcast %sign3A : i32 to vector<16xi32>
    %sign3A_9 = arith.cmpi sgt, %add3A_6, %sign3A_8 : vector<16xi32>
    %sign3A_10 = arith.extui %sign3A_9 : vector<16xi1> to vector<16xi32>
    %sign3A_11 = arith.constant 0 : i32
    %sign3A_12 = vector.broadcast %sign3A_11 : i32 to vector<16xi32>
    %sign3A_13 = arith.cmpi slt, %add3A_6, %sign3A_12 : vector<16xi32>
    %sign3A_14 = arith.extui %sign3A_13 : vector<16xi1> to vector<16xi32>
    %sign3A_15 = arith.subi %sign3A_10, %sign3A_14 : vector<16xi32>
    %sign3A_16 = arith.constant 0 : i32
    %sign3A_17 = arith.cmpi sgt, %jit3A, %sign3A_16 : i32
    %sign3A_18 = arith.extui %sign3A_17 : i1 to i32
    %sign3A_19 = arith.constant 0 : i32
    %sign3A_20 = arith.cmpi slt, %jit3A, %sign3A_19 : i32
    %sign3A_21 = arith.extui %sign3A_20 : i1 to i32
    %sign3A_22 = arith.subi %sign3A_18, %sign3A_21 : i32
    %ne3A = vector.broadcast %sign3A_22 : i32 to vector<16xi32>
    %ne3A_23 = arith.cmpi ne, %sign3A_15, %ne3A : vector<16xi32>
    %rem3A = vector.broadcast %jit3A : i32 to vector<16xi32>
    %rem3A_24 = arith.remsi %add3A_6, %rem3A : vector<16xi32>
    %ne3A_25 = arith.constant 0 : i32
    %ne3A_26 = vector.broadcast %ne3A_25 : i32 to vector<16xi32>
    %ne3A_27 = arith.cmpi ne, %rem3A_24, %ne3A_26 : vector<16xi32>
    %and3A = arith.andi %ne3A_23, %ne3A_27 : vector<16xi1>
    %sub3A = arith.constant 1 : i32
    %sub3A_28 = vector.broadcast %sub3A : i32 to vector<16xi32>
    %sub3A_29 = arith.subi %div3A_7, %sub3A_28 : vector<16xi32>
    %select_n3A = arith.select %and3A, %sub3A_29, %div3A_7 : vector<16xi1>, vector<16xi32>
    %mul3A_30 = arith.constant 32 : i32
    %mul3A_31 = vector.broadcast %mul3A_30 : i32 to vector<16xi32>
    %mul3A_32 = arith.muli %select_n3A, %mul3A_31 : vector<16xi32>
    %add3A_33 = arith.constant 0 : i32
    %add3A_34 = vector.broadcast %add3A_33 : i32 to vector<16xi32>
    %add3A_35 = arith.addi %mul3A_32, %add3A_34 : vector<16xi32>
    %add3A_36 = arith.constant 0 : i32
    %add3A_37 = vector.broadcast %add3A_36 : i32 to vector<16xi32>
    %add3A_38 = arith.addi %add3A_37, %iota3A : vector<16xi32>
    %jit3A_39 = arith.constant 8 : i32
    %eq3A = arith.constant 0 : i32
    %eq3A_40 = arith.cmpi eq, %jit3A_39, %eq3A : i32
    %jit3A_41 = arith.constant 1 : i32
    %select_n3A_42 = arith.select %eq3A_40, %jit3A_41, %jit3A_39 : i32
    %rem3A_43 = vector.broadcast %select_n3A_42 : i32 to vector<16xi32>
    %rem3A_44 = arith.remsi %add3A_38, %rem3A_43 : vector<16xi32>
    %ne3A_45 = arith.constant 0 : i32
    %ne3A_46 = vector.broadcast %ne3A_45 : i32 to vector<16xi32>
    %ne3A_47 = arith.cmpi ne, %rem3A_44, %ne3A_46 : vector<16xi32>
    %lt3A = arith.constant 0 : i32
    %lt3A_48 = vector.broadcast %lt3A : i32 to vector<16xi32>
    %lt3A_49 = arith.cmpi slt, %rem3A_44, %lt3A_48 : vector<16xi32>
    %lt3A_50 = arith.constant 0 : i32
    %lt3A_51 = arith.cmpi slt, %select_n3A_42, %lt3A_50 : i32
    %ne3A_52 = vector.broadcast %lt3A_51 : i1 to vector<16xi1>
    %ne3A_53 = vector.broadcast %ne3A_52 : vector<16xi1> to vector<16xi1>
    %ne3A_54 = arith.xori %lt3A_49, %ne3A_53 : vector<16xi1>
    %and3A_55 = arith.andi %ne3A_54, %ne3A_47 : vector<16xi1>
    %add3A_56 = vector.broadcast %select_n3A_42 : i32 to vector<16xi32>
    %add3A_57 = arith.addi %rem3A_44, %add3A_56 : vector<16xi32>
    %select_n3A_58 = arith.select %and3A_55, %add3A_57, %rem3A_44 : vector<16xi1>, vector<16xi32>
    %add3A_59 = arith.addi %add3A_35, %select_n3A_58 : vector<16xi32>
    %add3A_60 = arith.constant 16 : i32
    %add3A_61 = vector.broadcast %add3A_60 : i32 to vector<16xi32>
    %add3A_62 = arith.addi %add3A_61, %iota3A : vector<16xi32>
    %jit3A_63 = arith.constant 8 : i32
    %div3A_64 = vector.broadcast %jit3A_63 : i32 to vector<16xi32>
    %div3A_65 = arith.divsi %add3A_62, %div3A_64 : vector<16xi32>
    %sign3A_66 = arith.constant 0 : i32
    %sign3A_67 = vector.broadcast %sign3A_66 : i32 to vector<16xi32>
    %sign3A_68 = arith.cmpi sgt, %add3A_62, %sign3A_67 : vector<16xi32>
    %sign3A_69 = arith.extui %sign3A_68 : vector<16xi1> to vector<16xi32>
    %sign3A_70 = arith.constant 0 : i32
    %sign3A_71 = vector.broadcast %sign3A_70 : i32 to vector<16xi32>
    %sign3A_72 = arith.cmpi slt, %add3A_62, %sign3A_71 : vector<16xi32>
    %sign3A_73 = arith.extui %sign3A_72 : vector<16xi1> to vector<16xi32>
    %sign3A_74 = arith.subi %sign3A_69, %sign3A_73 : vector<16xi32>
    %sign3A_75 = arith.constant 0 : i32
    %sign3A_76 = arith.cmpi sgt, %jit3A_63, %sign3A_75 : i32
    %sign3A_77 = arith.extui %sign3A_76 : i1 to i32
    %sign3A_78 = arith.constant 0 : i32
    %sign3A_79 = arith.cmpi slt, %jit3A_63, %sign3A_78 : i32
    %sign3A_80 = arith.extui %sign3A_79 : i1 to i32
    %sign3A_81 = arith.subi %sign3A_77, %sign3A_80 : i32
    %ne3A_82 = vector.broadcast %sign3A_81 : i32 to vector<16xi32>
    %ne3A_83 = arith.cmpi ne, %sign3A_74, %ne3A_82 : vector<16xi32>
    %rem3A_84 = vector.broadcast %jit3A_63 : i32 to vector<16xi32>
    %rem3A_85 = arith.remsi %add3A_62, %rem3A_84 : vector<16xi32>
    %ne3A_86 = arith.constant 0 : i32
    %ne3A_87 = vector.broadcast %ne3A_86 : i32 to vector<16xi32>
    %ne3A_88 = arith.cmpi ne, %rem3A_85, %ne3A_87 : vector<16xi32>
    %and3A_89 = arith.andi %ne3A_83, %ne3A_88 : vector<16xi1>
    %sub3A_90 = arith.constant 1 : i32
    %sub3A_91 = vector.broadcast %sub3A_90 : i32 to vector<16xi32>
    %sub3A_92 = arith.subi %div3A_65, %sub3A_91 : vector<16xi32>
    %select_n3A_93 = arith.select %and3A_89, %sub3A_92, %div3A_65 : vector<16xi1>, vector<16xi32>
    %mul3A_94 = arith.constant 32 : i32
    %mul3A_95 = vector.broadcast %mul3A_94 : i32 to vector<16xi32>
    %mul3A_96 = arith.muli %select_n3A_93, %mul3A_95 : vector<16xi32>
    %add3A_97 = arith.constant 0 : i32
    %add3A_98 = vector.broadcast %add3A_97 : i32 to vector<16xi32>
    %add3A_99 = arith.addi %mul3A_96, %add3A_98 : vector<16xi32>
    %add3A_100 = arith.constant 16 : i32
    %add3A_101 = vector.broadcast %add3A_100 : i32 to vector<16xi32>
    %add3A_102 = arith.addi %add3A_101, %iota3A : vector<16xi32>
    %jit3A_103 = arith.constant 8 : i32
    %eq3A_104 = arith.constant 0 : i32
    %eq3A_105 = arith.cmpi eq, %jit3A_103, %eq3A_104 : i32
    %jit3A_106 = arith.constant 1 : i32
    %select_n3A_107 = arith.select %eq3A_105, %jit3A_106, %jit3A_103 : i32
    %rem3A_108 = vector.broadcast %select_n3A_107 : i32 to vector<16xi32>
    %rem3A_109 = arith.remsi %add3A_102, %rem3A_108 : vector<16xi32>
    %ne3A_110 = arith.constant 0 : i32
    %ne3A_111 = vector.broadcast %ne3A_110 : i32 to vector<16xi32>
    %ne3A_112 = arith.cmpi ne, %rem3A_109, %ne3A_111 : vector<16xi32>
    %lt3A_113 = arith.constant 0 : i32
    %lt3A_114 = vector.broadcast %lt3A_113 : i32 to vector<16xi32>
    %lt3A_115 = arith.cmpi slt, %rem3A_109, %lt3A_114 : vector<16xi32>
    %lt3A_116 = arith.constant 0 : i32
    %lt3A_117 = arith.cmpi slt, %select_n3A_107, %lt3A_116 : i32
    %ne3A_118 = vector.broadcast %lt3A_117 : i1 to vector<16xi1>
    %ne3A_119 = vector.broadcast %ne3A_118 : vector<16xi1> to vector<16xi1>
    %ne3A_120 = arith.xori %lt3A_115, %ne3A_119 : vector<16xi1>
    %and3A_121 = arith.andi %ne3A_120, %ne3A_112 : vector<16xi1>
    %add3A_122 = vector.broadcast %select_n3A_107 : i32 to vector<16xi32>
    %add3A_123 = arith.addi %rem3A_109, %add3A_122 : vector<16xi32>
    %select_n3A_124 = arith.select %and3A_121, %add3A_123, %rem3A_109 : vector<16xi1>, vector<16xi32>
    %add3A_125 = arith.addi %add3A_99, %select_n3A_124 : vector<16xi32>
    %add3A_126 = arith.constant 0 : i32
    %add3A_127 = vector.broadcast %add3A_126 : i32 to vector<16xi32>
    %add3A_128 = arith.addi %add3A_127, %iota3A : vector<16xi32>
    %jit3A_129 = arith.constant 8 : i32
    %div3A_130 = vector.broadcast %jit3A_129 : i32 to vector<16xi32>
    %div3A_131 = arith.divsi %add3A_128, %div3A_130 : vector<16xi32>
    %sign3A_132 = arith.constant 0 : i32
    %sign3A_133 = vector.broadcast %sign3A_132 : i32 to vector<16xi32>
    %sign3A_134 = arith.cmpi sgt, %add3A_128, %sign3A_133 : vector<16xi32>
    %sign3A_135 = arith.extui %sign3A_134 : vector<16xi1> to vector<16xi32>
    %sign3A_136 = arith.constant 0 : i32
    %sign3A_137 = vector.broadcast %sign3A_136 : i32 to vector<16xi32>
    %sign3A_138 = arith.cmpi slt, %add3A_128, %sign3A_137 : vector<16xi32>
    %sign3A_139 = arith.extui %sign3A_138 : vector<16xi1> to vector<16xi32>
    %sign3A_140 = arith.subi %sign3A_135, %sign3A_139 : vector<16xi32>
    %sign3A_141 = arith.constant 0 : i32
    %sign3A_142 = arith.cmpi sgt, %jit3A_129, %sign3A_141 : i32
    %sign3A_143 = arith.extui %sign3A_142 : i1 to i32
    %sign3A_144 = arith.constant 0 : i32
    %sign3A_145 = arith.cmpi slt, %jit3A_129, %sign3A_144 : i32
    %sign3A_146 = arith.extui %sign3A_145 : i1 to i32
    %sign3A_147 = arith.subi %sign3A_143, %sign3A_146 : i32
    %ne3A_148 = vector.broadcast %sign3A_147 : i32 to vector<16xi32>
    %ne3A_149 = arith.cmpi ne, %sign3A_140, %ne3A_148 : vector<16xi32>
    %rem3A_150 = vector.broadcast %jit3A_129 : i32 to vector<16xi32>
    %rem3A_151 = arith.remsi %add3A_128, %rem3A_150 : vector<16xi32>
    %ne3A_152 = arith.constant 0 : i32
    %ne3A_153 = vector.broadcast %ne3A_152 : i32 to vector<16xi32>
    %ne3A_154 = arith.cmpi ne, %rem3A_151, %ne3A_153 : vector<16xi32>
    %and3A_155 = arith.andi %ne3A_149, %ne3A_154 : vector<16xi1>
    %sub3A_156 = arith.constant 1 : i32
    %sub3A_157 = vector.broadcast %sub3A_156 : i32 to vector<16xi32>
    %sub3A_158 = arith.subi %div3A_131, %sub3A_157 : vector<16xi32>
    %select_n3A_159 = arith.select %and3A_155, %sub3A_158, %div3A_131 : vector<16xi1>, vector<16xi32>
    %mul3A_160 = arith.constant 32 : i32
    %mul3A_161 = vector.broadcast %mul3A_160 : i32 to vector<16xi32>
    %mul3A_162 = arith.muli %select_n3A_159, %mul3A_161 : vector<16xi32>
    %add3A_163 = arith.constant 8 : i32
    %add3A_164 = vector.broadcast %add3A_163 : i32 to vector<16xi32>
    %add3A_165 = arith.addi %mul3A_162, %add3A_164 : vector<16xi32>
    %add3A_166 = arith.constant 0 : i32
    %add3A_167 = vector.broadcast %add3A_166 : i32 to vector<16xi32>
    %add3A_168 = arith.addi %add3A_167, %iota3A : vector<16xi32>
    %jit3A_169 = arith.constant 8 : i32
    %eq3A_170 = arith.constant 0 : i32
    %eq3A_171 = arith.cmpi eq, %jit3A_169, %eq3A_170 : i32
    %jit3A_172 = arith.constant 1 : i32
    %select_n3A_173 = arith.select %eq3A_171, %jit3A_172, %jit3A_169 : i32
    %rem3A_174 = vector.broadcast %select_n3A_173 : i32 to vector<16xi32>
    %rem3A_175 = arith.remsi %add3A_168, %rem3A_174 : vector<16xi32>
    %ne3A_176 = arith.constant 0 : i32
    %ne3A_177 = vector.broadcast %ne3A_176 : i32 to vector<16xi32>
    %ne3A_178 = arith.cmpi ne, %rem3A_175, %ne3A_177 : vector<16xi32>
    %lt3A_179 = arith.constant 0 : i32
    %lt3A_180 = vector.broadcast %lt3A_179 : i32 to vector<16xi32>
    %lt3A_181 = arith.cmpi slt, %rem3A_175, %lt3A_180 : vector<16xi32>
    %lt3A_182 = arith.constant 0 : i32
    %lt3A_183 = arith.cmpi slt, %select_n3A_173, %lt3A_182 : i32
    %ne3A_184 = vector.broadcast %lt3A_183 : i1 to vector<16xi1>
    %ne3A_185 = vector.broadcast %ne3A_184 : vector<16xi1> to vector<16xi1>
    %ne3A_186 = arith.xori %lt3A_181, %ne3A_185 : vector<16xi1>
    %and3A_187 = arith.andi %ne3A_186, %ne3A_178 : vector<16xi1>
    %add3A_188 = vector.broadcast %select_n3A_173 : i32 to vector<16xi32>
    %add3A_189 = arith.addi %rem3A_175, %add3A_188 : vector<16xi32>
    %select_n3A_190 = arith.select %and3A_187, %add3A_189, %rem3A_175 : vector<16xi1>, vector<16xi32>
    %add3A_191 = arith.addi %add3A_165, %select_n3A_190 : vector<16xi32>
    %add3A_192 = arith.constant 16 : i32
    %add3A_193 = vector.broadcast %add3A_192 : i32 to vector<16xi32>
    %add3A_194 = arith.addi %add3A_193, %iota3A : vector<16xi32>
    %jit3A_195 = arith.constant 8 : i32
    %div3A_196 = vector.broadcast %jit3A_195 : i32 to vector<16xi32>
    %div3A_197 = arith.divsi %add3A_194, %div3A_196 : vector<16xi32>
    %sign3A_198 = arith.constant 0 : i32
    %sign3A_199 = vector.broadcast %sign3A_198 : i32 to vector<16xi32>
    %sign3A_200 = arith.cmpi sgt, %add3A_194, %sign3A_199 : vector<16xi32>
    %sign3A_201 = arith.extui %sign3A_200 : vector<16xi1> to vector<16xi32>
    %sign3A_202 = arith.constant 0 : i32
    %sign3A_203 = vector.broadcast %sign3A_202 : i32 to vector<16xi32>
    %sign3A_204 = arith.cmpi slt, %add3A_194, %sign3A_203 : vector<16xi32>
    %sign3A_205 = arith.extui %sign3A_204 : vector<16xi1> to vector<16xi32>
    %sign3A_206 = arith.subi %sign3A_201, %sign3A_205 : vector<16xi32>
    %sign3A_207 = arith.constant 0 : i32
    %sign3A_208 = arith.cmpi sgt, %jit3A_195, %sign3A_207 : i32
    %sign3A_209 = arith.extui %sign3A_208 : i1 to i32
    %sign3A_210 = arith.constant 0 : i32
    %sign3A_211 = arith.cmpi slt, %jit3A_195, %sign3A_210 : i32
    %sign3A_212 = arith.extui %sign3A_211 : i1 to i32
    %sign3A_213 = arith.subi %sign3A_209, %sign3A_212 : i32
    %ne3A_214 = vector.broadcast %sign3A_213 : i32 to vector<16xi32>
    %ne3A_215 = arith.cmpi ne, %sign3A_206, %ne3A_214 : vector<16xi32>
    %rem3A_216 = vector.broadcast %jit3A_195 : i32 to vector<16xi32>
    %rem3A_217 = arith.remsi %add3A_194, %rem3A_216 : vector<16xi32>
    %ne3A_218 = arith.constant 0 : i32
    %ne3A_219 = vector.broadcast %ne3A_218 : i32 to vector<16xi32>
    %ne3A_220 = arith.cmpi ne, %rem3A_217, %ne3A_219 : vector<16xi32>
    %and3A_221 = arith.andi %ne3A_215, %ne3A_220 : vector<16xi1>
    %sub3A_222 = arith.constant 1 : i32
    %sub3A_223 = vector.broadcast %sub3A_222 : i32 to vector<16xi32>
    %sub3A_224 = arith.subi %div3A_197, %sub3A_223 : vector<16xi32>
    %select_n3A_225 = arith.select %and3A_221, %sub3A_224, %div3A_197 : vector<16xi1>, vector<16xi32>
    %mul3A_226 = arith.constant 32 : i32
    %mul3A_227 = vector.broadcast %mul3A_226 : i32 to vector<16xi32>
    %mul3A_228 = arith.muli %select_n3A_225, %mul3A_227 : vector<16xi32>
    %add3A_229 = arith.constant 8 : i32
    %add3A_230 = vector.broadcast %add3A_229 : i32 to vector<16xi32>
    %add3A_231 = arith.addi %mul3A_228, %add3A_230 : vector<16xi32>
    %add3A_232 = arith.constant 16 : i32
    %add3A_233 = vector.broadcast %add3A_232 : i32 to vector<16xi32>
    %add3A_234 = arith.addi %add3A_233, %iota3A : vector<16xi32>
    %jit3A_235 = arith.constant 8 : i32
    %eq3A_236 = arith.constant 0 : i32
    %eq3A_237 = arith.cmpi eq, %jit3A_235, %eq3A_236 : i32
    %jit3A_238 = arith.constant 1 : i32
    %select_n3A_239 = arith.select %eq3A_237, %jit3A_238, %jit3A_235 : i32
    %rem3A_240 = vector.broadcast %select_n3A_239 : i32 to vector<16xi32>
    %rem3A_241 = arith.remsi %add3A_234, %rem3A_240 : vector<16xi32>
    %ne3A_242 = arith.constant 0 : i32
    %ne3A_243 = vector.broadcast %ne3A_242 : i32 to vector<16xi32>
    %ne3A_244 = arith.cmpi ne, %rem3A_241, %ne3A_243 : vector<16xi32>
    %lt3A_245 = arith.constant 0 : i32
    %lt3A_246 = vector.broadcast %lt3A_245 : i32 to vector<16xi32>
    %lt3A_247 = arith.cmpi slt, %rem3A_241, %lt3A_246 : vector<16xi32>
    %lt3A_248 = arith.constant 0 : i32
    %lt3A_249 = arith.cmpi slt, %select_n3A_239, %lt3A_248 : i32
    %ne3A_250 = vector.broadcast %lt3A_249 : i1 to vector<16xi1>
    %ne3A_251 = vector.broadcast %ne3A_250 : vector<16xi1> to vector<16xi1>
    %ne3A_252 = arith.xori %lt3A_247, %ne3A_251 : vector<16xi1>
    %and3A_253 = arith.andi %ne3A_252, %ne3A_244 : vector<16xi1>
    %add3A_254 = vector.broadcast %select_n3A_239 : i32 to vector<16xi32>
    %add3A_255 = arith.addi %rem3A_241, %add3A_254 : vector<16xi32>
    %select_n3A_256 = arith.select %and3A_253, %add3A_255, %rem3A_241 : vector<16xi1>, vector<16xi32>
    %add3A_257 = arith.addi %add3A_231, %select_n3A_256 : vector<16xi32>
    %add3A_258 = arith.constant 0 : i32
    %add3A_259 = vector.broadcast %add3A_258 : i32 to vector<16xi32>
    %add3A_260 = arith.addi %add3A_259, %iota3A : vector<16xi32>
    %jit3A_261 = arith.constant 8 : i32
    %div3A_262 = vector.broadcast %jit3A_261 : i32 to vector<16xi32>
    %div3A_263 = arith.divsi %add3A_260, %div3A_262 : vector<16xi32>
    %sign3A_264 = arith.constant 0 : i32
    %sign3A_265 = vector.broadcast %sign3A_264 : i32 to vector<16xi32>
    %sign3A_266 = arith.cmpi sgt, %add3A_260, %sign3A_265 : vector<16xi32>
    %sign3A_267 = arith.extui %sign3A_266 : vector<16xi1> to vector<16xi32>
    %sign3A_268 = arith.constant 0 : i32
    %sign3A_269 = vector.broadcast %sign3A_268 : i32 to vector<16xi32>
    %sign3A_270 = arith.cmpi slt, %add3A_260, %sign3A_269 : vector<16xi32>
    %sign3A_271 = arith.extui %sign3A_270 : vector<16xi1> to vector<16xi32>
    %sign3A_272 = arith.subi %sign3A_267, %sign3A_271 : vector<16xi32>
    %sign3A_273 = arith.constant 0 : i32
    %sign3A_274 = arith.cmpi sgt, %jit3A_261, %sign3A_273 : i32
    %sign3A_275 = arith.extui %sign3A_274 : i1 to i32
    %sign3A_276 = arith.constant 0 : i32
    %sign3A_277 = arith.cmpi slt, %jit3A_261, %sign3A_276 : i32
    %sign3A_278 = arith.extui %sign3A_277 : i1 to i32
    %sign3A_279 = arith.subi %sign3A_275, %sign3A_278 : i32
    %ne3A_280 = vector.broadcast %sign3A_279 : i32 to vector<16xi32>
    %ne3A_281 = arith.cmpi ne, %sign3A_272, %ne3A_280 : vector<16xi32>
    %rem3A_282 = vector.broadcast %jit3A_261 : i32 to vector<16xi32>
    %rem3A_283 = arith.remsi %add3A_260, %rem3A_282 : vector<16xi32>
    %ne3A_284 = arith.constant 0 : i32
    %ne3A_285 = vector.broadcast %ne3A_284 : i32 to vector<16xi32>
    %ne3A_286 = arith.cmpi ne, %rem3A_283, %ne3A_285 : vector<16xi32>
    %and3A_287 = arith.andi %ne3A_281, %ne3A_286 : vector<16xi1>
    %sub3A_288 = arith.constant 1 : i32
    %sub3A_289 = vector.broadcast %sub3A_288 : i32 to vector<16xi32>
    %sub3A_290 = arith.subi %div3A_263, %sub3A_289 : vector<16xi32>
    %select_n3A_291 = arith.select %and3A_287, %sub3A_290, %div3A_263 : vector<16xi1>, vector<16xi32>
    %mul3A_292 = arith.constant 32 : i32
    %mul3A_293 = vector.broadcast %mul3A_292 : i32 to vector<16xi32>
    %mul3A_294 = arith.muli %select_n3A_291, %mul3A_293 : vector<16xi32>
    %add3A_295 = arith.constant 16 : i32
    %add3A_296 = vector.broadcast %add3A_295 : i32 to vector<16xi32>
    %add3A_297 = arith.addi %mul3A_294, %add3A_296 : vector<16xi32>
    %add3A_298 = arith.constant 0 : i32
    %add3A_299 = vector.broadcast %add3A_298 : i32 to vector<16xi32>
    %add3A_300 = arith.addi %add3A_299, %iota3A : vector<16xi32>
    %jit3A_301 = arith.constant 8 : i32
    %eq3A_302 = arith.constant 0 : i32
    %eq3A_303 = arith.cmpi eq, %jit3A_301, %eq3A_302 : i32
    %jit3A_304 = arith.constant 1 : i32
    %select_n3A_305 = arith.select %eq3A_303, %jit3A_304, %jit3A_301 : i32
    %rem3A_306 = vector.broadcast %select_n3A_305 : i32 to vector<16xi32>
    %rem3A_307 = arith.remsi %add3A_300, %rem3A_306 : vector<16xi32>
    %ne3A_308 = arith.constant 0 : i32
    %ne3A_309 = vector.broadcast %ne3A_308 : i32 to vector<16xi32>
    %ne3A_310 = arith.cmpi ne, %rem3A_307, %ne3A_309 : vector<16xi32>
    %lt3A_311 = arith.constant 0 : i32
    %lt3A_312 = vector.broadcast %lt3A_311 : i32 to vector<16xi32>
    %lt3A_313 = arith.cmpi slt, %rem3A_307, %lt3A_312 : vector<16xi32>
    %lt3A_314 = arith.constant 0 : i32
    %lt3A_315 = arith.cmpi slt, %select_n3A_305, %lt3A_314 : i32
    %ne3A_316 = vector.broadcast %lt3A_315 : i1 to vector<16xi1>
    %ne3A_317 = vector.broadcast %ne3A_316 : vector<16xi1> to vector<16xi1>
    %ne3A_318 = arith.xori %lt3A_313, %ne3A_317 : vector<16xi1>
    %and3A_319 = arith.andi %ne3A_318, %ne3A_310 : vector<16xi1>
    %add3A_320 = vector.broadcast %select_n3A_305 : i32 to vector<16xi32>
    %add3A_321 = arith.addi %rem3A_307, %add3A_320 : vector<16xi32>
    %select_n3A_322 = arith.select %and3A_319, %add3A_321, %rem3A_307 : vector<16xi1>, vector<16xi32>
    %add3A_323 = arith.addi %add3A_297, %select_n3A_322 : vector<16xi32>
    %add3A_324 = arith.constant 16 : i32
    %add3A_325 = vector.broadcast %add3A_324 : i32 to vector<16xi32>
    %add3A_326 = arith.addi %add3A_325, %iota3A : vector<16xi32>
    %jit3A_327 = arith.constant 8 : i32
    %div3A_328 = vector.broadcast %jit3A_327 : i32 to vector<16xi32>
    %div3A_329 = arith.divsi %add3A_326, %div3A_328 : vector<16xi32>
    %sign3A_330 = arith.constant 0 : i32
    %sign3A_331 = vector.broadcast %sign3A_330 : i32 to vector<16xi32>
    %sign3A_332 = arith.cmpi sgt, %add3A_326, %sign3A_331 : vector<16xi32>
    %sign3A_333 = arith.extui %sign3A_332 : vector<16xi1> to vector<16xi32>
    %sign3A_334 = arith.constant 0 : i32
    %sign3A_335 = vector.broadcast %sign3A_334 : i32 to vector<16xi32>
    %sign3A_336 = arith.cmpi slt, %add3A_326, %sign3A_335 : vector<16xi32>
    %sign3A_337 = arith.extui %sign3A_336 : vector<16xi1> to vector<16xi32>
    %sign3A_338 = arith.subi %sign3A_333, %sign3A_337 : vector<16xi32>
    %sign3A_339 = arith.constant 0 : i32
    %sign3A_340 = arith.cmpi sgt, %jit3A_327, %sign3A_339 : i32
    %sign3A_341 = arith.extui %sign3A_340 : i1 to i32
    %sign3A_342 = arith.constant 0 : i32
    %sign3A_343 = arith.cmpi slt, %jit3A_327, %sign3A_342 : i32
    %sign3A_344 = arith.extui %sign3A_343 : i1 to i32
    %sign3A_345 = arith.subi %sign3A_341, %sign3A_344 : i32
    %ne3A_346 = vector.broadcast %sign3A_345 : i32 to vector<16xi32>
    %ne3A_347 = arith.cmpi ne, %sign3A_338, %ne3A_346 : vector<16xi32>
    %rem3A_348 = vector.broadcast %jit3A_327 : i32 to vector<16xi32>
    %rem3A_349 = arith.remsi %add3A_326, %rem3A_348 : vector<16xi32>
    %ne3A_350 = arith.constant 0 : i32
    %ne3A_351 = vector.broadcast %ne3A_350 : i32 to vector<16xi32>
    %ne3A_352 = arith.cmpi ne, %rem3A_349, %ne3A_351 : vector<16xi32>
    %and3A_353 = arith.andi %ne3A_347, %ne3A_352 : vector<16xi1>
    %sub3A_354 = arith.constant 1 : i32
    %sub3A_355 = vector.broadcast %sub3A_354 : i32 to vector<16xi32>
    %sub3A_356 = arith.subi %div3A_329, %sub3A_355 : vector<16xi32>
    %select_n3A_357 = arith.select %and3A_353, %sub3A_356, %div3A_329 : vector<16xi1>, vector<16xi32>
    %mul3A_358 = arith.constant 32 : i32
    %mul3A_359 = vector.broadcast %mul3A_358 : i32 to vector<16xi32>
    %mul3A_360 = arith.muli %select_n3A_357, %mul3A_359 : vector<16xi32>
    %add3A_361 = arith.constant 16 : i32
    %add3A_362 = vector.broadcast %add3A_361 : i32 to vector<16xi32>
    %add3A_363 = arith.addi %mul3A_360, %add3A_362 : vector<16xi32>
    %add3A_364 = arith.constant 16 : i32
    %add3A_365 = vector.broadcast %add3A_364 : i32 to vector<16xi32>
    %add3A_366 = arith.addi %add3A_365, %iota3A : vector<16xi32>
    %jit3A_367 = arith.constant 8 : i32
    %eq3A_368 = arith.constant 0 : i32
    %eq3A_369 = arith.cmpi eq, %jit3A_367, %eq3A_368 : i32
    %jit3A_370 = arith.constant 1 : i32
    %select_n3A_371 = arith.select %eq3A_369, %jit3A_370, %jit3A_367 : i32
    %rem3A_372 = vector.broadcast %select_n3A_371 : i32 to vector<16xi32>
    %rem3A_373 = arith.remsi %add3A_366, %rem3A_372 : vector<16xi32>
    %ne3A_374 = arith.constant 0 : i32
    %ne3A_375 = vector.broadcast %ne3A_374 : i32 to vector<16xi32>
    %ne3A_376 = arith.cmpi ne, %rem3A_373, %ne3A_375 : vector<16xi32>
    %lt3A_377 = arith.constant 0 : i32
    %lt3A_378 = vector.broadcast %lt3A_377 : i32 to vector<16xi32>
    %lt3A_379 = arith.cmpi slt, %rem3A_373, %lt3A_378 : vector<16xi32>
    %lt3A_380 = arith.constant 0 : i32
    %lt3A_381 = arith.cmpi slt, %select_n3A_371, %lt3A_380 : i32
    %ne3A_382 = vector.broadcast %lt3A_381 : i1 to vector<16xi1>
    %ne3A_383 = vector.broadcast %ne3A_382 : vector<16xi1> to vector<16xi1>
    %ne3A_384 = arith.xori %lt3A_379, %ne3A_383 : vector<16xi1>
    %and3A_385 = arith.andi %ne3A_384, %ne3A_376 : vector<16xi1>
    %add3A_386 = vector.broadcast %select_n3A_371 : i32 to vector<16xi32>
    %add3A_387 = arith.addi %rem3A_373, %add3A_386 : vector<16xi32>
    %select_n3A_388 = arith.select %and3A_385, %add3A_387, %rem3A_373 : vector<16xi1>, vector<16xi32>
    %add3A_389 = arith.addi %add3A_363, %select_n3A_388 : vector<16xi32>
    %add3A_390 = arith.constant 0 : i32
    %add3A_391 = vector.broadcast %add3A_390 : i32 to vector<16xi32>
    %add3A_392 = arith.addi %add3A_391, %iota3A : vector<16xi32>
    %jit3A_393 = arith.constant 8 : i32
    %div3A_394 = vector.broadcast %jit3A_393 : i32 to vector<16xi32>
    %div3A_395 = arith.divsi %add3A_392, %div3A_394 : vector<16xi32>
    %sign3A_396 = arith.constant 0 : i32
    %sign3A_397 = vector.broadcast %sign3A_396 : i32 to vector<16xi32>
    %sign3A_398 = arith.cmpi sgt, %add3A_392, %sign3A_397 : vector<16xi32>
    %sign3A_399 = arith.extui %sign3A_398 : vector<16xi1> to vector<16xi32>
    %sign3A_400 = arith.constant 0 : i32
    %sign3A_401 = vector.broadcast %sign3A_400 : i32 to vector<16xi32>
    %sign3A_402 = arith.cmpi slt, %add3A_392, %sign3A_401 : vector<16xi32>
    %sign3A_403 = arith.extui %sign3A_402 : vector<16xi1> to vector<16xi32>
    %sign3A_404 = arith.subi %sign3A_399, %sign3A_403 : vector<16xi32>
    %sign3A_405 = arith.constant 0 : i32
    %sign3A_406 = arith.cmpi sgt, %jit3A_393, %sign3A_405 : i32
    %sign3A_407 = arith.extui %sign3A_406 : i1 to i32
    %sign3A_408 = arith.constant 0 : i32
    %sign3A_409 = arith.cmpi slt, %jit3A_393, %sign3A_408 : i32
    %sign3A_410 = arith.extui %sign3A_409 : i1 to i32
    %sign3A_411 = arith.subi %sign3A_407, %sign3A_410 : i32
    %ne3A_412 = vector.broadcast %sign3A_411 : i32 to vector<16xi32>
    %ne3A_413 = arith.cmpi ne, %sign3A_404, %ne3A_412 : vector<16xi32>
    %rem3A_414 = vector.broadcast %jit3A_393 : i32 to vector<16xi32>
    %rem3A_415 = arith.remsi %add3A_392, %rem3A_414 : vector<16xi32>
    %ne3A_416 = arith.constant 0 : i32
    %ne3A_417 = vector.broadcast %ne3A_416 : i32 to vector<16xi32>
    %ne3A_418 = arith.cmpi ne, %rem3A_415, %ne3A_417 : vector<16xi32>
    %and3A_419 = arith.andi %ne3A_413, %ne3A_418 : vector<16xi1>
    %sub3A_420 = arith.constant 1 : i32
    %sub3A_421 = vector.broadcast %sub3A_420 : i32 to vector<16xi32>
    %sub3A_422 = arith.subi %div3A_395, %sub3A_421 : vector<16xi32>
    %select_n3A_423 = arith.select %and3A_419, %sub3A_422, %div3A_395 : vector<16xi1>, vector<16xi32>
    %mul3A_424 = arith.constant 32 : i32
    %mul3A_425 = vector.broadcast %mul3A_424 : i32 to vector<16xi32>
    %mul3A_426 = arith.muli %select_n3A_423, %mul3A_425 : vector<16xi32>
    %add3A_427 = arith.constant 24 : i32
    %add3A_428 = vector.broadcast %add3A_427 : i32 to vector<16xi32>
    %add3A_429 = arith.addi %mul3A_426, %add3A_428 : vector<16xi32>
    %add3A_430 = arith.constant 0 : i32
    %add3A_431 = vector.broadcast %add3A_430 : i32 to vector<16xi32>
    %add3A_432 = arith.addi %add3A_431, %iota3A : vector<16xi32>
    %jit3A_433 = arith.constant 8 : i32
    %eq3A_434 = arith.constant 0 : i32
    %eq3A_435 = arith.cmpi eq, %jit3A_433, %eq3A_434 : i32
    %jit3A_436 = arith.constant 1 : i32
    %select_n3A_437 = arith.select %eq3A_435, %jit3A_436, %jit3A_433 : i32
    %rem3A_438 = vector.broadcast %select_n3A_437 : i32 to vector<16xi32>
    %rem3A_439 = arith.remsi %add3A_432, %rem3A_438 : vector<16xi32>
    %ne3A_440 = arith.constant 0 : i32
    %ne3A_441 = vector.broadcast %ne3A_440 : i32 to vector<16xi32>
    %ne3A_442 = arith.cmpi ne, %rem3A_439, %ne3A_441 : vector<16xi32>
    %lt3A_443 = arith.constant 0 : i32
    %lt3A_444 = vector.broadcast %lt3A_443 : i32 to vector<16xi32>
    %lt3A_445 = arith.cmpi slt, %rem3A_439, %lt3A_444 : vector<16xi32>
    %lt3A_446 = arith.constant 0 : i32
    %lt3A_447 = arith.cmpi slt, %select_n3A_437, %lt3A_446 : i32
    %ne3A_448 = vector.broadcast %lt3A_447 : i1 to vector<16xi1>
    %ne3A_449 = vector.broadcast %ne3A_448 : vector<16xi1> to vector<16xi1>
    %ne3A_450 = arith.xori %lt3A_445, %ne3A_449 : vector<16xi1>
    %and3A_451 = arith.andi %ne3A_450, %ne3A_442 : vector<16xi1>
    %add3A_452 = vector.broadcast %select_n3A_437 : i32 to vector<16xi32>
    %add3A_453 = arith.addi %rem3A_439, %add3A_452 : vector<16xi32>
    %select_n3A_454 = arith.select %and3A_451, %add3A_453, %rem3A_439 : vector<16xi1>, vector<16xi32>
    %add3A_455 = arith.addi %add3A_429, %select_n3A_454 : vector<16xi32>
    %add3A_456 = arith.constant 16 : i32
    %add3A_457 = vector.broadcast %add3A_456 : i32 to vector<16xi32>
    %add3A_458 = arith.addi %add3A_457, %iota3A : vector<16xi32>
    %jit3A_459 = arith.constant 8 : i32
    %div3A_460 = vector.broadcast %jit3A_459 : i32 to vector<16xi32>
    %div3A_461 = arith.divsi %add3A_458, %div3A_460 : vector<16xi32>
    %sign3A_462 = arith.constant 0 : i32
    %sign3A_463 = vector.broadcast %sign3A_462 : i32 to vector<16xi32>
    %sign3A_464 = arith.cmpi sgt, %add3A_458, %sign3A_463 : vector<16xi32>
    %sign3A_465 = arith.extui %sign3A_464 : vector<16xi1> to vector<16xi32>
    %sign3A_466 = arith.constant 0 : i32
    %sign3A_467 = vector.broadcast %sign3A_466 : i32 to vector<16xi32>
    %sign3A_468 = arith.cmpi slt, %add3A_458, %sign3A_467 : vector<16xi32>
    %sign3A_469 = arith.extui %sign3A_468 : vector<16xi1> to vector<16xi32>
    %sign3A_470 = arith.subi %sign3A_465, %sign3A_469 : vector<16xi32>
    %sign3A_471 = arith.constant 0 : i32
    %sign3A_472 = arith.cmpi sgt, %jit3A_459, %sign3A_471 : i32
    %sign3A_473 = arith.extui %sign3A_472 : i1 to i32
    %sign3A_474 = arith.constant 0 : i32
    %sign3A_475 = arith.cmpi slt, %jit3A_459, %sign3A_474 : i32
    %sign3A_476 = arith.extui %sign3A_475 : i1 to i32
    %sign3A_477 = arith.subi %sign3A_473, %sign3A_476 : i32
    %ne3A_478 = vector.broadcast %sign3A_477 : i32 to vector<16xi32>
    %ne3A_479 = arith.cmpi ne, %sign3A_470, %ne3A_478 : vector<16xi32>
    %rem3A_480 = vector.broadcast %jit3A_459 : i32 to vector<16xi32>
    %rem3A_481 = arith.remsi %add3A_458, %rem3A_480 : vector<16xi32>
    %ne3A_482 = arith.constant 0 : i32
    %ne3A_483 = vector.broadcast %ne3A_482 : i32 to vector<16xi32>
    %ne3A_484 = arith.cmpi ne, %rem3A_481, %ne3A_483 : vector<16xi32>
    %and3A_485 = arith.andi %ne3A_479, %ne3A_484 : vector<16xi1>
    %sub3A_486 = arith.constant 1 : i32
    %sub3A_487 = vector.broadcast %sub3A_486 : i32 to vector<16xi32>
    %sub3A_488 = arith.subi %div3A_461, %sub3A_487 : vector<16xi32>
    %select_n3A_489 = arith.select %and3A_485, %sub3A_488, %div3A_461 : vector<16xi1>, vector<16xi32>
    %mul3A_490 = arith.constant 32 : i32
    %mul3A_491 = vector.broadcast %mul3A_490 : i32 to vector<16xi32>
    %mul3A_492 = arith.muli %select_n3A_489, %mul3A_491 : vector<16xi32>
    %add3A_493 = arith.constant 24 : i32
    %add3A_494 = vector.broadcast %add3A_493 : i32 to vector<16xi32>
    %add3A_495 = arith.addi %mul3A_492, %add3A_494 : vector<16xi32>
    %add3A_496 = arith.constant 16 : i32
    %add3A_497 = vector.broadcast %add3A_496 : i32 to vector<16xi32>
    %add3A_498 = arith.addi %add3A_497, %iota3A : vector<16xi32>
    %jit3A_499 = arith.constant 8 : i32
    %eq3A_500 = arith.constant 0 : i32
    %eq3A_501 = arith.cmpi eq, %jit3A_499, %eq3A_500 : i32
    %jit3A_502 = arith.constant 1 : i32
    %select_n3A_503 = arith.select %eq3A_501, %jit3A_502, %jit3A_499 : i32
    %rem3A_504 = vector.broadcast %select_n3A_503 : i32 to vector<16xi32>
    %rem3A_505 = arith.remsi %add3A_498, %rem3A_504 : vector<16xi32>
    %ne3A_506 = arith.constant 0 : i32
    %ne3A_507 = vector.broadcast %ne3A_506 : i32 to vector<16xi32>
    %ne3A_508 = arith.cmpi ne, %rem3A_505, %ne3A_507 : vector<16xi32>
    %lt3A_509 = arith.constant 0 : i32
    %lt3A_510 = vector.broadcast %lt3A_509 : i32 to vector<16xi32>
    %lt3A_511 = arith.cmpi slt, %rem3A_505, %lt3A_510 : vector<16xi32>
    %lt3A_512 = arith.constant 0 : i32
    %lt3A_513 = arith.cmpi slt, %select_n3A_503, %lt3A_512 : i32
    %ne3A_514 = vector.broadcast %lt3A_513 : i1 to vector<16xi1>
    %ne3A_515 = vector.broadcast %ne3A_514 : vector<16xi1> to vector<16xi1>
    %ne3A_516 = arith.xori %lt3A_511, %ne3A_515 : vector<16xi1>
    %and3A_517 = arith.andi %ne3A_516, %ne3A_508 : vector<16xi1>
    %add3A_518 = vector.broadcast %select_n3A_503 : i32 to vector<16xi32>
    %add3A_519 = arith.addi %rem3A_505, %add3A_518 : vector<16xi32>
    %select_n3A_520 = arith.select %and3A_517, %add3A_519, %rem3A_505 : vector<16xi1>, vector<16xi32>
    %add3A_521 = arith.addi %add3A_495, %select_n3A_520 : vector<16xi32>
    %add3A_522 = arith.constant 0 : i32
    %add3A_523 = arith.addi %add3A_522, %mul3A_2 : i32
    %run_scoped3A = arith.constant 0 : i32
    "tpu.region"() ({
      %run_scoped3A_705 = tpu.sem_alloc : memref<!tpu.dma_semaphore, #tpu.memory_space<semaphore_mem>>
      %dma_start3A_706 = arith.constant 0 : i32
      %dma_start3A_707 = tpu.memref_slice %arg5[%run_scoped3A, %dma_start3A_706] : memref<2x512xi32, #tpu.memory_space<vmem>> -> memref<1x512xi32, #tpu.memory_space<vmem>>
      %dma_start3A_708 = tpu.memref_squeeze %dma_start3A_707 : memref<1x512xi32, #tpu.memory_space<vmem>> -> memref<512xi32, #tpu.memory_space<vmem>>
      %dma_start3A_709 = tpu.memref_slice %arg2[%add3A_523] : memref<3276800xi32, #tpu.memory_space<hbm>> -> memref<512xi32, #tpu.memory_space<hbm>>
      %dma_start3A_710 = arith.constant 0 : i32
      %dma_start3A_711 = tpu.memref_slice %arg5[%run_scoped3A, %dma_start3A_710] : memref<2x512xi32, #tpu.memory_space<vmem>> -> memref<1x512xi32, #tpu.memory_space<vmem>>
      %dma_start3A_712 = tpu.memref_squeeze %dma_start3A_711 : memref<1x512xi32, #tpu.memory_space<vmem>> -> memref<512xi32, #tpu.memory_space<vmem>>
      %dma_start3A_713 = tpu.memref_slice %arg2[%add3A_523] : memref<3276800xi32, #tpu.memory_space<hbm>> -> memref<512xi32, #tpu.memory_space<hbm>>
      tpu.enqueue_dma source(%dma_start3A_713 : memref<512xi32, #tpu.memory_space<hbm>>) target(%dma_start3A_712 : memref<512xi32, #tpu.memory_space<vmem>>) target_semaphore(%run_scoped3A_705 : memref<!tpu.dma_semaphore, #tpu.memory_space<semaphore_mem>>)
      %dma_wait3A_714 = arith.constant 0 : i32
      %dma_wait3A_715 = tpu.memref_slice %arg5[%run_scoped3A, %dma_wait3A_714] : memref<2x512xi32, #tpu.memory_space<vmem>> -> memref<1x512xi32, #tpu.memory_space<vmem>>
      %dma_wait3A_716 = tpu.memref_squeeze %dma_wait3A_715 : memref<1x512xi32, #tpu.memory_space<vmem>> -> memref<512xi32, #tpu.memory_space<vmem>>
      %dma_wait3A_717 = tpu.memref_slice %arg2[%add3A_523] : memref<3276800xi32, #tpu.memory_space<hbm>> -> memref<512xi32, #tpu.memory_space<hbm>>
      %dma_wait3A_718 = arith.constant 0 : i32
      %dma_wait3A_719 = tpu.memref_slice %arg5[%run_scoped3A, %dma_wait3A_718] : memref<2x512xi32, #tpu.memory_space<vmem>> -> memref<1x512xi32, #tpu.memory_space<vmem>>
      %dma_wait3A_720 = tpu.memref_squeeze %dma_wait3A_719 : memref<1x512xi32, #tpu.memory_space<vmem>> -> memref<512xi32, #tpu.memory_space<vmem>>
      %dma_wait3A_721 = tpu.memref_slice %arg2[%add3A_523] : memref<3276800xi32, #tpu.memory_space<hbm>> -> memref<512xi32, #tpu.memory_space<hbm>>
      tpu.wait_dma2 semaphore(%run_scoped3A_705 : memref<!tpu.dma_semaphore, #tpu.memory_space<semaphore_mem>>) src(%dma_wait3A_721 : memref<512xi32, #tpu.memory_space<hbm>>) dst(%dma_wait3A_720 : memref<512xi32, #tpu.memory_space<vmem>>)
      tpu.yield
    }) : () -> ()
    %dma_start3A = arith.constant 0 : i32
    %dma_start3A_524 = arith.constant 0 : i32
    %dma_start3A_525 = arith.constant 0 : i32
    %dma_start3A_526 = arith.constant 0 : i32
    %dma_start3A_527 = tpu.memref_slice %arg6[%dma_start3A_524, %dma_start3A_525, %dma_start3A_526] : memref<2x512x32xf32, #tpu.memory_space<vmem>> -> memref<1x512x32xf32, #tpu.memory_space<vmem>>
    %dma_start3A_528 = tpu.memref_squeeze %dma_start3A_527 : memref<1x512x32xf32, #tpu.memory_space<vmem>> -> memref<512x32xf32, #tpu.memory_space<vmem>>
    %dma_start3A_529 = arith.constant 0 : i32
    %dma_start3A_530 = tpu.memref_slice %arg5[%dma_start3A, %dma_start3A_529] : memref<2x512xi32, #tpu.memory_space<vmem>> -> memref<1x512xi32, #tpu.memory_space<vmem>>
    %dma_start3A_531 = tpu.memref_squeeze %dma_start3A_530 : memref<1x512xi32, #tpu.memory_space<vmem>> -> memref<512xi32, #tpu.memory_space<vmem>>
    %dma_start3A_532 = arith.constant 0 : i32
    %dma_start3A_533 = arith.constant 0 : i32
    %dma_start3A_534 = tpu.memref_slice %arg3[%dma_start3A_532, %dma_start3A_533] : memref<1000000x32xf32, #tpu.memory_space<hbm>> -> memref<1000000x32xf32, #tpu.memory_space<hbm>>
    tpu.enqueue_indirect_dma source(%dma_start3A_534 : memref<1000000x32xf32, #tpu.memory_space<hbm>>) target(%dma_start3A_528 : memref<512x32xf32, #tpu.memory_space<vmem>>) offsets(%dma_start3A_531 : memref<512xi32, #tpu.memory_space<vmem>>) semaphore(%arg8 : memref<!tpu.dma_semaphore, #tpu.memory_space<semaphore_mem>>)
    %add3A_535 = arith.constant 16384 : i32
    %add3A_536 = arith.addi %add3A_535, %mul3A_2 : i32
    %run_scoped3A_537 = arith.constant 1 : i32
    "tpu.region"() ({
      %run_scoped3A_705 = tpu.sem_alloc : memref<!tpu.dma_semaphore, #tpu.memory_space<semaphore_mem>>
      %dma_start3A_706 = arith.constant 0 : i32
      %dma_start3A_707 = tpu.memref_slice %arg5[%run_scoped3A_537, %dma_start3A_706] : memref<2x512xi32, #tpu.memory_space<vmem>> -> memref<1x512xi32, #tpu.memory_space<vmem>>
      %dma_start3A_708 = tpu.memref_squeeze %dma_start3A_707 : memref<1x512xi32, #tpu.memory_space<vmem>> -> memref<512xi32, #tpu.memory_space<vmem>>
      %dma_start3A_709 = tpu.memref_slice %arg2[%add3A_536] : memref<3276800xi32, #tpu.memory_space<hbm>> -> memref<512xi32, #tpu.memory_space<hbm>>
      %dma_start3A_710 = arith.constant 0 : i32
      %dma_start3A_711 = tpu.memref_slice %arg5[%run_scoped3A_537, %dma_start3A_710] : memref<2x512xi32, #tpu.memory_space<vmem>> -> memref<1x512xi32, #tpu.memory_space<vmem>>
      %dma_start3A_712 = tpu.memref_squeeze %dma_start3A_711 : memref<1x512xi32, #tpu.memory_space<vmem>> -> memref<512xi32, #tpu.memory_space<vmem>>
      %dma_start3A_713 = tpu.memref_slice %arg2[%add3A_536] : memref<3276800xi32, #tpu.memory_space<hbm>> -> memref<512xi32, #tpu.memory_space<hbm>>
      tpu.enqueue_dma source(%dma_start3A_713 : memref<512xi32, #tpu.memory_space<hbm>>) target(%dma_start3A_712 : memref<512xi32, #tpu.memory_space<vmem>>) target_semaphore(%run_scoped3A_705 : memref<!tpu.dma_semaphore, #tpu.memory_space<semaphore_mem>>)
      %dma_wait3A_714 = arith.constant 0 : i32
      %dma_wait3A_715 = tpu.memref_slice %arg5[%run_scoped3A_537, %dma_wait3A_714] : memref<2x512xi32, #tpu.memory_space<vmem>> -> memref<1x512xi32, #tpu.memory_space<vmem>>
      %dma_wait3A_716 = tpu.memref_squeeze %dma_wait3A_715 : memref<1x512xi32, #tpu.memory_space<vmem>> -> memref<512xi32, #tpu.memory_space<vmem>>
      %dma_wait3A_717 = tpu.memref_slice %arg2[%add3A_536] : memref<3276800xi32, #tpu.memory_space<hbm>> -> memref<512xi32, #tpu.memory_space<hbm>>
      %dma_wait3A_718 = arith.constant 0 : i32
      %dma_wait3A_719 = tpu.memref_slice %arg5[%run_scoped3A_537, %dma_wait3A_718] : memref<2x512xi32, #tpu.memory_space<vmem>> -> memref<1x512xi32, #tpu.memory_space<vmem>>
      %dma_wait3A_720 = tpu.memref_squeeze %dma_wait3A_719 : memref<1x512xi32, #tpu.memory_space<vmem>> -> memref<512xi32, #tpu.memory_space<vmem>>
      %dma_wait3A_721 = tpu.memref_slice %arg2[%add3A_536] : memref<3276800xi32, #tpu.memory_space<hbm>> -> memref<512xi32, #tpu.memory_space<hbm>>
      tpu.wait_dma2 semaphore(%run_scoped3A_705 : memref<!tpu.dma_semaphore, #tpu.memory_space<semaphore_mem>>) src(%dma_wait3A_721 : memref<512xi32, #tpu.memory_space<hbm>>) dst(%dma_wait3A_720 : memref<512xi32, #tpu.memory_space<vmem>>)
      tpu.yield
    }) : () -> ()
    %dma_start3A_538 = arith.constant 1 : i32
    %dma_start3A_539 = arith.constant 1 : i32
    %dma_start3A_540 = arith.constant 0 : i32
    %dma_start3A_541 = arith.constant 0 : i32
    %dma_start3A_542 = tpu.memref_slice %arg6[%dma_start3A_539, %dma_start3A_540, %dma_start3A_541] : memref<2x512x32xf32, #tpu.memory_space<vmem>> -> memref<1x512x32xf32, #tpu.memory_space<vmem>>
    %dma_start3A_543 = tpu.memref_squeeze %dma_start3A_542 : memref<1x512x32xf32, #tpu.memory_space<vmem>> -> memref<512x32xf32, #tpu.memory_space<vmem>>
    %dma_start3A_544 = arith.constant 0 : i32
    %dma_start3A_545 = tpu.memref_slice %arg5[%dma_start3A_538, %dma_start3A_544] : memref<2x512xi32, #tpu.memory_space<vmem>> -> memref<1x512xi32, #tpu.memory_space<vmem>>
    %dma_start3A_546 = tpu.memref_squeeze %dma_start3A_545 : memref<1x512xi32, #tpu.memory_space<vmem>> -> memref<512xi32, #tpu.memory_space<vmem>>
    %dma_start3A_547 = arith.constant 0 : i32
    %dma_start3A_548 = arith.constant 0 : i32
    %dma_start3A_549 = tpu.memref_slice %arg3[%dma_start3A_547, %dma_start3A_548] : memref<1000000x32xf32, #tpu.memory_space<hbm>> -> memref<1000000x32xf32, #tpu.memory_space<hbm>>
    tpu.enqueue_indirect_dma source(%dma_start3A_549 : memref<1000000x32xf32, #tpu.memory_space<hbm>>) target(%dma_start3A_543 : memref<512x32xf32, #tpu.memory_space<vmem>>) offsets(%dma_start3A_546 : memref<512xi32, #tpu.memory_space<vmem>>) semaphore(%arg9 : memref<!tpu.dma_semaphore, #tpu.memory_space<semaphore_mem>>)
    %scan3A = arith.constant 0 : i32
    %scan3A_550 = arith.constant 100 : i32
    %scan3A_551 = arith.addi %scan3A, %scan3A_550 : i32
    %scan3A_552 = arith.constant 1 : i32
    scf.for %scan3A_705 = %scan3A to %scan3A_551 step %scan3A_552  : i32 {
      %mul3A_706 = arith.constant 1 : i32
      %mul3A_707 = arith.muli %scan3A_705, %mul3A_706 : i32
      %add3A_708 = arith.constant 0 : i32
      %add3A_709 = arith.addi %add3A_708, %mul3A_707 : i32
      %mul3A_710 = arith.constant 2 : i32
      %mul3A_711 = arith.muli %mul3A_710, %add3A_709 : i32
      %add3A_712 = arith.constant 0 : i32
      %add3A_713 = arith.addi %mul3A_711, %add3A_712 : i32
      %dma_wait3A_714 = arith.constant 0 : i32
      %dma_wait3A_715 = arith.constant 0 : i32
      %dma_wait3A_716 = arith.constant 0 : i32
      %dma_wait3A_717 = arith.constant 0 : i32
      %dma_wait3A_718 = tpu.memref_slice %arg6[%dma_wait3A_715, %dma_wait3A_716, %dma_wait3A_717] : memref<2x512x32xf32, #tpu.memory_space<vmem>> -> memref<1x512x32xf32, #tpu.memory_space<vmem>>
      %dma_wait3A_719 = tpu.memref_squeeze %dma_wait3A_718 : memref<1x512x32xf32, #tpu.memory_space<vmem>> -> memref<512x32xf32, #tpu.memory_space<vmem>>
      %dma_wait3A_720 = arith.constant 0 : i32
      %dma_wait3A_721 = tpu.memref_slice %arg5[%dma_wait3A_714, %dma_wait3A_720] : memref<2x512xi32, #tpu.memory_space<vmem>> -> memref<1x512xi32, #tpu.memory_space<vmem>>
      %dma_wait3A_722 = tpu.memref_squeeze %dma_wait3A_721 : memref<1x512xi32, #tpu.memory_space<vmem>> -> memref<512xi32, #tpu.memory_space<vmem>>
      %dma_wait3A_723 = arith.constant 0 : i32
      %dma_wait3A_724 = arith.constant 0 : i32
      %dma_wait3A_725 = tpu.memref_slice %arg3[%dma_wait3A_723, %dma_wait3A_724] : memref<1000000x32xf32, #tpu.memory_space<hbm>> -> memref<1000000x32xf32, #tpu.memory_space<hbm>>
      tpu.wait_indirect_dma semaphore(%arg8 : memref<!tpu.dma_semaphore, #tpu.memory_space<semaphore_mem>>) src(%dma_wait3A_725 : memref<1000000x32xf32, #tpu.memory_space<hbm>>) dst(%dma_wait3A_719 : memref<512x32xf32, #tpu.memory_space<vmem>>)
      %ge3A = arith.constant 2 : i32
      %ge3A_726 = arith.cmpi sge, %add3A_713, %ge3A : i32
      %convert_element_type3A = arith.extui %ge3A_726 : i1 to i32
      %cond3A = arith.constant 0 : i32
      %cond3A_727 = arith.cmpi ne, %convert_element_type3A, %cond3A : i32
      scf.if %cond3A_727 {
        %dma_wait3A_954 = arith.constant 0 : i32
        %dma_wait3A_955 = arith.constant 0 : i32
        %dma_wait3A_956 = arith.constant 0 : i32
        %dma_wait3A_957 = arith.constant 0 : i32
        %dma_wait3A_958 = arith.constant 0 : i32
        %dma_wait3A_959 = tpu.memref_slice %arg7[%dma_wait3A_954, %dma_wait3A_957, %dma_wait3A_958] : memref<2x128x129xf32, #tpu.memory_space<vmem>> -> memref<1x32x128xf32, #tpu.memory_space<vmem>>
        %dma_wait3A_960 = tpu.memref_squeeze %dma_wait3A_959 : memref<1x32x128xf32, #tpu.memory_space<vmem>> -> memref<32x128xf32, #tpu.memory_space<vmem>>
        %dma_wait3A_961 = arith.constant 0 : i32
        %dma_wait3A_962 = arith.constant 0 : i32
        %dma_wait3A_963 = tpu.memref_slice %arg4[%dma_wait3A_955, %dma_wait3A_956, %dma_wait3A_961, %dma_wait3A_962] : memref<200x4x1024x128xf32, #tpu.memory_space<hbm>> -> memref<1x1x32x128xf32, #tpu.memory_space<hbm>>
        %dma_wait3A_964 = tpu.memref_squeeze %dma_wait3A_963 : memref<1x1x32x128xf32, #tpu.memory_space<hbm>> -> memref<32x128xf32, #tpu.memory_space<hbm>>
        %dma_wait3A_965 = arith.constant 0 : i32
        %dma_wait3A_966 = arith.constant 0 : i32
        %dma_wait3A_967 = tpu.memref_slice %arg4[%dma_wait3A_955, %dma_wait3A_956, %dma_wait3A_965, %dma_wait3A_966] : memref<200x4x1024x128xf32, #tpu.memory_space<hbm>> -> memref<1x1x32x128xf32, #tpu.memory_space<hbm>>
        %dma_wait3A_968 = tpu.memref_squeeze %dma_wait3A_967 : memref<1x1x32x128xf32, #tpu.memory_space<hbm>> -> memref<32x128xf32, #tpu.memory_space<hbm>>
        %dma_wait3A_969 = arith.constant 0 : i32
        %dma_wait3A_970 = arith.constant 0 : i32
        %dma_wait3A_971 = tpu.memref_slice %arg7[%dma_wait3A_954, %dma_wait3A_969, %dma_wait3A_970] : memref<2x128x129xf32, #tpu.memory_space<vmem>> -> memref<1x32x128xf32, #tpu.memory_space<vmem>>
        %dma_wait3A_972 = tpu.memref_squeeze %dma_wait3A_971 : memref<1x32x128xf32, #tpu.memory_space<vmem>> -> memref<32x128xf32, #tpu.memory_space<vmem>>
        tpu.wait_dma2 semaphore(%arg10 : memref<!tpu.dma_semaphore, #tpu.memory_space<semaphore_mem>>) src(%dma_wait3A_972 : memref<32x128xf32, #tpu.memory_space<vmem>>) dst(%dma_wait3A_968 : memref<32x128xf32, #tpu.memory_space<hbm>>)
        %dma_wait3A_973 = arith.constant 0 : i32
        %dma_wait3A_974 = arith.constant 0 : i32
        %dma_wait3A_975 = arith.constant 0 : i32
        %dma_wait3A_976 = arith.constant 32 : i32
        %dma_wait3A_977 = arith.constant 0 : i32
        %dma_wait3A_978 = tpu.memref_slice %arg7[%dma_wait3A_973, %dma_wait3A_976, %dma_wait3A_977] : memref<2x128x129xf32, #tpu.memory_space<vmem>> -> memref<1x32x128xf32, #tpu.memory_space<vmem>>
        %dma_wait3A_979 = tpu.memref_squeeze %dma_wait3A_978 : memref<1x32x128xf32, #tpu.memory_space<vmem>> -> memref<32x128xf32, #tpu.memory_space<vmem>>
        %dma_wait3A_980 = arith.constant 0 : i32
        %dma_wait3A_981 = arith.constant 0 : i32
        %dma_wait3A_982 = tpu.memref_slice %arg4[%dma_wait3A_974, %dma_wait3A_975, %dma_wait3A_980, %dma_wait3A_981] : memref<200x4x1024x128xf32, #tpu.memory_space<hbm>> -> memref<1x1x32x128xf32, #tpu.memory_space<hbm>>
        %dma_wait3A_983 = tpu.memref_squeeze %dma_wait3A_982 : memref<1x1x32x128xf32, #tpu.memory_space<hbm>> -> memref<32x128xf32, #tpu.memory_space<hbm>>
        %dma_wait3A_984 = arith.constant 0 : i32
        %dma_wait3A_985 = arith.constant 0 : i32
        %dma_wait3A_986 = tpu.memref_slice %arg4[%dma_wait3A_974, %dma_wait3A_975, %dma_wait3A_984, %dma_wait3A_985] : memref<200x4x1024x128xf32, #tpu.memory_space<hbm>> -> memref<1x1x32x128xf32, #tpu.memory_space<hbm>>
        %dma_wait3A_987 = tpu.memref_squeeze %dma_wait3A_986 : memref<1x1x32x128xf32, #tpu.memory_space<hbm>> -> memref<32x128xf32, #tpu.memory_space<hbm>>
        %dma_wait3A_988 = arith.constant 32 : i32
        %dma_wait3A_989 = arith.constant 0 : i32
        %dma_wait3A_990 = tpu.memref_slice %arg7[%dma_wait3A_973, %dma_wait3A_988, %dma_wait3A_989] : memref<2x128x129xf32, #tpu.memory_space<vmem>> -> memref<1x32x128xf32, #tpu.memory_space<vmem>>
        %dma_wait3A_991 = tpu.memref_squeeze %dma_wait3A_990 : memref<1x32x128xf32, #tpu.memory_space<vmem>> -> memref<32x128xf32, #tpu.memory_space<vmem>>
        tpu.wait_dma2 semaphore(%arg10 : memref<!tpu.dma_semaphore, #tpu.memory_space<semaphore_mem>>) src(%dma_wait3A_991 : memref<32x128xf32, #tpu.memory_space<vmem>>) dst(%dma_wait3A_987 : memref<32x128xf32, #tpu.memory_space<hbm>>)
        %dma_wait3A_992 = arith.constant 0 : i32
        %dma_wait3A_993 = arith.constant 0 : i32
        %dma_wait3A_994 = arith.constant 0 : i32
        %dma_wait3A_995 = arith.constant 64 : i32
        %dma_wait3A_996 = arith.constant 0 : i32
        %dma_wait3A_997 = tpu.memref_slice %arg7[%dma_wait3A_992, %dma_wait3A_995, %dma_wait3A_996] : memref<2x128x129xf32, #tpu.memory_space<vmem>> -> memref<1x32x128xf32, #tpu.memory_space<vmem>>
        %dma_wait3A_998 = tpu.memref_squeeze %dma_wait3A_997 : memref<1x32x128xf32, #tpu.memory_space<vmem>> -> memref<32x128xf32, #tpu.memory_space<vmem>>
        %dma_wait3A_999 = arith.constant 0 : i32
        %dma_wait3A_1000 = arith.constant 0 : i32
        %dma_wait3A_1001 = tpu.memref_slice %arg4[%dma_wait3A_993, %dma_wait3A_994, %dma_wait3A_999, %dma_wait3A_1000] : memref<200x4x1024x128xf32, #tpu.memory_space<hbm>> -> memref<1x1x32x128xf32, #tpu.memory_space<hbm>>
        %dma_wait3A_1002 = tpu.memref_squeeze %dma_wait3A_1001 : memref<1x1x32x128xf32, #tpu.memory_space<hbm>> -> memref<32x128xf32, #tpu.memory_space<hbm>>
        %dma_wait3A_1003 = arith.constant 0 : i32
        %dma_wait3A_1004 = arith.constant 0 : i32
        %dma_wait3A_1005 = tpu.memref_slice %arg4[%dma_wait3A_993, %dma_wait3A_994, %dma_wait3A_1003, %dma_wait3A_1004] : memref<200x4x1024x128xf32, #tpu.memory_space<hbm>> -> memref<1x1x32x128xf32, #tpu.memory_space<hbm>>
        %dma_wait3A_1006 = tpu.memref_squeeze %dma_wait3A_1005 : memref<1x1x32x128xf32, #tpu.memory_space<hbm>> -> memref<32x128xf32, #tpu.memory_space<hbm>>
        %dma_wait3A_1007 = arith.constant 64 : i32
        %dma_wait3A_1008 = arith.constant 0 : i32
        %dma_wait3A_1009 = tpu.memref_slice %arg7[%dma_wait3A_992, %dma_wait3A_1007, %dma_wait3A_1008] : memref<2x128x129xf32, #tpu.memory_space<vmem>> -> memref<1x32x128xf32, #tpu.memory_space<vmem>>
        %dma_wait3A_1010 = tpu.memref_squeeze %dma_wait3A_1009 : memref<1x32x128xf32, #tpu.memory_space<vmem>> -> memref<32x128xf32, #tpu.memory_space<vmem>>
        tpu.wait_dma2 semaphore(%arg10 : memref<!tpu.dma_semaphore, #tpu.memory_space<semaphore_mem>>) src(%dma_wait3A_1010 : memref<32x128xf32, #tpu.memory_space<vmem>>) dst(%dma_wait3A_1006 : memref<32x128xf32, #tpu.memory_space<hbm>>)
        %dma_wait3A_1011 = arith.constant 0 : i32
        %dma_wait3A_1012 = arith.constant 0 : i32
        %dma_wait3A_1013 = arith.constant 0 : i32
        %dma_wait3A_1014 = arith.constant 96 : i32
        %dma_wait3A_1015 = arith.constant 0 : i32
        %dma_wait3A_1016 = tpu.memref_slice %arg7[%dma_wait3A_1011, %dma_wait3A_1014, %dma_wait3A_1015] : memref<2x128x129xf32, #tpu.memory_space<vmem>> -> memref<1x32x128xf32, #tpu.memory_space<vmem>>
        %dma_wait3A_1017 = tpu.memref_squeeze %dma_wait3A_1016 : memref<1x32x128xf32, #tpu.memory_space<vmem>> -> memref<32x128xf32, #tpu.memory_space<vmem>>
        %dma_wait3A_1018 = arith.constant 0 : i32
        %dma_wait3A_1019 = arith.constant 0 : i32
        %dma_wait3A_1020 = tpu.memref_slice %arg4[%dma_wait3A_1012, %dma_wait3A_1013, %dma_wait3A_1018, %dma_wait3A_1019] : memref<200x4x1024x128xf32, #tpu.memory_space<hbm>> -> memref<1x1x32x128xf32, #tpu.memory_space<hbm>>
        %dma_wait3A_1021 = tpu.memref_squeeze %dma_wait3A_1020 : memref<1x1x32x128xf32, #tpu.memory_space<hbm>> -> memref<32x128xf32, #tpu.memory_space<hbm>>
        %dma_wait3A_1022 = arith.constant 0 : i32
        %dma_wait3A_1023 = arith.constant 0 : i32
        %dma_wait3A_1024 = tpu.memref_slice %arg4[%dma_wait3A_1012, %dma_wait3A_1013, %dma_wait3A_1022, %dma_wait3A_1023] : memref<200x4x1024x128xf32, #tpu.memory_space<hbm>> -> memref<1x1x32x128xf32, #tpu.memory_space<hbm>>
        %dma_wait3A_1025 = tpu.memref_squeeze %dma_wait3A_1024 : memref<1x1x32x128xf32, #tpu.memory_space<hbm>> -> memref<32x128xf32, #tpu.memory_space<hbm>>
        %dma_wait3A_1026 = arith.constant 96 : i32
        %dma_wait3A_1027 = arith.constant 0 : i32
        %dma_wait3A_1028 = tpu.memref_slice %arg7[%dma_wait3A_1011, %dma_wait3A_1026, %dma_wait3A_1027] : memref<2x128x129xf32, #tpu.memory_space<vmem>> -> memref<1x32x128xf32, #tpu.memory_space<vmem>>
        %dma_wait3A_1029 = tpu.memref_squeeze %dma_wait3A_1028 : memref<1x32x128xf32, #tpu.memory_space<vmem>> -> memref<32x128xf32, #tpu.memory_space<vmem>>
        tpu.wait_dma2 semaphore(%arg10 : memref<!tpu.dma_semaphore, #tpu.memory_space<semaphore_mem>>) src(%dma_wait3A_1029 : memref<32x128xf32, #tpu.memory_space<vmem>>) dst(%dma_wait3A_1025 : memref<32x128xf32, #tpu.memory_space<hbm>>)
      } else {
      }
      %parallel_loop3A = arith.constant 0 : i32
      %parallel_loop3A_728 = arith.constant 128 : i32
      %parallel_loop3A_729 = arith.constant 1 : i32
      %parallel_loop3A_730 = arith.constant 0 : i32
      scf.for %parallel_loop3A_954 = %parallel_loop3A to %parallel_loop3A_728 step %parallel_loop3A_729  : i32 {
        %parallel_loop3A_955 = arith.constant 1 : i32
        %parallel_loop3A_956 = arith.muli %parallel_loop3A_954, %parallel_loop3A_955 : i32
        %parallel_loop3A_957 = arith.constant 0 : i32
        %parallel_loop3A_958 = arith.addi %parallel_loop3A_956, %parallel_loop3A_957 : i32
        %parallel_loop3A_959 = arith.constant 0 : i32
        %parallel_loop3A_960 = arith.addi %parallel_loop3A_959, %parallel_loop3A_958 : i32
        %parallel_loop3A_961 = vector.broadcast %parallel_loop3A_958 : i32 to vector<16xi32>
        %parallel_loop3A_962 = arith.addi %broadcast_in_dim3A_3, %parallel_loop3A_961 : vector<16xi32>
        %parallel_loop3A_963 = arith.constant 0 : i32
        %parallel_loop3A_964 = arith.index_cast %parallel_loop3A_963 : i32 to index
        %parallel_loop3A_965 = arith.index_cast %parallel_loop3A_960 : i32 to index
        %parallel_loop3A_966 = arith.constant 0 : index
        %parallel_loop3A_967 = tpu.vector_load %arg6[%parallel_loop3A_964, %parallel_loop3A_965, %parallel_loop3A_966] {strides = array<i32>} : memref<2x512x32xf32, #tpu.memory_space<vmem>>, vector<16xf32>,
        %parallel_loop3A_968 = arith.constant 0 : i32
        %parallel_loop3A_969 = arith.constant 0 : i32
        %parallel_loop3A_970 = tpu.memref_slice %arg7[%parallel_loop3A_730, %parallel_loop3A_968, %parallel_loop3A_969] : memref<2x128x129xf32, #tpu.memory_space<vmem>> -> memref<1x128x129xf32, #tpu.memory_space<vmem>>
        %parallel_loop3A_971 = tpu.memref_squeeze %parallel_loop3A_970 : memref<1x128x129xf32, #tpu.memory_space<vmem>> -> memref<128x129xf32, #tpu.memory_space<vmem>>
        tpu.vector_store_idx %parallel_loop3A_971[%add3A_59, %parallel_loop3A_962], %parallel_loop3A_967 : memref<128x129xf32, #tpu.memory_space<vmem>>[vector<16xi32>, vector<16xi32>], vector<16xf32>,
        %parallel_loop3A_972 = arith.constant 0 : i32
        %parallel_loop3A_973 = arith.index_cast %parallel_loop3A_972 : i32 to index
        %parallel_loop3A_974 = arith.index_cast %parallel_loop3A_960 : i32 to index
        %parallel_loop3A_975 = arith.constant 16 : index
        %parallel_loop3A_976 = tpu.vector_load %arg6[%parallel_loop3A_973, %parallel_loop3A_974, %parallel_loop3A_975] {strides = array<i32>} : memref<2x512x32xf32, #tpu.memory_space<vmem>>, vector<16xf32>,
        %parallel_loop3A_977 = arith.constant 0 : i32
        %parallel_loop3A_978 = arith.constant 0 : i32
        %parallel_loop3A_979 = tpu.memref_slice %arg7[%parallel_loop3A_730, %parallel_loop3A_977, %parallel_loop3A_978] : memref<2x128x129xf32, #tpu.memory_space<vmem>> -> memref<1x128x129xf32, #tpu.memory_space<vmem>>
        %parallel_loop3A_980 = tpu.memref_squeeze %parallel_loop3A_979 : memref<1x128x129xf32, #tpu.memory_space<vmem>> -> memref<128x129xf32, #tpu.memory_space<vmem>>
        tpu.vector_store_idx %parallel_loop3A_980[%add3A_125, %parallel_loop3A_962], %parallel_loop3A_976 : memref<128x129xf32, #tpu.memory_space<vmem>>[vector<16xi32>, vector<16xi32>], vector<16xf32>,
      } {sc.loop_unroll_factor = 4 : i64, sc.parallel_access}
      %parallel_loop3A_731 = arith.constant 0 : i32
      %parallel_loop3A_732 = arith.constant 128 : i32
      %parallel_loop3A_733 = arith.constant 1 : i32
      %parallel_loop3A_734 = arith.constant 0 : i32
      scf.for %parallel_loop3A_954 = %parallel_loop3A_731 to %parallel_loop3A_732 step %parallel_loop3A_733  : i32 {
        %parallel_loop3A_955 = arith.constant 1 : i32
        %parallel_loop3A_956 = arith.muli %parallel_loop3A_954, %parallel_loop3A_955 : i32
        %parallel_loop3A_957 = arith.constant 0 : i32
        %parallel_loop3A_958 = arith.addi %parallel_loop3A_956, %parallel_loop3A_957 : i32
        %parallel_loop3A_959 = arith.constant 128 : i32
        %parallel_loop3A_960 = arith.addi %parallel_loop3A_959, %parallel_loop3A_958 : i32
        %parallel_loop3A_961 = vector.broadcast %parallel_loop3A_958 : i32 to vector<16xi32>
        %parallel_loop3A_962 = arith.addi %broadcast_in_dim3A_3, %parallel_loop3A_961 : vector<16xi32>
        %parallel_loop3A_963 = arith.constant 0 : i32
        %parallel_loop3A_964 = arith.index_cast %parallel_loop3A_963 : i32 to index
        %parallel_loop3A_965 = arith.index_cast %parallel_loop3A_960 : i32 to index
        %parallel_loop3A_966 = arith.constant 0 : index
        %parallel_loop3A_967 = tpu.vector_load %arg6[%parallel_loop3A_964, %parallel_loop3A_965, %parallel_loop3A_966] {strides = array<i32>} : memref<2x512x32xf32, #tpu.memory_space<vmem>>, vector<16xf32>,
        %parallel_loop3A_968 = arith.constant 0 : i32
        %parallel_loop3A_969 = arith.constant 0 : i32
        %parallel_loop3A_970 = tpu.memref_slice %arg7[%parallel_loop3A_734, %parallel_loop3A_968, %parallel_loop3A_969] : memref<2x128x129xf32, #tpu.memory_space<vmem>> -> memref<1x128x129xf32, #tpu.memory_space<vmem>>
        %parallel_loop3A_971 = tpu.memref_squeeze %parallel_loop3A_970 : memref<1x128x129xf32, #tpu.memory_space<vmem>> -> memref<128x129xf32, #tpu.memory_space<vmem>>
        tpu.vector_store_idx %parallel_loop3A_971[%add3A_191, %parallel_loop3A_962], %parallel_loop3A_967 : memref<128x129xf32, #tpu.memory_space<vmem>>[vector<16xi32>, vector<16xi32>], vector<16xf32>,
        %parallel_loop3A_972 = arith.constant 0 : i32
        %parallel_loop3A_973 = arith.index_cast %parallel_loop3A_972 : i32 to index
        %parallel_loop3A_974 = arith.index_cast %parallel_loop3A_960 : i32 to index
        %parallel_loop3A_975 = arith.constant 16 : index
        %parallel_loop3A_976 = tpu.vector_load %arg6[%parallel_loop3A_973, %parallel_loop3A_974, %parallel_loop3A_975] {strides = array<i32>} : memref<2x512x32xf32, #tpu.memory_space<vmem>>, vector<16xf32>,
        %parallel_loop3A_977 = arith.constant 0 : i32
        %parallel_loop3A_978 = arith.constant 0 : i32
        %parallel_loop3A_979 = tpu.memref_slice %arg7[%parallel_loop3A_734, %parallel_loop3A_977, %parallel_loop3A_978] : memref<2x128x129xf32, #tpu.memory_space<vmem>> -> memref<1x128x129xf32, #tpu.memory_space<vmem>>
        %parallel_loop3A_980 = tpu.memref_squeeze %parallel_loop3A_979 : memref<1x128x129xf32, #tpu.memory_space<vmem>> -> memref<128x129xf32, #tpu.memory_space<vmem>>
        tpu.vector_store_idx %parallel_loop3A_980[%add3A_257, %parallel_loop3A_962], %parallel_loop3A_976 : memref<128x129xf32, #tpu.memory_space<vmem>>[vector<16xi32>, vector<16xi32>], vector<16xf32>,
      } {sc.loop_unroll_factor = 4 : i64, sc.parallel_access}
      %parallel_loop3A_735 = arith.constant 0 : i32
      %parallel_loop3A_736 = arith.constant 128 : i32
      %parallel_loop3A_737 = arith.constant 1 : i32
      %parallel_loop3A_738 = arith.constant 0 : i32
      scf.for %parallel_loop3A_954 = %parallel_loop3A_735 to %parallel_loop3A_736 step %parallel_loop3A_737  : i32 {
        %parallel_loop3A_955 = arith.constant 1 : i32
        %parallel_loop3A_956 = arith.muli %parallel_loop3A_954, %parallel_loop3A_955 : i32
        %parallel_loop3A_957 = arith.constant 0 : i32
        %parallel_loop3A_958 = arith.addi %parallel_loop3A_956, %parallel_loop3A_957 : i32
        %parallel_loop3A_959 = arith.constant 256 : i32
        %parallel_loop3A_960 = arith.addi %parallel_loop3A_959, %parallel_loop3A_958 : i32
        %parallel_loop3A_961 = vector.broadcast %parallel_loop3A_958 : i32 to vector<16xi32>
        %parallel_loop3A_962 = arith.addi %broadcast_in_dim3A_3, %parallel_loop3A_961 : vector<16xi32>
        %parallel_loop3A_963 = arith.constant 0 : i32
        %parallel_loop3A_964 = arith.index_cast %parallel_loop3A_963 : i32 to index
        %parallel_loop3A_965 = arith.index_cast %parallel_loop3A_960 : i32 to index
        %parallel_loop3A_966 = arith.constant 0 : index
        %parallel_loop3A_967 = tpu.vector_load %arg6[%parallel_loop3A_964, %parallel_loop3A_965, %parallel_loop3A_966] {strides = array<i32>} : memref<2x512x32xf32, #tpu.memory_space<vmem>>, vector<16xf32>,
        %parallel_loop3A_968 = arith.constant 0 : i32
        %parallel_loop3A_969 = arith.constant 0 : i32
        %parallel_loop3A_970 = tpu.memref_slice %arg7[%parallel_loop3A_738, %parallel_loop3A_968, %parallel_loop3A_969] : memref<2x128x129xf32, #tpu.memory_space<vmem>> -> memref<1x128x129xf32, #tpu.memory_space<vmem>>
        %parallel_loop3A_971 = tpu.memref_squeeze %parallel_loop3A_970 : memref<1x128x129xf32, #tpu.memory_space<vmem>> -> memref<128x129xf32, #tpu.memory_space<vmem>>
        tpu.vector_store_idx %parallel_loop3A_971[%add3A_323, %parallel_loop3A_962], %parallel_loop3A_967 : memref<128x129xf32, #tpu.memory_space<vmem>>[vector<16xi32>, vector<16xi32>], vector<16xf32>,
        %parallel_loop3A_972 = arith.constant 0 : i32
        %parallel_loop3A_973 = arith.index_cast %parallel_loop3A_972 : i32 to index
        %parallel_loop3A_974 = arith.index_cast %parallel_loop3A_960 : i32 to index
        %parallel_loop3A_975 = arith.constant 16 : index
        %parallel_loop3A_976 = tpu.vector_load %arg6[%parallel_loop3A_973, %parallel_loop3A_974, %parallel_loop3A_975] {strides = array<i32>} : memref<2x512x32xf32, #tpu.memory_space<vmem>>, vector<16xf32>,
        %parallel_loop3A_977 = arith.constant 0 : i32
        %parallel_loop3A_978 = arith.constant 0 : i32
        %parallel_loop3A_979 = tpu.memref_slice %arg7[%parallel_loop3A_738, %parallel_loop3A_977, %parallel_loop3A_978] : memref<2x128x129xf32, #tpu.memory_space<vmem>> -> memref<1x128x129xf32, #tpu.memory_space<vmem>>
        %parallel_loop3A_980 = tpu.memref_squeeze %parallel_loop3A_979 : memref<1x128x129xf32, #tpu.memory_space<vmem>> -> memref<128x129xf32, #tpu.memory_space<vmem>>
        tpu.vector_store_idx %parallel_loop3A_980[%add3A_389, %parallel_loop3A_962], %parallel_loop3A_976 : memref<128x129xf32, #tpu.memory_space<vmem>>[vector<16xi32>, vector<16xi32>], vector<16xf32>,
      } {sc.loop_unroll_factor = 4 : i64, sc.parallel_access}
      %parallel_loop3A_739 = arith.constant 0 : i32
      %parallel_loop3A_740 = arith.constant 128 : i32
      %parallel_loop3A_741 = arith.constant 1 : i32
      %parallel_loop3A_742 = arith.constant 0 : i32
      scf.for %parallel_loop3A_954 = %parallel_loop3A_739 to %parallel_loop3A_740 step %parallel_loop3A_741  : i32 {
        %parallel_loop3A_955 = arith.constant 1 : i32
        %parallel_loop3A_956 = arith.muli %parallel_loop3A_954, %parallel_loop3A_955 : i32
        %parallel_loop3A_957 = arith.constant 0 : i32
        %parallel_loop3A_958 = arith.addi %parallel_loop3A_956, %parallel_loop3A_957 : i32
        %parallel_loop3A_959 = arith.constant 384 : i32
        %parallel_loop3A_960 = arith.addi %parallel_loop3A_959, %parallel_loop3A_958 : i32
        %parallel_loop3A_961 = vector.broadcast %parallel_loop3A_958 : i32 to vector<16xi32>
        %parallel_loop3A_962 = arith.addi %broadcast_in_dim3A_3, %parallel_loop3A_961 : vector<16xi32>
        %parallel_loop3A_963 = arith.constant 0 : i32
        %parallel_loop3A_964 = arith.index_cast %parallel_loop3A_963 : i32 to index
        %parallel_loop3A_965 = arith.index_cast %parallel_loop3A_960 : i32 to index
        %parallel_loop3A_966 = arith.constant 0 : index
        %parallel_loop3A_967 = tpu.vector_load %arg6[%parallel_loop3A_964, %parallel_loop3A_965, %parallel_loop3A_966] {strides = array<i32>} : memref<2x512x32xf32, #tpu.memory_space<vmem>>, vector<16xf32>,
        %parallel_loop3A_968 = arith.constant 0 : i32
        %parallel_loop3A_969 = arith.constant 0 : i32
        %parallel_loop3A_970 = tpu.memref_slice %arg7[%parallel_loop3A_742, %parallel_loop3A_968, %parallel_loop3A_969] : memref<2x128x129xf32, #tpu.memory_space<vmem>> -> memref<1x128x129xf32, #tpu.memory_space<vmem>>
        %parallel_loop3A_971 = tpu.memref_squeeze %parallel_loop3A_970 : memref<1x128x129xf32, #tpu.memory_space<vmem>> -> memref<128x129xf32, #tpu.memory_space<vmem>>
        tpu.vector_store_idx %parallel_loop3A_971[%add3A_455, %parallel_loop3A_962], %parallel_loop3A_967 : memref<128x129xf32, #tpu.memory_space<vmem>>[vector<16xi32>, vector<16xi32>], vector<16xf32>,
        %parallel_loop3A_972 = arith.constant 0 : i32
        %parallel_loop3A_973 = arith.index_cast %parallel_loop3A_972 : i32 to index
        %parallel_loop3A_974 = arith.index_cast %parallel_loop3A_960 : i32 to index
        %parallel_loop3A_975 = arith.constant 16 : index
        %parallel_loop3A_976 = tpu.vector_load %arg6[%parallel_loop3A_973, %parallel_loop3A_974, %parallel_loop3A_975] {strides = array<i32>} : memref<2x512x32xf32, #tpu.memory_space<vmem>>, vector<16xf32>,
        %parallel_loop3A_977 = arith.constant 0 : i32
        %parallel_loop3A_978 = arith.constant 0 : i32
        %parallel_loop3A_979 = tpu.memref_slice %arg7[%parallel_loop3A_742, %parallel_loop3A_977, %parallel_loop3A_978] : memref<2x128x129xf32, #tpu.memory_space<vmem>> -> memref<1x128x129xf32, #tpu.memory_space<vmem>>
        %parallel_loop3A_980 = tpu.memref_squeeze %parallel_loop3A_979 : memref<1x128x129xf32, #tpu.memory_space<vmem>> -> memref<128x129xf32, #tpu.memory_space<vmem>>
        tpu.vector_store_idx %parallel_loop3A_980[%add3A_521, %parallel_loop3A_962], %parallel_loop3A_976 : memref<128x129xf32, #tpu.memory_space<vmem>>[vector<16xi32>, vector<16xi32>], vector<16xf32>,
      } {sc.loop_unroll_factor = 4 : i64, sc.parallel_access}
      %add3A_743 = arith.constant 2 : i32
      %add3A_744 = arith.addi %add3A_713, %add3A_743 : i32
      %lt3A_745 = arith.constant 200 : i32
      %lt3A_746 = arith.cmpi slt, %add3A_744, %lt3A_745 : i32
      %convert_element_type3A_747 = arith.extui %lt3A_746 : i1 to i32
      %cond3A_748 = arith.constant 0 : i32
      %cond3A_749 = arith.cmpi ne, %convert_element_type3A_747, %cond3A_748 : i32
      scf.if %cond3A_749 {
        %add3A_954 = arith.constant 2 : i32
        %add3A_955 = arith.addi %add3A_713, %add3A_954 : i32
        %mul3A_956 = arith.constant 16384 : i32
        %mul3A_957 = arith.muli %add3A_955, %mul3A_956 : i32
        %add3A_958 = arith.addi %mul3A_957, %mul3A_2 : i32
        %run_scoped3A_959 = arith.constant 0 : i32
        "tpu.region"() ({
          %run_scoped3A_972 = tpu.sem_alloc : memref<!tpu.dma_semaphore, #tpu.memory_space<semaphore_mem>>
          %dma_start3A_973 = arith.constant 0 : i32
          %dma_start3A_974 = tpu.memref_slice %arg5[%run_scoped3A_959, %dma_start3A_973] : memref<2x512xi32, #tpu.memory_space<vmem>> -> memref<1x512xi32, #tpu.memory_space<vmem>>
          %dma_start3A_975 = tpu.memref_squeeze %dma_start3A_974 : memref<1x512xi32, #tpu.memory_space<vmem>> -> memref<512xi32, #tpu.memory_space<vmem>>
          %dma_start3A_976 = tpu.memref_slice %arg2[%add3A_958] : memref<3276800xi32, #tpu.memory_space<hbm>> -> memref<512xi32, #tpu.memory_space<hbm>>
          %dma_start3A_977 = arith.constant 0 : i32
          %dma_start3A_978 = tpu.memref_slice %arg5[%run_scoped3A_959, %dma_start3A_977] : memref<2x512xi32, #tpu.memory_space<vmem>> -> memref<1x512xi32, #tpu.memory_space<vmem>>
          %dma_start3A_979 = tpu.memref_squeeze %dma_start3A_978 : memref<1x512xi32, #tpu.memory_space<vmem>> -> memref<512xi32, #tpu.memory_space<vmem>>
          %dma_start3A_980 = tpu.memref_slice %arg2[%add3A_958] : memref<3276800xi32, #tpu.memory_space<hbm>> -> memref<512xi32, #tpu.memory_space<hbm>>
          tpu.enqueue_dma source(%dma_start3A_980 : memref<512xi32, #tpu.memory_space<hbm>>) target(%dma_start3A_979 : memref<512xi32, #tpu.memory_space<vmem>>) target_semaphore(%run_scoped3A_972 : memref<!tpu.dma_semaphore, #tpu.memory_space<semaphore_mem>>)
          %dma_wait3A_981 = arith.constant 0 : i32
          %dma_wait3A_982 = tpu.memref_slice %arg5[%run_scoped3A_959, %dma_wait3A_981] : memref<2x512xi32, #tpu.memory_space<vmem>> -> memref<1x512xi32, #tpu.memory_space<vmem>>
          %dma_wait3A_983 = tpu.memref_squeeze %dma_wait3A_982 : memref<1x512xi32, #tpu.memory_space<vmem>> -> memref<512xi32, #tpu.memory_space<vmem>>
          %dma_wait3A_984 = tpu.memref_slice %arg2[%add3A_958] : memref<3276800xi32, #tpu.memory_space<hbm>> -> memref<512xi32, #tpu.memory_space<hbm>>
          %dma_wait3A_985 = arith.constant 0 : i32
          %dma_wait3A_986 = tpu.memref_slice %arg5[%run_scoped3A_959, %dma_wait3A_985] : memref<2x512xi32, #tpu.memory_space<vmem>> -> memref<1x512xi32, #tpu.memory_space<vmem>>
          %dma_wait3A_987 = tpu.memref_squeeze %dma_wait3A_986 : memref<1x512xi32, #tpu.memory_space<vmem>> -> memref<512xi32, #tpu.memory_space<vmem>>
          %dma_wait3A_988 = tpu.memref_slice %arg2[%add3A_958] : memref<3276800xi32, #tpu.memory_space<hbm>> -> memref<512xi32, #tpu.memory_space<hbm>>
          tpu.wait_dma2 semaphore(%run_scoped3A_972 : memref<!tpu.dma_semaphore, #tpu.memory_space<semaphore_mem>>) src(%dma_wait3A_988 : memref<512xi32, #tpu.memory_space<hbm>>) dst(%dma_wait3A_987 : memref<512xi32, #tpu.memory_space<vmem>>)
          tpu.yield
        }) : () -> ()
        %dma_start3A_960 = arith.constant 0 : i32
        %dma_start3A_961 = arith.constant 0 : i32
        %dma_start3A_962 = arith.constant 0 : i32
        %dma_start3A_963 = arith.constant 0 : i32
        %dma_start3A_964 = tpu.memref_slice %arg6[%dma_start3A_961, %dma_start3A_962, %dma_start3A_963] : memref<2x512x32xf32, #tpu.memory_space<vmem>> -> memref<1x512x32xf32, #tpu.memory_space<vmem>>
        %dma_start3A_965 = tpu.memref_squeeze %dma_start3A_964 : memref<1x512x32xf32, #tpu.memory_space<vmem>> -> memref<512x32xf32, #tpu.memory_space<vmem>>
        %dma_start3A_966 = arith.constant 0 : i32
        %dma_start3A_967 = tpu.memref_slice %arg5[%dma_start3A_960, %dma_start3A_966] : memref<2x512xi32, #tpu.memory_space<vmem>> -> memref<1x512xi32, #tpu.memory_space<vmem>>
        %dma_start3A_968 = tpu.memref_squeeze %dma_start3A_967 : memref<1x512xi32, #tpu.memory_space<vmem>> -> memref<512xi32, #tpu.memory_space<vmem>>
        %dma_start3A_969 = arith.constant 0 : i32
        %dma_start3A_970 = arith.constant 0 : i32
        %dma_start3A_971 = tpu.memref_slice %arg3[%dma_start3A_969, %dma_start3A_970] : memref<1000000x32xf32, #tpu.memory_space<hbm>> -> memref<1000000x32xf32, #tpu.memory_space<hbm>>
        tpu.enqueue_indirect_dma source(%dma_start3A_971 : memref<1000000x32xf32, #tpu.memory_space<hbm>>) target(%dma_start3A_965 : memref<512x32xf32, #tpu.memory_space<vmem>>) offsets(%dma_start3A_968 : memref<512xi32, #tpu.memory_space<vmem>>) semaphore(%arg8 : memref<!tpu.dma_semaphore, #tpu.memory_space<semaphore_mem>>)
      } else {
      }
      %mul3A_750 = arith.constant 4 : i32
      %mul3A_751 = arith.muli %add3A, %mul3A_750 : i32
      %mul3A_752 = arith.constant 8 : i32
      %mul3A_753 = arith.muli %mul3A_751, %mul3A_752 : i32
      %dma_start3A_754 = arith.constant 0 : i32
      %dma_start3A_755 = arith.constant 0 : i32
      %dma_start3A_756 = arith.constant 0 : i32
      %dma_start3A_757 = arith.constant 0 : i32
      %dma_start3A_758 = tpu.memref_slice %arg7[%dma_start3A_754, %dma_start3A_756, %dma_start3A_757] : memref<2x128x129xf32, #tpu.memory_space<vmem>> -> memref<1x32x128xf32, #tpu.memory_space<vmem>>
      %dma_start3A_759 = tpu.memref_squeeze %dma_start3A_758 : memref<1x32x128xf32, #tpu.memory_space<vmem>> -> memref<32x128xf32, #tpu.memory_space<vmem>>
      %dma_start3A_760 = arith.constant 0 : i32
      %dma_start3A_761 = tpu.memref_slice %arg4[%add3A_713, %dma_start3A_755, %mul3A_753, %dma_start3A_760] : memref<200x4x1024x128xf32, #tpu.memory_space<hbm>> -> memref<1x1x32x128xf32, #tpu.memory_space<hbm>>
      %dma_start3A_762 = tpu.memref_squeeze %dma_start3A_761 : memref<1x1x32x128xf32, #tpu.memory_space<hbm>> -> memref<32x128xf32, #tpu.memory_space<hbm>>
      %dma_start3A_763 = arith.constant 0 : i32
      %dma_start3A_764 = tpu.memref_slice %arg4[%add3A_713, %dma_start3A_755, %mul3A_753, %dma_start3A_763] : memref<200x4x1024x128xf32, #tpu.memory_space<hbm>> -> memref<1x1x32x128xf32, #tpu.memory_space<hbm>>
      %dma_start3A_765 = tpu.memref_squeeze %dma_start3A_764 : memref<1x1x32x128xf32, #tpu.memory_space<hbm>> -> memref<32x128xf32, #tpu.memory_space<hbm>>
      %dma_start3A_766 = arith.constant 0 : i32
      %dma_start3A_767 = arith.constant 0 : i32
      %dma_start3A_768 = tpu.memref_slice %arg7[%dma_start3A_754, %dma_start3A_766, %dma_start3A_767] : memref<2x128x129xf32, #tpu.memory_space<vmem>> -> memref<1x32x128xf32, #tpu.memory_space<vmem>>
      %dma_start3A_769 = tpu.memref_squeeze %dma_start3A_768 : memref<1x32x128xf32, #tpu.memory_space<vmem>> -> memref<32x128xf32, #tpu.memory_space<vmem>>
      tpu.enqueue_dma source(%dma_start3A_769 : memref<32x128xf32, #tpu.memory_space<vmem>>) target(%dma_start3A_765 : memref<32x128xf32, #tpu.memory_space<hbm>>) target_semaphore(%arg10 : memref<!tpu.dma_semaphore, #tpu.memory_space<semaphore_mem>>)
      %mul3A_770 = arith.constant 4 : i32
      %mul3A_771 = arith.muli %add3A, %mul3A_770 : i32
      %mul3A_772 = arith.constant 8 : i32
      %mul3A_773 = arith.muli %mul3A_771, %mul3A_772 : i32
      %dma_start3A_774 = arith.constant 0 : i32
      %dma_start3A_775 = arith.constant 1 : i32
      %dma_start3A_776 = arith.constant 32 : i32
      %dma_start3A_777 = arith.constant 0 : i32
      %dma_start3A_778 = tpu.memref_slice %arg7[%dma_start3A_774, %dma_start3A_776, %dma_start3A_777] : memref<2x128x129xf32, #tpu.memory_space<vmem>> -> memref<1x32x128xf32, #tpu.memory_space<vmem>>
      %dma_start3A_779 = tpu.memref_squeeze %dma_start3A_778 : memref<1x32x128xf32, #tpu.memory_space<vmem>> -> memref<32x128xf32, #tpu.memory_space<vmem>>
      %dma_start3A_780 = arith.constant 0 : i32
      %dma_start3A_781 = tpu.memref_slice %arg4[%add3A_713, %dma_start3A_775, %mul3A_773, %dma_start3A_780] : memref<200x4x1024x128xf32, #tpu.memory_space<hbm>> -> memref<1x1x32x128xf32, #tpu.memory_space<hbm>>
      %dma_start3A_782 = tpu.memref_squeeze %dma_start3A_781 : memref<1x1x32x128xf32, #tpu.memory_space<hbm>> -> memref<32x128xf32, #tpu.memory_space<hbm>>
      %dma_start3A_783 = arith.constant 0 : i32
      %dma_start3A_784 = tpu.memref_slice %arg4[%add3A_713, %dma_start3A_775, %mul3A_773, %dma_start3A_783] : memref<200x4x1024x128xf32, #tpu.memory_space<hbm>> -> memref<1x1x32x128xf32, #tpu.memory_space<hbm>>
      %dma_start3A_785 = tpu.memref_squeeze %dma_start3A_784 : memref<1x1x32x128xf32, #tpu.memory_space<hbm>> -> memref<32x128xf32, #tpu.memory_space<hbm>>
      %dma_start3A_786 = arith.constant 32 : i32
      %dma_start3A_787 = arith.constant 0 : i32
      %dma_start3A_788 = tpu.memref_slice %arg7[%dma_start3A_774, %dma_start3A_786, %dma_start3A_787] : memref<2x128x129xf32, #tpu.memory_space<vmem>> -> memref<1x32x128xf32, #tpu.memory_space<vmem>>
      %dma_start3A_789 = tpu.memref_squeeze %dma_start3A_788 : memref<1x32x128xf32, #tpu.memory_space<vmem>> -> memref<32x128xf32, #tpu.memory_space<vmem>>
      tpu.enqueue_dma source(%dma_start3A_789 : memref<32x128xf32, #tpu.memory_space<vmem>>) target(%dma_start3A_785 : memref<32x128xf32, #tpu.memory_space<hbm>>) target_semaphore(%arg10 : memref<!tpu.dma_semaphore, #tpu.memory_space<semaphore_mem>>)
      %mul3A_790 = arith.constant 4 : i32
      %mul3A_791 = arith.muli %add3A, %mul3A_790 : i32
      %mul3A_792 = arith.constant 8 : i32
      %mul3A_793 = arith.muli %mul3A_791, %mul3A_792 : i32
      %dma_start3A_794 = arith.constant 0 : i32
      %dma_start3A_795 = arith.constant 2 : i32
      %dma_start3A_796 = arith.constant 64 : i32
      %dma_start3A_797 = arith.constant 0 : i32
      %dma_start3A_798 = tpu.memref_slice %arg7[%dma_start3A_794, %dma_start3A_796, %dma_start3A_797] : memref<2x128x129xf32, #tpu.memory_space<vmem>> -> memref<1x32x128xf32, #tpu.memory_space<vmem>>
      %dma_start3A_799 = tpu.memref_squeeze %dma_start3A_798 : memref<1x32x128xf32, #tpu.memory_space<vmem>> -> memref<32x128xf32, #tpu.memory_space<vmem>>
      %dma_start3A_800 = arith.constant 0 : i32
      %dma_start3A_801 = tpu.memref_slice %arg4[%add3A_713, %dma_start3A_795, %mul3A_793, %dma_start3A_800] : memref<200x4x1024x128xf32, #tpu.memory_space<hbm>> -> memref<1x1x32x128xf32, #tpu.memory_space<hbm>>
      %dma_start3A_802 = tpu.memref_squeeze %dma_start3A_801 : memref<1x1x32x128xf32, #tpu.memory_space<hbm>> -> memref<32x128xf32, #tpu.memory_space<hbm>>
      %dma_start3A_803 = arith.constant 0 : i32
      %dma_start3A_804 = tpu.memref_slice %arg4[%add3A_713, %dma_start3A_795, %mul3A_793, %dma_start3A_803] : memref<200x4x1024x128xf32, #tpu.memory_space<hbm>> -> memref<1x1x32x128xf32, #tpu.memory_space<hbm>>
      %dma_start3A_805 = tpu.memref_squeeze %dma_start3A_804 : memref<1x1x32x128xf32, #tpu.memory_space<hbm>> -> memref<32x128xf32, #tpu.memory_space<hbm>>
      %dma_start3A_806 = arith.constant 64 : i32
      %dma_start3A_807 = arith.constant 0 : i32
      %dma_start3A_808 = tpu.memref_slice %arg7[%dma_start3A_794, %dma_start3A_806, %dma_start3A_807] : memref<2x128x129xf32, #tpu.memory_space<vmem>> -> memref<1x32x128xf32, #tpu.memory_space<vmem>>
      %dma_start3A_809 = tpu.memref_squeeze %dma_start3A_808 : memref<1x32x128xf32, #tpu.memory_space<vmem>> -> memref<32x128xf32, #tpu.memory_space<vmem>>
      tpu.enqueue_dma source(%dma_start3A_809 : memref<32x128xf32, #tpu.memory_space<vmem>>) target(%dma_start3A_805 : memref<32x128xf32, #tpu.memory_space<hbm>>) target_semaphore(%arg10 : memref<!tpu.dma_semaphore, #tpu.memory_space<semaphore_mem>>)
      %mul3A_810 = arith.constant 4 : i32
      %mul3A_811 = arith.muli %add3A, %mul3A_810 : i32
      %mul3A_812 = arith.constant 8 : i32
      %mul3A_813 = arith.muli %mul3A_811, %mul3A_812 : i32
      %dma_start3A_814 = arith.constant 0 : i32
      %dma_start3A_815 = arith.constant 3 : i32
      %dma_start3A_816 = arith.constant 96 : i32
      %dma_start3A_817 = arith.constant 0 : i32
      %dma_start3A_818 = tpu.memref_slice %arg7[%dma_start3A_814, %dma_start3A_816, %dma_start3A_817] : memref<2x128x129xf32, #tpu.memory_space<vmem>> -> memref<1x32x128xf32, #tpu.memory_space<vmem>>
      %dma_start3A_819 = tpu.memref_squeeze %dma_start3A_818 : memref<1x32x128xf32, #tpu.memory_space<vmem>> -> memref<32x128xf32, #tpu.memory_space<vmem>>
      %dma_start3A_820 = arith.constant 0 : i32
      %dma_start3A_821 = tpu.memref_slice %arg4[%add3A_713, %dma_start3A_815, %mul3A_813, %dma_start3A_820] : memref<200x4x1024x128xf32, #tpu.memory_space<hbm>> -> memref<1x1x32x128xf32, #tpu.memory_space<hbm>>
      %dma_start3A_822 = tpu.memref_squeeze %dma_start3A_821 : memref<1x1x32x128xf32, #tpu.memory_space<hbm>> -> memref<32x128xf32, #tpu.memory_space<hbm>>
      %dma_start3A_823 = arith.constant 0 : i32
      %dma_start3A_824 = tpu.memref_slice %arg4[%add3A_713, %dma_start3A_815, %mul3A_813, %dma_start3A_823] : memref<200x4x1024x128xf32, #tpu.memory_space<hbm>> -> memref<1x1x32x128xf32, #tpu.memory_space<hbm>>
      %dma_start3A_825 = tpu.memref_squeeze %dma_start3A_824 : memref<1x1x32x128xf32, #tpu.memory_space<hbm>> -> memref<32x128xf32, #tpu.memory_space<hbm>>
      %dma_start3A_826 = arith.constant 96 : i32
      %dma_start3A_827 = arith.constant 0 : i32
      %dma_start3A_828 = tpu.memref_slice %arg7[%dma_start3A_814, %dma_start3A_826, %dma_start3A_827] : memref<2x128x129xf32, #tpu.memory_space<vmem>> -> memref<1x32x128xf32, #tpu.memory_space<vmem>>
      %dma_start3A_829 = tpu.memref_squeeze %dma_start3A_828 : memref<1x32x128xf32, #tpu.memory_space<vmem>> -> memref<32x128xf32, #tpu.memory_space<vmem>>
      tpu.enqueue_dma source(%dma_start3A_829 : memref<32x128xf32, #tpu.memory_space<vmem>>) target(%dma_start3A_825 : memref<32x128xf32, #tpu.memory_space<hbm>>) target_semaphore(%arg10 : memref<!tpu.dma_semaphore, #tpu.memory_space<semaphore_mem>>)
      %mul3A_830 = arith.constant 2 : i32
      %mul3A_831 = arith.muli %mul3A_830, %add3A_709 : i32
      %add3A_832 = arith.constant 1 : i32
      %add3A_833 = arith.addi %mul3A_831, %add3A_832 : i32
      %dma_wait3A_834 = arith.constant 1 : i32
      %dma_wait3A_835 = arith.constant 1 : i32
      %dma_wait3A_836 = arith.constant 0 : i32
      %dma_wait3A_837 = arith.constant 0 : i32
      %dma_wait3A_838 = tpu.memref_slice %arg6[%dma_wait3A_835, %dma_wait3A_836, %dma_wait3A_837] : memref<2x512x32xf32, #tpu.memory_space<vmem>> -> memref<1x512x32xf32, #tpu.memory_space<vmem>>
      %dma_wait3A_839 = tpu.memref_squeeze %dma_wait3A_838 : memref<1x512x32xf32, #tpu.memory_space<vmem>> -> memref<512x32xf32, #tpu.memory_space<vmem>>
      %dma_wait3A_840 = arith.constant 0 : i32
      %dma_wait3A_841 = tpu.memref_slice %arg5[%dma_wait3A_834, %dma_wait3A_840] : memref<2x512xi32, #tpu.memory_space<vmem>> -> memref<1x512xi32, #tpu.memory_space<vmem>>
      %dma_wait3A_842 = tpu.memref_squeeze %dma_wait3A_841 : memref<1x512xi32, #tpu.memory_space<vmem>> -> memref<512xi32, #tpu.memory_space<vmem>>
      %dma_wait3A_843 = arith.constant 0 : i32
      %dma_wait3A_844 = arith.constant 0 : i32
      %dma_wait3A_845 = tpu.memref_slice %arg3[%dma_wait3A_843, %dma_wait3A_844] : memref<1000000x32xf32, #tpu.memory_space<hbm>> -> memref<1000000x32xf32, #tpu.memory_space<hbm>>
      tpu.wait_indirect_dma semaphore(%arg9 : memref<!tpu.dma_semaphore, #tpu.memory_space<semaphore_mem>>) src(%dma_wait3A_845 : memref<1000000x32xf32, #tpu.memory_space<hbm>>) dst(%dma_wait3A_839 : memref<512x32xf32, #tpu.memory_space<vmem>>)
      %ge3A_846 = arith.constant 2 : i32
      %ge3A_847 = arith.cmpi sge, %add3A_833, %ge3A_846 : i32
      %convert_element_type3A_848 = arith.extui %ge3A_847 : i1 to i32
      %cond3A_849 = arith.constant 0 : i32
      %cond3A_850 = arith.cmpi ne, %convert_element_type3A_848, %cond3A_849 : i32
      scf.if %cond3A_850 {
        %dma_wait3A_954 = arith.constant 1 : i32
        %dma_wait3A_955 = arith.constant 0 : i32
        %dma_wait3A_956 = arith.constant 0 : i32
        %dma_wait3A_957 = arith.constant 0 : i32
        %dma_wait3A_958 = arith.constant 0 : i32
        %dma_wait3A_959 = tpu.memref_slice %arg7[%dma_wait3A_954, %dma_wait3A_957, %dma_wait3A_958] : memref<2x128x129xf32, #tpu.memory_space<vmem>> -> memref<1x32x128xf32, #tpu.memory_space<vmem>>
        %dma_wait3A_960 = tpu.memref_squeeze %dma_wait3A_959 : memref<1x32x128xf32, #tpu.memory_space<vmem>> -> memref<32x128xf32, #tpu.memory_space<vmem>>
        %dma_wait3A_961 = arith.constant 0 : i32
        %dma_wait3A_962 = arith.constant 0 : i32
        %dma_wait3A_963 = tpu.memref_slice %arg4[%dma_wait3A_955, %dma_wait3A_956, %dma_wait3A_961, %dma_wait3A_962] : memref<200x4x1024x128xf32, #tpu.memory_space<hbm>> -> memref<1x1x32x128xf32, #tpu.memory_space<hbm>>
        %dma_wait3A_964 = tpu.memref_squeeze %dma_wait3A_963 : memref<1x1x32x128xf32, #tpu.memory_space<hbm>> -> memref<32x128xf32, #tpu.memory_space<hbm>>
        %dma_wait3A_965 = arith.constant 0 : i32
        %dma_wait3A_966 = arith.constant 0 : i32
        %dma_wait3A_967 = tpu.memref_slice %arg4[%dma_wait3A_955, %dma_wait3A_956, %dma_wait3A_965, %dma_wait3A_966] : memref<200x4x1024x128xf32, #tpu.memory_space<hbm>> -> memref<1x1x32x128xf32, #tpu.memory_space<hbm>>
        %dma_wait3A_968 = tpu.memref_squeeze %dma_wait3A_967 : memref<1x1x32x128xf32, #tpu.memory_space<hbm>> -> memref<32x128xf32, #tpu.memory_space<hbm>>
        %dma_wait3A_969 = arith.constant 0 : i32
        %dma_wait3A_970 = arith.constant 0 : i32
        %dma_wait3A_971 = tpu.memref_slice %arg7[%dma_wait3A_954, %dma_wait3A_969, %dma_wait3A_970] : memref<2x128x129xf32, #tpu.memory_space<vmem>> -> memref<1x32x128xf32, #tpu.memory_space<vmem>>
        %dma_wait3A_972 = tpu.memref_squeeze %dma_wait3A_971 : memref<1x32x128xf32, #tpu.memory_space<vmem>> -> memref<32x128xf32, #tpu.memory_space<vmem>>
        tpu.wait_dma2 semaphore(%arg11 : memref<!tpu.dma_semaphore, #tpu.memory_space<semaphore_mem>>) src(%dma_wait3A_972 : memref<32x128xf32, #tpu.memory_space<vmem>>) dst(%dma_wait3A_968 : memref<32x128xf32, #tpu.memory_space<hbm>>)
        %dma_wait3A_973 = arith.constant 1 : i32
        %dma_wait3A_974 = arith.constant 0 : i32
        %dma_wait3A_975 = arith.constant 0 : i32
        %dma_wait3A_976 = arith.constant 32 : i32
        %dma_wait3A_977 = arith.constant 0 : i32
        %dma_wait3A_978 = tpu.memref_slice %arg7[%dma_wait3A_973, %dma_wait3A_976, %dma_wait3A_977] : memref<2x128x129xf32, #tpu.memory_space<vmem>> -> memref<1x32x128xf32, #tpu.memory_space<vmem>>
        %dma_wait3A_979 = tpu.memref_squeeze %dma_wait3A_978 : memref<1x32x128xf32, #tpu.memory_space<vmem>> -> memref<32x128xf32, #tpu.memory_space<vmem>>
        %dma_wait3A_980 = arith.constant 0 : i32
        %dma_wait3A_981 = arith.constant 0 : i32
        %dma_wait3A_982 = tpu.memref_slice %arg4[%dma_wait3A_974, %dma_wait3A_975, %dma_wait3A_980, %dma_wait3A_981] : memref<200x4x1024x128xf32, #tpu.memory_space<hbm>> -> memref<1x1x32x128xf32, #tpu.memory_space<hbm>>
        %dma_wait3A_983 = tpu.memref_squeeze %dma_wait3A_982 : memref<1x1x32x128xf32, #tpu.memory_space<hbm>> -> memref<32x128xf32, #tpu.memory_space<hbm>>
        %dma_wait3A_984 = arith.constant 0 : i32
        %dma_wait3A_985 = arith.constant 0 : i32
        %dma_wait3A_986 = tpu.memref_slice %arg4[%dma_wait3A_974, %dma_wait3A_975, %dma_wait3A_984, %dma_wait3A_985] : memref<200x4x1024x128xf32, #tpu.memory_space<hbm>> -> memref<1x1x32x128xf32, #tpu.memory_space<hbm>>
        %dma_wait3A_987 = tpu.memref_squeeze %dma_wait3A_986 : memref<1x1x32x128xf32, #tpu.memory_space<hbm>> -> memref<32x128xf32, #tpu.memory_space<hbm>>
        %dma_wait3A_988 = arith.constant 32 : i32
        %dma_wait3A_989 = arith.constant 0 : i32
        %dma_wait3A_990 = tpu.memref_slice %arg7[%dma_wait3A_973, %dma_wait3A_988, %dma_wait3A_989] : memref<2x128x129xf32, #tpu.memory_space<vmem>> -> memref<1x32x128xf32, #tpu.memory_space<vmem>>
        %dma_wait3A_991 = tpu.memref_squeeze %dma_wait3A_990 : memref<1x32x128xf32, #tpu.memory_space<vmem>> -> memref<32x128xf32, #tpu.memory_space<vmem>>
        tpu.wait_dma2 semaphore(%arg11 : memref<!tpu.dma_semaphore, #tpu.memory_space<semaphore_mem>>) src(%dma_wait3A_991 : memref<32x128xf32, #tpu.memory_space<vmem>>) dst(%dma_wait3A_987 : memref<32x128xf32, #tpu.memory_space<hbm>>)
        %dma_wait3A_992 = arith.constant 1 : i32
        %dma_wait3A_993 = arith.constant 0 : i32
        %dma_wait3A_994 = arith.constant 0 : i32
        %dma_wait3A_995 = arith.constant 64 : i32
        %dma_wait3A_996 = arith.constant 0 : i32
        %dma_wait3A_997 = tpu.memref_slice %arg7[%dma_wait3A_992, %dma_wait3A_995, %dma_wait3A_996] : memref<2x128x129xf32, #tpu.memory_space<vmem>> -> memref<1x32x128xf32, #tpu.memory_space<vmem>>
        %dma_wait3A_998 = tpu.memref_squeeze %dma_wait3A_997 : memref<1x32x128xf32, #tpu.memory_space<vmem>> -> memref<32x128xf32, #tpu.memory_space<vmem>>
        %dma_wait3A_999 = arith.constant 0 : i32
        %dma_wait3A_1000 = arith.constant 0 : i32
        %dma_wait3A_1001 = tpu.memref_slice %arg4[%dma_wait3A_993, %dma_wait3A_994, %dma_wait3A_999, %dma_wait3A_1000] : memref<200x4x1024x128xf32, #tpu.memory_space<hbm>> -> memref<1x1x32x128xf32, #tpu.memory_space<hbm>>
        %dma_wait3A_1002 = tpu.memref_squeeze %dma_wait3A_1001 : memref<1x1x32x128xf32, #tpu.memory_space<hbm>> -> memref<32x128xf32, #tpu.memory_space<hbm>>
        %dma_wait3A_1003 = arith.constant 0 : i32
        %dma_wait3A_1004 = arith.constant 0 : i32
        %dma_wait3A_1005 = tpu.memref_slice %arg4[%dma_wait3A_993, %dma_wait3A_994, %dma_wait3A_1003, %dma_wait3A_1004] : memref<200x4x1024x128xf32, #tpu.memory_space<hbm>> -> memref<1x1x32x128xf32, #tpu.memory_space<hbm>>
        %dma_wait3A_1006 = tpu.memref_squeeze %dma_wait3A_1005 : memref<1x1x32x128xf32, #tpu.memory_space<hbm>> -> memref<32x128xf32, #tpu.memory_space<hbm>>
        %dma_wait3A_1007 = arith.constant 64 : i32
        %dma_wait3A_1008 = arith.constant 0 : i32
        %dma_wait3A_1009 = tpu.memref_slice %arg7[%dma_wait3A_992, %dma_wait3A_1007, %dma_wait3A_1008] : memref<2x128x129xf32, #tpu.memory_space<vmem>> -> memref<1x32x128xf32, #tpu.memory_space<vmem>>
        %dma_wait3A_1010 = tpu.memref_squeeze %dma_wait3A_1009 : memref<1x32x128xf32, #tpu.memory_space<vmem>> -> memref<32x128xf32, #tpu.memory_space<vmem>>
        tpu.wait_dma2 semaphore(%arg11 : memref<!tpu.dma_semaphore, #tpu.memory_space<semaphore_mem>>) src(%dma_wait3A_1010 : memref<32x128xf32, #tpu.memory_space<vmem>>) dst(%dma_wait3A_1006 : memref<32x128xf32, #tpu.memory_space<hbm>>)
        %dma_wait3A_1011 = arith.constant 1 : i32
        %dma_wait3A_1012 = arith.constant 0 : i32
        %dma_wait3A_1013 = arith.constant 0 : i32
        %dma_wait3A_1014 = arith.constant 96 : i32
        %dma_wait3A_1015 = arith.constant 0 : i32
        %dma_wait3A_1016 = tpu.memref_slice %arg7[%dma_wait3A_1011, %dma_wait3A_1014, %dma_wait3A_1015] : memref<2x128x129xf32, #tpu.memory_space<vmem>> -> memref<1x32x128xf32, #tpu.memory_space<vmem>>
        %dma_wait3A_1017 = tpu.memref_squeeze %dma_wait3A_1016 : memref<1x32x128xf32, #tpu.memory_space<vmem>> -> memref<32x128xf32, #tpu.memory_space<vmem>>
        %dma_wait3A_1018 = arith.constant 0 : i32
        %dma_wait3A_1019 = arith.constant 0 : i32
        %dma_wait3A_1020 = tpu.memref_slice %arg4[%dma_wait3A_1012, %dma_wait3A_1013, %dma_wait3A_1018, %dma_wait3A_1019] : memref<200x4x1024x128xf32, #tpu.memory_space<hbm>> -> memref<1x1x32x128xf32, #tpu.memory_space<hbm>>
        %dma_wait3A_1021 = tpu.memref_squeeze %dma_wait3A_1020 : memref<1x1x32x128xf32, #tpu.memory_space<hbm>> -> memref<32x128xf32, #tpu.memory_space<hbm>>
        %dma_wait3A_1022 = arith.constant 0 : i32
        %dma_wait3A_1023 = arith.constant 0 : i32
        %dma_wait3A_1024 = tpu.memref_slice %arg4[%dma_wait3A_1012, %dma_wait3A_1013, %dma_wait3A_1022, %dma_wait3A_1023] : memref<200x4x1024x128xf32, #tpu.memory_space<hbm>> -> memref<1x1x32x128xf32, #tpu.memory_space<hbm>>
        %dma_wait3A_1025 = tpu.memref_squeeze %dma_wait3A_1024 : memref<1x1x32x128xf32, #tpu.memory_space<hbm>> -> memref<32x128xf32, #tpu.memory_space<hbm>>
        %dma_wait3A_1026 = arith.constant 96 : i32
        %dma_wait3A_1027 = arith.constant 0 : i32
        %dma_wait3A_1028 = tpu.memref_slice %arg7[%dma_wait3A_1011, %dma_wait3A_1026, %dma_wait3A_1027] : memref<2x128x129xf32, #tpu.memory_space<vmem>> -> memref<1x32x128xf32, #tpu.memory_space<vmem>>
        %dma_wait3A_1029 = tpu.memref_squeeze %dma_wait3A_1028 : memref<1x32x128xf32, #tpu.memory_space<vmem>> -> memref<32x128xf32, #tpu.memory_space<vmem>>
        tpu.wait_dma2 semaphore(%arg11 : memref<!tpu.dma_semaphore, #tpu.memory_space<semaphore_mem>>) src(%dma_wait3A_1029 : memref<32x128xf32, #tpu.memory_space<vmem>>) dst(%dma_wait3A_1025 : memref<32x128xf32, #tpu.memory_space<hbm>>)
      } else {
      }
      %parallel_loop3A_851 = arith.constant 0 : i32
      %parallel_loop3A_852 = arith.constant 128 : i32
      %parallel_loop3A_853 = arith.constant 1 : i32
      %parallel_loop3A_854 = arith.constant 1 : i32
      scf.for %parallel_loop3A_954 = %parallel_loop3A_851 to %parallel_loop3A_852 step %parallel_loop3A_853  : i32 {
        %parallel_loop3A_955 = arith.constant 1 : i32
        %parallel_loop3A_956 = arith.muli %parallel_loop3A_954, %parallel_loop3A_955 : i32
        %parallel_loop3A_957 = arith.constant 0 : i32
        %parallel_loop3A_958 = arith.addi %parallel_loop3A_956, %parallel_loop3A_957 : i32
        %parallel_loop3A_959 = arith.constant 0 : i32
        %parallel_loop3A_960 = arith.addi %parallel_loop3A_959, %parallel_loop3A_958 : i32
        %parallel_loop3A_961 = vector.broadcast %parallel_loop3A_958 : i32 to vector<16xi32>
        %parallel_loop3A_962 = arith.addi %broadcast_in_dim3A_3, %parallel_loop3A_961 : vector<16xi32>
        %parallel_loop3A_963 = arith.constant 1 : i32
        %parallel_loop3A_964 = arith.index_cast %parallel_loop3A_963 : i32 to index
        %parallel_loop3A_965 = arith.index_cast %parallel_loop3A_960 : i32 to index
        %parallel_loop3A_966 = arith.constant 0 : index
        %parallel_loop3A_967 = tpu.vector_load %arg6[%parallel_loop3A_964, %parallel_loop3A_965, %parallel_loop3A_966] {strides = array<i32>} : memref<2x512x32xf32, #tpu.memory_space<vmem>>, vector<16xf32>,
        %parallel_loop3A_968 = arith.constant 0 : i32
        %parallel_loop3A_969 = arith.constant 0 : i32
        %parallel_loop3A_970 = tpu.memref_slice %arg7[%parallel_loop3A_854, %parallel_loop3A_968, %parallel_loop3A_969] : memref<2x128x129xf32, #tpu.memory_space<vmem>> -> memref<1x128x129xf32, #tpu.memory_space<vmem>>
        %parallel_loop3A_971 = tpu.memref_squeeze %parallel_loop3A_970 : memref<1x128x129xf32, #tpu.memory_space<vmem>> -> memref<128x129xf32, #tpu.memory_space<vmem>>
        tpu.vector_store_idx %parallel_loop3A_971[%add3A_59, %parallel_loop3A_962], %parallel_loop3A_967 : memref<128x129xf32, #tpu.memory_space<vmem>>[vector<16xi32>, vector<16xi32>], vector<16xf32>,
        %parallel_loop3A_972 = arith.constant 1 : i32
        %parallel_loop3A_973 = arith.index_cast %parallel_loop3A_972 : i32 to index
        %parallel_loop3A_974 = arith.index_cast %parallel_loop3A_960 : i32 to index
        %parallel_loop3A_975 = arith.constant 16 : index
        %parallel_loop3A_976 = tpu.vector_load %arg6[%parallel_loop3A_973, %parallel_loop3A_974, %parallel_loop3A_975] {strides = array<i32>} : memref<2x512x32xf32, #tpu.memory_space<vmem>>, vector<16xf32>,
        %parallel_loop3A_977 = arith.constant 0 : i32
        %parallel_loop3A_978 = arith.constant 0 : i32
        %parallel_loop3A_979 = tpu.memref_slice %arg7[%parallel_loop3A_854, %parallel_loop3A_977, %parallel_loop3A_978] : memref<2x128x129xf32, #tpu.memory_space<vmem>> -> memref<1x128x129xf32, #tpu.memory_space<vmem>>
        %parallel_loop3A_980 = tpu.memref_squeeze %parallel_loop3A_979 : memref<1x128x129xf32, #tpu.memory_space<vmem>> -> memref<128x129xf32, #tpu.memory_space<vmem>>
        tpu.vector_store_idx %parallel_loop3A_980[%add3A_125, %parallel_loop3A_962], %parallel_loop3A_976 : memref<128x129xf32, #tpu.memory_space<vmem>>[vector<16xi32>, vector<16xi32>], vector<16xf32>,
      } {sc.loop_unroll_factor = 4 : i64, sc.parallel_access}
      %parallel_loop3A_855 = arith.constant 0 : i32
      %parallel_loop3A_856 = arith.constant 128 : i32
      %parallel_loop3A_857 = arith.constant 1 : i32
      %parallel_loop3A_858 = arith.constant 1 : i32
      scf.for %parallel_loop3A_954 = %parallel_loop3A_855 to %parallel_loop3A_856 step %parallel_loop3A_857  : i32 {
        %parallel_loop3A_955 = arith.constant 1 : i32
        %parallel_loop3A_956 = arith.muli %parallel_loop3A_954, %parallel_loop3A_955 : i32
        %parallel_loop3A_957 = arith.constant 0 : i32
        %parallel_loop3A_958 = arith.addi %parallel_loop3A_956, %parallel_loop3A_957 : i32
        %parallel_loop3A_959 = arith.constant 128 : i32
        %parallel_loop3A_960 = arith.addi %parallel_loop3A_959, %parallel_loop3A_958 : i32
        %parallel_loop3A_961 = vector.broadcast %parallel_loop3A_958 : i32 to vector<16xi32>
        %parallel_loop3A_962 = arith.addi %broadcast_in_dim3A_3, %parallel_loop3A_961 : vector<16xi32>
        %parallel_loop3A_963 = arith.constant 1 : i32
        %parallel_loop3A_964 = arith.index_cast %parallel_loop3A_963 : i32 to index
        %parallel_loop3A_965 = arith.index_cast %parallel_loop3A_960 : i32 to index
        %parallel_loop3A_966 = arith.constant 0 : index
        %parallel_loop3A_967 = tpu.vector_load %arg6[%parallel_loop3A_964, %parallel_loop3A_965, %parallel_loop3A_966] {strides = array<i32>} : memref<2x512x32xf32, #tpu.memory_space<vmem>>, vector<16xf32>,
        %parallel_loop3A_968 = arith.constant 0 : i32
        %parallel_loop3A_969 = arith.constant 0 : i32
        %parallel_loop3A_970 = tpu.memref_slice %arg7[%parallel_loop3A_858, %parallel_loop3A_968, %parallel_loop3A_969] : memref<2x128x129xf32, #tpu.memory_space<vmem>> -> memref<1x128x129xf32, #tpu.memory_space<vmem>>
        %parallel_loop3A_971 = tpu.memref_squeeze %parallel_loop3A_970 : memref<1x128x129xf32, #tpu.memory_space<vmem>> -> memref<128x129xf32, #tpu.memory_space<vmem>>
        tpu.vector_store_idx %parallel_loop3A_971[%add3A_191, %parallel_loop3A_962], %parallel_loop3A_967 : memref<128x129xf32, #tpu.memory_space<vmem>>[vector<16xi32>, vector<16xi32>], vector<16xf32>,
        %parallel_loop3A_972 = arith.constant 1 : i32
        %parallel_loop3A_973 = arith.index_cast %parallel_loop3A_972 : i32 to index
        %parallel_loop3A_974 = arith.index_cast %parallel_loop3A_960 : i32 to index
        %parallel_loop3A_975 = arith.constant 16 : index
        %parallel_loop3A_976 = tpu.vector_load %arg6[%parallel_loop3A_973, %parallel_loop3A_974, %parallel_loop3A_975] {strides = array<i32>} : memref<2x512x32xf32, #tpu.memory_space<vmem>>, vector<16xf32>,
        %parallel_loop3A_977 = arith.constant 0 : i32
        %parallel_loop3A_978 = arith.constant 0 : i32
        %parallel_loop3A_979 = tpu.memref_slice %arg7[%parallel_loop3A_858, %parallel_loop3A_977, %parallel_loop3A_978] : memref<2x128x129xf32, #tpu.memory_space<vmem>> -> memref<1x128x129xf32, #tpu.memory_space<vmem>>
        %parallel_loop3A_980 = tpu.memref_squeeze %parallel_loop3A_979 : memref<1x128x129xf32, #tpu.memory_space<vmem>> -> memref<128x129xf32, #tpu.memory_space<vmem>>
        tpu.vector_store_idx %parallel_loop3A_980[%add3A_257, %parallel_loop3A_962], %parallel_loop3A_976 : memref<128x129xf32, #tpu.memory_space<vmem>>[vector<16xi32>, vector<16xi32>], vector<16xf32>,
      } {sc.loop_unroll_factor = 4 : i64, sc.parallel_access}
      %parallel_loop3A_859 = arith.constant 0 : i32
      %parallel_loop3A_860 = arith.constant 128 : i32
      %parallel_loop3A_861 = arith.constant 1 : i32
      %parallel_loop3A_862 = arith.constant 1 : i32
      scf.for %parallel_loop3A_954 = %parallel_loop3A_859 to %parallel_loop3A_860 step %parallel_loop3A_861  : i32 {
        %parallel_loop3A_955 = arith.constant 1 : i32
        %parallel_loop3A_956 = arith.muli %parallel_loop3A_954, %parallel_loop3A_955 : i32
        %parallel_loop3A_957 = arith.constant 0 : i32
        %parallel_loop3A_958 = arith.addi %parallel_loop3A_956, %parallel_loop3A_957 : i32
        %parallel_loop3A_959 = arith.constant 256 : i32
        %parallel_loop3A_960 = arith.addi %parallel_loop3A_959, %parallel_loop3A_958 : i32
        %parallel_loop3A_961 = vector.broadcast %parallel_loop3A_958 : i32 to vector<16xi32>
        %parallel_loop3A_962 = arith.addi %broadcast_in_dim3A_3, %parallel_loop3A_961 : vector<16xi32>
        %parallel_loop3A_963 = arith.constant 1 : i32
        %parallel_loop3A_964 = arith.index_cast %parallel_loop3A_963 : i32 to index
        %parallel_loop3A_965 = arith.index_cast %parallel_loop3A_960 : i32 to index
        %parallel_loop3A_966 = arith.constant 0 : index
        %parallel_loop3A_967 = tpu.vector_load %arg6[%parallel_loop3A_964, %parallel_loop3A_965, %parallel_loop3A_966] {strides = array<i32>} : memref<2x512x32xf32, #tpu.memory_space<vmem>>, vector<16xf32>,
        %parallel_loop3A_968 = arith.constant 0 : i32
        %parallel_loop3A_969 = arith.constant 0 : i32
        %parallel_loop3A_970 = tpu.memref_slice %arg7[%parallel_loop3A_862, %parallel_loop3A_968, %parallel_loop3A_969] : memref<2x128x129xf32, #tpu.memory_space<vmem>> -> memref<1x128x129xf32, #tpu.memory_space<vmem>>
        %parallel_loop3A_971 = tpu.memref_squeeze %parallel_loop3A_970 : memref<1x128x129xf32, #tpu.memory_space<vmem>> -> memref<128x129xf32, #tpu.memory_space<vmem>>
        tpu.vector_store_idx %parallel_loop3A_971[%add3A_323, %parallel_loop3A_962], %parallel_loop3A_967 : memref<128x129xf32, #tpu.memory_space<vmem>>[vector<16xi32>, vector<16xi32>], vector<16xf32>,
        %parallel_loop3A_972 = arith.constant 1 : i32
        %parallel_loop3A_973 = arith.index_cast %parallel_loop3A_972 : i32 to index
        %parallel_loop3A_974 = arith.index_cast %parallel_loop3A_960 : i32 to index
        %parallel_loop3A_975 = arith.constant 16 : index
        %parallel_loop3A_976 = tpu.vector_load %arg6[%parallel_loop3A_973, %parallel_loop3A_974, %parallel_loop3A_975] {strides = array<i32>} : memref<2x512x32xf32, #tpu.memory_space<vmem>>, vector<16xf32>,
        %parallel_loop3A_977 = arith.constant 0 : i32
        %parallel_loop3A_978 = arith.constant 0 : i32
        %parallel_loop3A_979 = tpu.memref_slice %arg7[%parallel_loop3A_862, %parallel_loop3A_977, %parallel_loop3A_978] : memref<2x128x129xf32, #tpu.memory_space<vmem>> -> memref<1x128x129xf32, #tpu.memory_space<vmem>>
        %parallel_loop3A_980 = tpu.memref_squeeze %parallel_loop3A_979 : memref<1x128x129xf32, #tpu.memory_space<vmem>> -> memref<128x129xf32, #tpu.memory_space<vmem>>
        tpu.vector_store_idx %parallel_loop3A_980[%add3A_389, %parallel_loop3A_962], %parallel_loop3A_976 : memref<128x129xf32, #tpu.memory_space<vmem>>[vector<16xi32>, vector<16xi32>], vector<16xf32>,
      } {sc.loop_unroll_factor = 4 : i64, sc.parallel_access}
      %parallel_loop3A_863 = arith.constant 0 : i32
      %parallel_loop3A_864 = arith.constant 128 : i32
      %parallel_loop3A_865 = arith.constant 1 : i32
      %parallel_loop3A_866 = arith.constant 1 : i32
      scf.for %parallel_loop3A_954 = %parallel_loop3A_863 to %parallel_loop3A_864 step %parallel_loop3A_865  : i32 {
        %parallel_loop3A_955 = arith.constant 1 : i32
        %parallel_loop3A_956 = arith.muli %parallel_loop3A_954, %parallel_loop3A_955 : i32
        %parallel_loop3A_957 = arith.constant 0 : i32
        %parallel_loop3A_958 = arith.addi %parallel_loop3A_956, %parallel_loop3A_957 : i32
        %parallel_loop3A_959 = arith.constant 384 : i32
        %parallel_loop3A_960 = arith.addi %parallel_loop3A_959, %parallel_loop3A_958 : i32
        %parallel_loop3A_961 = vector.broadcast %parallel_loop3A_958 : i32 to vector<16xi32>
        %parallel_loop3A_962 = arith.addi %broadcast_in_dim3A_3, %parallel_loop3A_961 : vector<16xi32>
        %parallel_loop3A_963 = arith.constant 1 : i32
        %parallel_loop3A_964 = arith.index_cast %parallel_loop3A_963 : i32 to index
        %parallel_loop3A_965 = arith.index_cast %parallel_loop3A_960 : i32 to index
        %parallel_loop3A_966 = arith.constant 0 : index
        %parallel_loop3A_967 = tpu.vector_load %arg6[%parallel_loop3A_964, %parallel_loop3A_965, %parallel_loop3A_966] {strides = array<i32>} : memref<2x512x32xf32, #tpu.memory_space<vmem>>, vector<16xf32>,
        %parallel_loop3A_968 = arith.constant 0 : i32
        %parallel_loop3A_969 = arith.constant 0 : i32
        %parallel_loop3A_970 = tpu.memref_slice %arg7[%parallel_loop3A_866, %parallel_loop3A_968, %parallel_loop3A_969] : memref<2x128x129xf32, #tpu.memory_space<vmem>> -> memref<1x128x129xf32, #tpu.memory_space<vmem>>
        %parallel_loop3A_971 = tpu.memref_squeeze %parallel_loop3A_970 : memref<1x128x129xf32, #tpu.memory_space<vmem>> -> memref<128x129xf32, #tpu.memory_space<vmem>>
        tpu.vector_store_idx %parallel_loop3A_971[%add3A_455, %parallel_loop3A_962], %parallel_loop3A_967 : memref<128x129xf32, #tpu.memory_space<vmem>>[vector<16xi32>, vector<16xi32>], vector<16xf32>,
        %parallel_loop3A_972 = arith.constant 1 : i32
        %parallel_loop3A_973 = arith.index_cast %parallel_loop3A_972 : i32 to index
        %parallel_loop3A_974 = arith.index_cast %parallel_loop3A_960 : i32 to index
        %parallel_loop3A_975 = arith.constant 16 : index
        %parallel_loop3A_976 = tpu.vector_load %arg6[%parallel_loop3A_973, %parallel_loop3A_974, %parallel_loop3A_975] {strides = array<i32>} : memref<2x512x32xf32, #tpu.memory_space<vmem>>, vector<16xf32>,
        %parallel_loop3A_977 = arith.constant 0 : i32
        %parallel_loop3A_978 = arith.constant 0 : i32
        %parallel_loop3A_979 = tpu.memref_slice %arg7[%parallel_loop3A_866, %parallel_loop3A_977, %parallel_loop3A_978] : memref<2x128x129xf32, #tpu.memory_space<vmem>> -> memref<1x128x129xf32, #tpu.memory_space<vmem>>
        %parallel_loop3A_980 = tpu.memref_squeeze %parallel_loop3A_979 : memref<1x128x129xf32, #tpu.memory_space<vmem>> -> memref<128x129xf32, #tpu.memory_space<vmem>>
        tpu.vector_store_idx %parallel_loop3A_980[%add3A_521, %parallel_loop3A_962], %parallel_loop3A_976 : memref<128x129xf32, #tpu.memory_space<vmem>>[vector<16xi32>, vector<16xi32>], vector<16xf32>,
      } {sc.loop_unroll_factor = 4 : i64, sc.parallel_access}
      %add3A_867 = arith.constant 2 : i32
      %add3A_868 = arith.addi %add3A_833, %add3A_867 : i32
      %lt3A_869 = arith.constant 200 : i32
      %lt3A_870 = arith.cmpi slt, %add3A_868, %lt3A_869 : i32
      %convert_element_type3A_871 = arith.extui %lt3A_870 : i1 to i32
      %cond3A_872 = arith.constant 0 : i32
      %cond3A_873 = arith.cmpi ne, %convert_element_type3A_871, %cond3A_872 : i32
      scf.if %cond3A_873 {
        %add3A_954 = arith.constant 2 : i32
        %add3A_955 = arith.addi %add3A_833, %add3A_954 : i32
        %mul3A_956 = arith.constant 16384 : i32
        %mul3A_957 = arith.muli %add3A_955, %mul3A_956 : i32
        %add3A_958 = arith.addi %mul3A_957, %mul3A_2 : i32
        %run_scoped3A_959 = arith.constant 1 : i32
        "tpu.region"() ({
          %run_scoped3A_972 = tpu.sem_alloc : memref<!tpu.dma_semaphore, #tpu.memory_space<semaphore_mem>>
          %dma_start3A_973 = arith.constant 0 : i32
          %dma_start3A_974 = tpu.memref_slice %arg5[%run_scoped3A_959, %dma_start3A_973] : memref<2x512xi32, #tpu.memory_space<vmem>> -> memref<1x512xi32, #tpu.memory_space<vmem>>
          %dma_start3A_975 = tpu.memref_squeeze %dma_start3A_974 : memref<1x512xi32, #tpu.memory_space<vmem>> -> memref<512xi32, #tpu.memory_space<vmem>>
          %dma_start3A_976 = tpu.memref_slice %arg2[%add3A_958] : memref<3276800xi32, #tpu.memory_space<hbm>> -> memref<512xi32, #tpu.memory_space<hbm>>
          %dma_start3A_977 = arith.constant 0 : i32
          %dma_start3A_978 = tpu.memref_slice %arg5[%run_scoped3A_959, %dma_start3A_977] : memref<2x512xi32, #tpu.memory_space<vmem>> -> memref<1x512xi32, #tpu.memory_space<vmem>>
          %dma_start3A_979 = tpu.memref_squeeze %dma_start3A_978 : memref<1x512xi32, #tpu.memory_space<vmem>> -> memref<512xi32, #tpu.memory_space<vmem>>
          %dma_start3A_980 = tpu.memref_slice %arg2[%add3A_958] : memref<3276800xi32, #tpu.memory_space<hbm>> -> memref<512xi32, #tpu.memory_space<hbm>>
          tpu.enqueue_dma source(%dma_start3A_980 : memref<512xi32, #tpu.memory_space<hbm>>) target(%dma_start3A_979 : memref<512xi32, #tpu.memory_space<vmem>>) target_semaphore(%run_scoped3A_972 : memref<!tpu.dma_semaphore, #tpu.memory_space<semaphore_mem>>)
          %dma_wait3A_981 = arith.constant 0 : i32
          %dma_wait3A_982 = tpu.memref_slice %arg5[%run_scoped3A_959, %dma_wait3A_981] : memref<2x512xi32, #tpu.memory_space<vmem>> -> memref<1x512xi32, #tpu.memory_space<vmem>>
          %dma_wait3A_983 = tpu.memref_squeeze %dma_wait3A_982 : memref<1x512xi32, #tpu.memory_space<vmem>> -> memref<512xi32, #tpu.memory_space<vmem>>
          %dma_wait3A_984 = tpu.memref_slice %arg2[%add3A_958] : memref<3276800xi32, #tpu.memory_space<hbm>> -> memref<512xi32, #tpu.memory_space<hbm>>
          %dma_wait3A_985 = arith.constant 0 : i32
          %dma_wait3A_986 = tpu.memref_slice %arg5[%run_scoped3A_959, %dma_wait3A_985] : memref<2x512xi32, #tpu.memory_space<vmem>> -> memref<1x512xi32, #tpu.memory_space<vmem>>
          %dma_wait3A_987 = tpu.memref_squeeze %dma_wait3A_986 : memref<1x512xi32, #tpu.memory_space<vmem>> -> memref<512xi32, #tpu.memory_space<vmem>>
          %dma_wait3A_988 = tpu.memref_slice %arg2[%add3A_958] : memref<3276800xi32, #tpu.memory_space<hbm>> -> memref<512xi32, #tpu.memory_space<hbm>>
          tpu.wait_dma2 semaphore(%run_scoped3A_972 : memref<!tpu.dma_semaphore, #tpu.memory_space<semaphore_mem>>) src(%dma_wait3A_988 : memref<512xi32, #tpu.memory_space<hbm>>) dst(%dma_wait3A_987 : memref<512xi32, #tpu.memory_space<vmem>>)
          tpu.yield
        }) : () -> ()
        %dma_start3A_960 = arith.constant 1 : i32
        %dma_start3A_961 = arith.constant 1 : i32
        %dma_start3A_962 = arith.constant 0 : i32
        %dma_start3A_963 = arith.constant 0 : i32
        %dma_start3A_964 = tpu.memref_slice %arg6[%dma_start3A_961, %dma_start3A_962, %dma_start3A_963] : memref<2x512x32xf32, #tpu.memory_space<vmem>> -> memref<1x512x32xf32, #tpu.memory_space<vmem>>
        %dma_start3A_965 = tpu.memref_squeeze %dma_start3A_964 : memref<1x512x32xf32, #tpu.memory_space<vmem>> -> memref<512x32xf32, #tpu.memory_space<vmem>>
        %dma_start3A_966 = arith.constant 0 : i32
        %dma_start3A_967 = tpu.memref_slice %arg5[%dma_start3A_960, %dma_start3A_966] : memref<2x512xi32, #tpu.memory_space<vmem>> -> memref<1x512xi32, #tpu.memory_space<vmem>>
        %dma_start3A_968 = tpu.memref_squeeze %dma_start3A_967 : memref<1x512xi32, #tpu.memory_space<vmem>> -> memref<512xi32, #tpu.memory_space<vmem>>
        %dma_start3A_969 = arith.constant 0 : i32
        %dma_start3A_970 = arith.constant 0 : i32
        %dma_start3A_971 = tpu.memref_slice %arg3[%dma_start3A_969, %dma_start3A_970] : memref<1000000x32xf32, #tpu.memory_space<hbm>> -> memref<1000000x32xf32, #tpu.memory_space<hbm>>
        tpu.enqueue_indirect_dma source(%dma_start3A_971 : memref<1000000x32xf32, #tpu.memory_space<hbm>>) target(%dma_start3A_965 : memref<512x32xf32, #tpu.memory_space<vmem>>) offsets(%dma_start3A_968 : memref<512xi32, #tpu.memory_space<vmem>>) semaphore(%arg9 : memref<!tpu.dma_semaphore, #tpu.memory_space<semaphore_mem>>)
      } else {
      }
      %mul3A_874 = arith.constant 4 : i32
      %mul3A_875 = arith.muli %add3A, %mul3A_874 : i32
      %mul3A_876 = arith.constant 8 : i32
      %mul3A_877 = arith.muli %mul3A_875, %mul3A_876 : i32
      %dma_start3A_878 = arith.constant 1 : i32
      %dma_start3A_879 = arith.constant 0 : i32
      %dma_start3A_880 = arith.constant 0 : i32
      %dma_start3A_881 = arith.constant 0 : i32
      %dma_start3A_882 = tpu.memref_slice %arg7[%dma_start3A_878, %dma_start3A_880, %dma_start3A_881] : memref<2x128x129xf32, #tpu.memory_space<vmem>> -> memref<1x32x128xf32, #tpu.memory_space<vmem>>
      %dma_start3A_883 = tpu.memref_squeeze %dma_start3A_882 : memref<1x32x128xf32, #tpu.memory_space<vmem>> -> memref<32x128xf32, #tpu.memory_space<vmem>>
      %dma_start3A_884 = arith.constant 0 : i32
      %dma_start3A_885 = tpu.memref_slice %arg4[%add3A_833, %dma_start3A_879, %mul3A_877, %dma_start3A_884] : memref<200x4x1024x128xf32, #tpu.memory_space<hbm>> -> memref<1x1x32x128xf32, #tpu.memory_space<hbm>>
      %dma_start3A_886 = tpu.memref_squeeze %dma_start3A_885 : memref<1x1x32x128xf32, #tpu.memory_space<hbm>> -> memref<32x128xf32, #tpu.memory_space<hbm>>
      %dma_start3A_887 = arith.constant 0 : i32
      %dma_start3A_888 = tpu.memref_slice %arg4[%add3A_833, %dma_start3A_879, %mul3A_877, %dma_start3A_887] : memref<200x4x1024x128xf32, #tpu.memory_space<hbm>> -> memref<1x1x32x128xf32, #tpu.memory_space<hbm>>
      %dma_start3A_889 = tpu.memref_squeeze %dma_start3A_888 : memref<1x1x32x128xf32, #tpu.memory_space<hbm>> -> memref<32x128xf32, #tpu.memory_space<hbm>>
      %dma_start3A_890 = arith.constant 0 : i32
      %dma_start3A_891 = arith.constant 0 : i32
      %dma_start3A_892 = tpu.memref_slice %arg7[%dma_start3A_878, %dma_start3A_890, %dma_start3A_891] : memref<2x128x129xf32, #tpu.memory_space<vmem>> -> memref<1x32x128xf32, #tpu.memory_space<vmem>>
      %dma_start3A_893 = tpu.memref_squeeze %dma_start3A_892 : memref<1x32x128xf32, #tpu.memory_space<vmem>> -> memref<32x128xf32, #tpu.memory_space<vmem>>
      tpu.enqueue_dma source(%dma_start3A_893 : memref<32x128xf32, #tpu.memory_space<vmem>>) target(%dma_start3A_889 : memref<32x128xf32, #tpu.memory_space<hbm>>) target_semaphore(%arg11 : memref<!tpu.dma_semaphore, #tpu.memory_space<semaphore_mem>>)
      %mul3A_894 = arith.constant 4 : i32
      %mul3A_895 = arith.muli %add3A, %mul3A_894 : i32
      %mul3A_896 = arith.constant 8 : i32
      %mul3A_897 = arith.muli %mul3A_895, %mul3A_896 : i32
      %dma_start3A_898 = arith.constant 1 : i32
      %dma_start3A_899 = arith.constant 1 : i32
      %dma_start3A_900 = arith.constant 32 : i32
      %dma_start3A_901 = arith.constant 0 : i32
      %dma_start3A_902 = tpu.memref_slice %arg7[%dma_start3A_898, %dma_start3A_900, %dma_start3A_901] : memref<2x128x129xf32, #tpu.memory_space<vmem>> -> memref<1x32x128xf32, #tpu.memory_space<vmem>>
      %dma_start3A_903 = tpu.memref_squeeze %dma_start3A_902 : memref<1x32x128xf32, #tpu.memory_space<vmem>> -> memref<32x128xf32, #tpu.memory_space<vmem>>
      %dma_start3A_904 = arith.constant 0 : i32
      %dma_start3A_905 = tpu.memref_slice %arg4[%add3A_833, %dma_start3A_899, %mul3A_897, %dma_start3A_904] : memref<200x4x1024x128xf32, #tpu.memory_space<hbm>> -> memref<1x1x32x128xf32, #tpu.memory_space<hbm>>
      %dma_start3A_906 = tpu.memref_squeeze %dma_start3A_905 : memref<1x1x32x128xf32, #tpu.memory_space<hbm>> -> memref<32x128xf32, #tpu.memory_space<hbm>>
      %dma_start3A_907 = arith.constant 0 : i32
      %dma_start3A_908 = tpu.memref_slice %arg4[%add3A_833, %dma_start3A_899, %mul3A_897, %dma_start3A_907] : memref<200x4x1024x128xf32, #tpu.memory_space<hbm>> -> memref<1x1x32x128xf32, #tpu.memory_space<hbm>>
      %dma_start3A_909 = tpu.memref_squeeze %dma_start3A_908 : memref<1x1x32x128xf32, #tpu.memory_space<hbm>> -> memref<32x128xf32, #tpu.memory_space<hbm>>
      %dma_start3A_910 = arith.constant 32 : i32
      %dma_start3A_911 = arith.constant 0 : i32
      %dma_start3A_912 = tpu.memref_slice %arg7[%dma_start3A_898, %dma_start3A_910, %dma_start3A_911] : memref<2x128x129xf32, #tpu.memory_space<vmem>> -> memref<1x32x128xf32, #tpu.memory_space<vmem>>
      %dma_start3A_913 = tpu.memref_squeeze %dma_start3A_912 : memref<1x32x128xf32, #tpu.memory_space<vmem>> -> memref<32x128xf32, #tpu.memory_space<vmem>>
      tpu.enqueue_dma source(%dma_start3A_913 : memref<32x128xf32, #tpu.memory_space<vmem>>) target(%dma_start3A_909 : memref<32x128xf32, #tpu.memory_space<hbm>>) target_semaphore(%arg11 : memref<!tpu.dma_semaphore, #tpu.memory_space<semaphore_mem>>)
      %mul3A_914 = arith.constant 4 : i32
      %mul3A_915 = arith.muli %add3A, %mul3A_914 : i32
      %mul3A_916 = arith.constant 8 : i32
      %mul3A_917 = arith.muli %mul3A_915, %mul3A_916 : i32
      %dma_start3A_918 = arith.constant 1 : i32
      %dma_start3A_919 = arith.constant 2 : i32
      %dma_start3A_920 = arith.constant 64 : i32
      %dma_start3A_921 = arith.constant 0 : i32
      %dma_start3A_922 = tpu.memref_slice %arg7[%dma_start3A_918, %dma_start3A_920, %dma_start3A_921] : memref<2x128x129xf32, #tpu.memory_space<vmem>> -> memref<1x32x128xf32, #tpu.memory_space<vmem>>
      %dma_start3A_923 = tpu.memref_squeeze %dma_start3A_922 : memref<1x32x128xf32, #tpu.memory_space<vmem>> -> memref<32x128xf32, #tpu.memory_space<vmem>>
      %dma_start3A_924 = arith.constant 0 : i32
      %dma_start3A_925 = tpu.memref_slice %arg4[%add3A_833, %dma_start3A_919, %mul3A_917, %dma_start3A_924] : memref<200x4x1024x128xf32, #tpu.memory_space<hbm>> -> memref<1x1x32x128xf32, #tpu.memory_space<hbm>>
      %dma_start3A_926 = tpu.memref_squeeze %dma_start3A_925 : memref<1x1x32x128xf32, #tpu.memory_space<hbm>> -> memref<32x128xf32, #tpu.memory_space<hbm>>
      %dma_start3A_927 = arith.constant 0 : i32
      %dma_start3A_928 = tpu.memref_slice %arg4[%add3A_833, %dma_start3A_919, %mul3A_917, %dma_start3A_927] : memref<200x4x1024x128xf32, #tpu.memory_space<hbm>> -> memref<1x1x32x128xf32, #tpu.memory_space<hbm>>
      %dma_start3A_929 = tpu.memref_squeeze %dma_start3A_928 : memref<1x1x32x128xf32, #tpu.memory_space<hbm>> -> memref<32x128xf32, #tpu.memory_space<hbm>>
      %dma_start3A_930 = arith.constant 64 : i32
      %dma_start3A_931 = arith.constant 0 : i32
      %dma_start3A_932 = tpu.memref_slice %arg7[%dma_start3A_918, %dma_start3A_930, %dma_start3A_931] : memref<2x128x129xf32, #tpu.memory_space<vmem>> -> memref<1x32x128xf32, #tpu.memory_space<vmem>>
      %dma_start3A_933 = tpu.memref_squeeze %dma_start3A_932 : memref<1x32x128xf32, #tpu.memory_space<vmem>> -> memref<32x128xf32, #tpu.memory_space<vmem>>
      tpu.enqueue_dma source(%dma_start3A_933 : memref<32x128xf32, #tpu.memory_space<vmem>>) target(%dma_start3A_929 : memref<32x128xf32, #tpu.memory_space<hbm>>) target_semaphore(%arg11 : memref<!tpu.dma_semaphore, #tpu.memory_space<semaphore_mem>>)
      %mul3A_934 = arith.constant 4 : i32
      %mul3A_935 = arith.muli %add3A, %mul3A_934 : i32
      %mul3A_936 = arith.constant 8 : i32
      %mul3A_937 = arith.muli %mul3A_935, %mul3A_936 : i32
      %dma_start3A_938 = arith.constant 1 : i32
      %dma_start3A_939 = arith.constant 3 : i32
      %dma_start3A_940 = arith.constant 96 : i32
      %dma_start3A_941 = arith.constant 0 : i32
      %dma_start3A_942 = tpu.memref_slice %arg7[%dma_start3A_938, %dma_start3A_940, %dma_start3A_941] : memref<2x128x129xf32, #tpu.memory_space<vmem>> -> memref<1x32x128xf32, #tpu.memory_space<vmem>>
      %dma_start3A_943 = tpu.memref_squeeze %dma_start3A_942 : memref<1x32x128xf32, #tpu.memory_space<vmem>> -> memref<32x128xf32, #tpu.memory_space<vmem>>
      %dma_start3A_944 = arith.constant 0 : i32
      %dma_start3A_945 = tpu.memref_slice %arg4[%add3A_833, %dma_start3A_939, %mul3A_937, %dma_start3A_944] : memref<200x4x1024x128xf32, #tpu.memory_space<hbm>> -> memref<1x1x32x128xf32, #tpu.memory_space<hbm>>
      %dma_start3A_946 = tpu.memref_squeeze %dma_start3A_945 : memref<1x1x32x128xf32, #tpu.memory_space<hbm>> -> memref<32x128xf32, #tpu.memory_space<hbm>>
      %dma_start3A_947 = arith.constant 0 : i32
      %dma_start3A_948 = tpu.memref_slice %arg4[%add3A_833, %dma_start3A_939, %mul3A_937, %dma_start3A_947] : memref<200x4x1024x128xf32, #tpu.memory_space<hbm>> -> memref<1x1x32x128xf32, #tpu.memory_space<hbm>>
      %dma_start3A_949 = tpu.memref_squeeze %dma_start3A_948 : memref<1x1x32x128xf32, #tpu.memory_space<hbm>> -> memref<32x128xf32, #tpu.memory_space<hbm>>
      %dma_start3A_950 = arith.constant 96 : i32
      %dma_start3A_951 = arith.constant 0 : i32
      %dma_start3A_952 = tpu.memref_slice %arg7[%dma_start3A_938, %dma_start3A_950, %dma_start3A_951] : memref<2x128x129xf32, #tpu.memory_space<vmem>> -> memref<1x32x128xf32, #tpu.memory_space<vmem>>
      %dma_start3A_953 = tpu.memref_squeeze %dma_start3A_952 : memref<1x32x128xf32, #tpu.memory_space<vmem>> -> memref<32x128xf32, #tpu.memory_space<vmem>>
      tpu.enqueue_dma source(%dma_start3A_953 : memref<32x128xf32, #tpu.memory_space<vmem>>) target(%dma_start3A_949 : memref<32x128xf32, #tpu.memory_space<hbm>>) target_semaphore(%arg11 : memref<!tpu.dma_semaphore, #tpu.memory_space<semaphore_mem>>)
    }
    %scan3A_553 = arith.constant 100 : i32
    %dma_wait3A = arith.constant 0 : i32
    %dma_wait3A_554 = arith.constant 0 : i32
    %dma_wait3A_555 = arith.constant 0 : i32
    %dma_wait3A_556 = arith.constant 0 : i32
    %dma_wait3A_557 = arith.constant 0 : i32
    %dma_wait3A_558 = tpu.memref_slice %arg7[%dma_wait3A, %dma_wait3A_556, %dma_wait3A_557] : memref<2x128x129xf32, #tpu.memory_space<vmem>> -> memref<1x32x128xf32, #tpu.memory_space<vmem>>
    %dma_wait3A_559 = tpu.memref_squeeze %dma_wait3A_558 : memref<1x32x128xf32, #tpu.memory_space<vmem>> -> memref<32x128xf32, #tpu.memory_space<vmem>>
    %dma_wait3A_560 = arith.constant 0 : i32
    %dma_wait3A_561 = arith.constant 0 : i32
    %dma_wait3A_562 = tpu.memref_slice %arg4[%dma_wait3A_554, %dma_wait3A_555, %dma_wait3A_560, %dma_wait3A_561] : memref<200x4x1024x128xf32, #tpu.memory_space<hbm>> -> memref<1x1x32x128xf32, #tpu.memory_space<hbm>>
    %dma_wait3A_563 = tpu.memref_squeeze %dma_wait3A_562 : memref<1x1x32x128xf32, #tpu.memory_space<hbm>> -> memref<32x128xf32, #tpu.memory_space<hbm>>
    %dma_wait3A_564 = arith.constant 0 : i32
    %dma_wait3A_565 = arith.constant 0 : i32
    %dma_wait3A_566 = tpu.memref_slice %arg4[%dma_wait3A_554, %dma_wait3A_555, %dma_wait3A_564, %dma_wait3A_565] : memref<200x4x1024x128xf32, #tpu.memory_space<hbm>> -> memref<1x1x32x128xf32, #tpu.memory_space<hbm>>
    %dma_wait3A_567 = tpu.memref_squeeze %dma_wait3A_566 : memref<1x1x32x128xf32, #tpu.memory_space<hbm>> -> memref<32x128xf32, #tpu.memory_space<hbm>>
    %dma_wait3A_568 = arith.constant 0 : i32
    %dma_wait3A_569 = arith.constant 0 : i32
    %dma_wait3A_570 = tpu.memref_slice %arg7[%dma_wait3A, %dma_wait3A_568, %dma_wait3A_569] : memref<2x128x129xf32, #tpu.memory_space<vmem>> -> memref<1x32x128xf32, #tpu.memory_space<vmem>>
    %dma_wait3A_571 = tpu.memref_squeeze %dma_wait3A_570 : memref<1x32x128xf32, #tpu.memory_space<vmem>> -> memref<32x128xf32, #tpu.memory_space<vmem>>
    tpu.wait_dma2 semaphore(%arg10 : memref<!tpu.dma_semaphore, #tpu.memory_space<semaphore_mem>>) src(%dma_wait3A_571 : memref<32x128xf32, #tpu.memory_space<vmem>>) dst(%dma_wait3A_567 : memref<32x128xf32, #tpu.memory_space<hbm>>)
    %dma_wait3A_572 = arith.constant 0 : i32
    %dma_wait3A_573 = arith.constant 0 : i32
    %dma_wait3A_574 = arith.constant 0 : i32
    %dma_wait3A_575 = arith.constant 32 : i32
    %dma_wait3A_576 = arith.constant 0 : i32
    %dma_wait3A_577 = tpu.memref_slice %arg7[%dma_wait3A_572, %dma_wait3A_575, %dma_wait3A_576] : memref<2x128x129xf32, #tpu.memory_space<vmem>> -> memref<1x32x128xf32, #tpu.memory_space<vmem>>
    %dma_wait3A_578 = tpu.memref_squeeze %dma_wait3A_577 : memref<1x32x128xf32, #tpu.memory_space<vmem>> -> memref<32x128xf32, #tpu.memory_space<vmem>>
    %dma_wait3A_579 = arith.constant 0 : i32
    %dma_wait3A_580 = arith.constant 0 : i32
    %dma_wait3A_581 = tpu.memref_slice %arg4[%dma_wait3A_573, %dma_wait3A_574, %dma_wait3A_579, %dma_wait3A_580] : memref<200x4x1024x128xf32, #tpu.memory_space<hbm>> -> memref<1x1x32x128xf32, #tpu.memory_space<hbm>>
    %dma_wait3A_582 = tpu.memref_squeeze %dma_wait3A_581 : memref<1x1x32x128xf32, #tpu.memory_space<hbm>> -> memref<32x128xf32, #tpu.memory_space<hbm>>
    %dma_wait3A_583 = arith.constant 0 : i32
    %dma_wait3A_584 = arith.constant 0 : i32
    %dma_wait3A_585 = tpu.memref_slice %arg4[%dma_wait3A_573, %dma_wait3A_574, %dma_wait3A_583, %dma_wait3A_584] : memref<200x4x1024x128xf32, #tpu.memory_space<hbm>> -> memref<1x1x32x128xf32, #tpu.memory_space<hbm>>
    %dma_wait3A_586 = tpu.memref_squeeze %dma_wait3A_585 : memref<1x1x32x128xf32, #tpu.memory_space<hbm>> -> memref<32x128xf32, #tpu.memory_space<hbm>>
    %dma_wait3A_587 = arith.constant 32 : i32
    %dma_wait3A_588 = arith.constant 0 : i32
    %dma_wait3A_589 = tpu.memref_slice %arg7[%dma_wait3A_572, %dma_wait3A_587, %dma_wait3A_588] : memref<2x128x129xf32, #tpu.memory_space<vmem>> -> memref<1x32x128xf32, #tpu.memory_space<vmem>>
    %dma_wait3A_590 = tpu.memref_squeeze %dma_wait3A_589 : memref<1x32x128xf32, #tpu.memory_space<vmem>> -> memref<32x128xf32, #tpu.memory_space<vmem>>
    tpu.wait_dma2 semaphore(%arg10 : memref<!tpu.dma_semaphore, #tpu.memory_space<semaphore_mem>>) src(%dma_wait3A_590 : memref<32x128xf32, #tpu.memory_space<vmem>>) dst(%dma_wait3A_586 : memref<32x128xf32, #tpu.memory_space<hbm>>)
    %dma_wait3A_591 = arith.constant 0 : i32
    %dma_wait3A_592 = arith.constant 0 : i32
    %dma_wait3A_593 = arith.constant 0 : i32
    %dma_wait3A_594 = arith.constant 64 : i32
    %dma_wait3A_595 = arith.constant 0 : i32
    %dma_wait3A_596 = tpu.memref_slice %arg7[%dma_wait3A_591, %dma_wait3A_594, %dma_wait3A_595] : memref<2x128x129xf32, #tpu.memory_space<vmem>> -> memref<1x32x128xf32, #tpu.memory_space<vmem>>
    %dma_wait3A_597 = tpu.memref_squeeze %dma_wait3A_596 : memref<1x32x128xf32, #tpu.memory_space<vmem>> -> memref<32x128xf32, #tpu.memory_space<vmem>>
    %dma_wait3A_598 = arith.constant 0 : i32
    %dma_wait3A_599 = arith.constant 0 : i32
    %dma_wait3A_600 = tpu.memref_slice %arg4[%dma_wait3A_592, %dma_wait3A_593, %dma_wait3A_598, %dma_wait3A_599] : memref<200x4x1024x128xf32, #tpu.memory_space<hbm>> -> memref<1x1x32x128xf32, #tpu.memory_space<hbm>>
    %dma_wait3A_601 = tpu.memref_squeeze %dma_wait3A_600 : memref<1x1x32x128xf32, #tpu.memory_space<hbm>> -> memref<32x128xf32, #tpu.memory_space<hbm>>
    %dma_wait3A_602 = arith.constant 0 : i32
    %dma_wait3A_603 = arith.constant 0 : i32
    %dma_wait3A_604 = tpu.memref_slice %arg4[%dma_wait3A_592, %dma_wait3A_593, %dma_wait3A_602, %dma_wait3A_603] : memref<200x4x1024x128xf32, #tpu.memory_space<hbm>> -> memref<1x1x32x128xf32, #tpu.memory_space<hbm>>
    %dma_wait3A_605 = tpu.memref_squeeze %dma_wait3A_604 : memref<1x1x32x128xf32, #tpu.memory_space<hbm>> -> memref<32x128xf32, #tpu.memory_space<hbm>>
    %dma_wait3A_606 = arith.constant 64 : i32
    %dma_wait3A_607 = arith.constant 0 : i32
    %dma_wait3A_608 = tpu.memref_slice %arg7[%dma_wait3A_591, %dma_wait3A_606, %dma_wait3A_607] : memref<2x128x129xf32, #tpu.memory_space<vmem>> -> memref<1x32x128xf32, #tpu.memory_space<vmem>>
    %dma_wait3A_609 = tpu.memref_squeeze %dma_wait3A_608 : memref<1x32x128xf32, #tpu.memory_space<vmem>> -> memref<32x128xf32, #tpu.memory_space<vmem>>
    tpu.wait_dma2 semaphore(%arg10 : memref<!tpu.dma_semaphore, #tpu.memory_space<semaphore_mem>>) src(%dma_wait3A_609 : memref<32x128xf32, #tpu.memory_space<vmem>>) dst(%dma_wait3A_605 : memref<32x128xf32, #tpu.memory_space<hbm>>)
    %dma_wait3A_610 = arith.constant 0 : i32
    %dma_wait3A_611 = arith.constant 0 : i32
    %dma_wait3A_612 = arith.constant 0 : i32
    %dma_wait3A_613 = arith.constant 96 : i32
    %dma_wait3A_614 = arith.constant 0 : i32
    %dma_wait3A_615 = tpu.memref_slice %arg7[%dma_wait3A_610, %dma_wait3A_613, %dma_wait3A_614] : memref<2x128x129xf32, #tpu.memory_space<vmem>> -> memref<1x32x128xf32, #tpu.memory_space<vmem>>
    %dma_wait3A_616 = tpu.memref_squeeze %dma_wait3A_615 : memref<1x32x128xf32, #tpu.memory_space<vmem>> -> memref<32x128xf32, #tpu.memory_space<vmem>>
    %dma_wait3A_617 = arith.constant 0 : i32
    %dma_wait3A_618 = arith.constant 0 : i32
    %dma_wait3A_619 = tpu.memref_slice %arg4[%dma_wait3A_611, %dma_wait3A_612, %dma_wait3A_617, %dma_wait3A_618] : memref<200x4x1024x128xf32, #tpu.memory_space<hbm>> -> memref<1x1x32x128xf32, #tpu.memory_space<hbm>>
    %dma_wait3A_620 = tpu.memref_squeeze %dma_wait3A_619 : memref<1x1x32x128xf32, #tpu.memory_space<hbm>> -> memref<32x128xf32, #tpu.memory_space<hbm>>
    %dma_wait3A_621 = arith.constant 0 : i32
    %dma_wait3A_622 = arith.constant 0 : i32
    %dma_wait3A_623 = tpu.memref_slice %arg4[%dma_wait3A_611, %dma_wait3A_612, %dma_wait3A_621, %dma_wait3A_622] : memref<200x4x1024x128xf32, #tpu.memory_space<hbm>> -> memref<1x1x32x128xf32, #tpu.memory_space<hbm>>
    %dma_wait3A_624 = tpu.memref_squeeze %dma_wait3A_623 : memref<1x1x32x128xf32, #tpu.memory_space<hbm>> -> memref<32x128xf32, #tpu.memory_space<hbm>>
    %dma_wait3A_625 = arith.constant 96 : i32
    %dma_wait3A_626 = arith.constant 0 : i32
    %dma_wait3A_627 = tpu.memref_slice %arg7[%dma_wait3A_610, %dma_wait3A_625, %dma_wait3A_626] : memref<2x128x129xf32, #tpu.memory_space<vmem>> -> memref<1x32x128xf32, #tpu.memory_space<vmem>>
    %dma_wait3A_628 = tpu.memref_squeeze %dma_wait3A_627 : memref<1x32x128xf32, #tpu.memory_space<vmem>> -> memref<32x128xf32, #tpu.memory_space<vmem>>
    tpu.wait_dma2 semaphore(%arg10 : memref<!tpu.dma_semaphore, #tpu.memory_space<semaphore_mem>>) src(%dma_wait3A_628 : memref<32x128xf32, #tpu.memory_space<vmem>>) dst(%dma_wait3A_624 : memref<32x128xf32, #tpu.memory_space<hbm>>)
    %dma_wait3A_629 = arith.constant 1 : i32
    %dma_wait3A_630 = arith.constant 0 : i32
    %dma_wait3A_631 = arith.constant 0 : i32
    %dma_wait3A_632 = arith.constant 0 : i32
    %dma_wait3A_633 = arith.constant 0 : i32
    %dma_wait3A_634 = tpu.memref_slice %arg7[%dma_wait3A_629, %dma_wait3A_632, %dma_wait3A_633] : memref<2x128x129xf32, #tpu.memory_space<vmem>> -> memref<1x32x128xf32, #tpu.memory_space<vmem>>
    %dma_wait3A_635 = tpu.memref_squeeze %dma_wait3A_634 : memref<1x32x128xf32, #tpu.memory_space<vmem>> -> memref<32x128xf32, #tpu.memory_space<vmem>>
    %dma_wait3A_636 = arith.constant 0 : i32
    %dma_wait3A_637 = arith.constant 0 : i32
    %dma_wait3A_638 = tpu.memref_slice %arg4[%dma_wait3A_630, %dma_wait3A_631, %dma_wait3A_636, %dma_wait3A_637] : memref<200x4x1024x128xf32, #tpu.memory_space<hbm>> -> memref<1x1x32x128xf32, #tpu.memory_space<hbm>>
    %dma_wait3A_639 = tpu.memref_squeeze %dma_wait3A_638 : memref<1x1x32x128xf32, #tpu.memory_space<hbm>> -> memref<32x128xf32, #tpu.memory_space<hbm>>
    %dma_wait3A_640 = arith.constant 0 : i32
    %dma_wait3A_641 = arith.constant 0 : i32
    %dma_wait3A_642 = tpu.memref_slice %arg4[%dma_wait3A_630, %dma_wait3A_631, %dma_wait3A_640, %dma_wait3A_641] : memref<200x4x1024x128xf32, #tpu.memory_space<hbm>> -> memref<1x1x32x128xf32, #tpu.memory_space<hbm>>
    %dma_wait3A_643 = tpu.memref_squeeze %dma_wait3A_642 : memref<1x1x32x128xf32, #tpu.memory_space<hbm>> -> memref<32x128xf32, #tpu.memory_space<hbm>>
    %dma_wait3A_644 = arith.constant 0 : i32
    %dma_wait3A_645 = arith.constant 0 : i32
    %dma_wait3A_646 = tpu.memref_slice %arg7[%dma_wait3A_629, %dma_wait3A_644, %dma_wait3A_645] : memref<2x128x129xf32, #tpu.memory_space<vmem>> -> memref<1x32x128xf32, #tpu.memory_space<vmem>>
    %dma_wait3A_647 = tpu.memref_squeeze %dma_wait3A_646 : memref<1x32x128xf32, #tpu.memory_space<vmem>> -> memref<32x128xf32, #tpu.memory_space<vmem>>
    tpu.wait_dma2 semaphore(%arg11 : memref<!tpu.dma_semaphore, #tpu.memory_space<semaphore_mem>>) src(%dma_wait3A_647 : memref<32x128xf32, #tpu.memory_space<vmem>>) dst(%dma_wait3A_643 : memref<32x128xf32, #tpu.memory_space<hbm>>)
    %dma_wait3A_648 = arith.constant 1 : i32
    %dma_wait3A_649 = arith.constant 0 : i32
    %dma_wait3A_650 = arith.constant 0 : i32
    %dma_wait3A_651 = arith.constant 32 : i32
    %dma_wait3A_652 = arith.constant 0 : i32
    %dma_wait3A_653 = tpu.memref_slice %arg7[%dma_wait3A_648, %dma_wait3A_651, %dma_wait3A_652] : memref<2x128x129xf32, #tpu.memory_space<vmem>> -> memref<1x32x128xf32, #tpu.memory_space<vmem>>
    %dma_wait3A_654 = tpu.memref_squeeze %dma_wait3A_653 : memref<1x32x128xf32, #tpu.memory_space<vmem>> -> memref<32x128xf32, #tpu.memory_space<vmem>>
    %dma_wait3A_655 = arith.constant 0 : i32
    %dma_wait3A_656 = arith.constant 0 : i32
    %dma_wait3A_657 = tpu.memref_slice %arg4[%dma_wait3A_649, %dma_wait3A_650, %dma_wait3A_655, %dma_wait3A_656] : memref<200x4x1024x128xf32, #tpu.memory_space<hbm>> -> memref<1x1x32x128xf32, #tpu.memory_space<hbm>>
    %dma_wait3A_658 = tpu.memref_squeeze %dma_wait3A_657 : memref<1x1x32x128xf32, #tpu.memory_space<hbm>> -> memref<32x128xf32, #tpu.memory_space<hbm>>
    %dma_wait3A_659 = arith.constant 0 : i32
    %dma_wait3A_660 = arith.constant 0 : i32
    %dma_wait3A_661 = tpu.memref_slice %arg4[%dma_wait3A_649, %dma_wait3A_650, %dma_wait3A_659, %dma_wait3A_660] : memref<200x4x1024x128xf32, #tpu.memory_space<hbm>> -> memref<1x1x32x128xf32, #tpu.memory_space<hbm>>
    %dma_wait3A_662 = tpu.memref_squeeze %dma_wait3A_661 : memref<1x1x32x128xf32, #tpu.memory_space<hbm>> -> memref<32x128xf32, #tpu.memory_space<hbm>>
    %dma_wait3A_663 = arith.constant 32 : i32
    %dma_wait3A_664 = arith.constant 0 : i32
    %dma_wait3A_665 = tpu.memref_slice %arg7[%dma_wait3A_648, %dma_wait3A_663, %dma_wait3A_664] : memref<2x128x129xf32, #tpu.memory_space<vmem>> -> memref<1x32x128xf32, #tpu.memory_space<vmem>>
    %dma_wait3A_666 = tpu.memref_squeeze %dma_wait3A_665 : memref<1x32x128xf32, #tpu.memory_space<vmem>> -> memref<32x128xf32, #tpu.memory_space<vmem>>
    tpu.wait_dma2 semaphore(%arg11 : memref<!tpu.dma_semaphore, #tpu.memory_space<semaphore_mem>>) src(%dma_wait3A_666 : memref<32x128xf32, #tpu.memory_space<vmem>>) dst(%dma_wait3A_662 : memref<32x128xf32, #tpu.memory_space<hbm>>)
    %dma_wait3A_667 = arith.constant 1 : i32
    %dma_wait3A_668 = arith.constant 0 : i32
    %dma_wait3A_669 = arith.constant 0 : i32
    %dma_wait3A_670 = arith.constant 64 : i32
    %dma_wait3A_671 = arith.constant 0 : i32
    %dma_wait3A_672 = tpu.memref_slice %arg7[%dma_wait3A_667, %dma_wait3A_670, %dma_wait3A_671] : memref<2x128x129xf32, #tpu.memory_space<vmem>> -> memref<1x32x128xf32, #tpu.memory_space<vmem>>
    %dma_wait3A_673 = tpu.memref_squeeze %dma_wait3A_672 : memref<1x32x128xf32, #tpu.memory_space<vmem>> -> memref<32x128xf32, #tpu.memory_space<vmem>>
    %dma_wait3A_674 = arith.constant 0 : i32
    %dma_wait3A_675 = arith.constant 0 : i32
    %dma_wait3A_676 = tpu.memref_slice %arg4[%dma_wait3A_668, %dma_wait3A_669, %dma_wait3A_674, %dma_wait3A_675] : memref<200x4x1024x128xf32, #tpu.memory_space<hbm>> -> memref<1x1x32x128xf32, #tpu.memory_space<hbm>>
    %dma_wait3A_677 = tpu.memref_squeeze %dma_wait3A_676 : memref<1x1x32x128xf32, #tpu.memory_space<hbm>> -> memref<32x128xf32, #tpu.memory_space<hbm>>
    %dma_wait3A_678 = arith.constant 0 : i32
    %dma_wait3A_679 = arith.constant 0 : i32
    %dma_wait3A_680 = tpu.memref_slice %arg4[%dma_wait3A_668, %dma_wait3A_669, %dma_wait3A_678, %dma_wait3A_679] : memref<200x4x1024x128xf32, #tpu.memory_space<hbm>> -> memref<1x1x32x128xf32, #tpu.memory_space<hbm>>
    %dma_wait3A_681 = tpu.memref_squeeze %dma_wait3A_680 : memref<1x1x32x128xf32, #tpu.memory_space<hbm>> -> memref<32x128xf32, #tpu.memory_space<hbm>>
    %dma_wait3A_682 = arith.constant 64 : i32
    %dma_wait3A_683 = arith.constant 0 : i32
    %dma_wait3A_684 = tpu.memref_slice %arg7[%dma_wait3A_667, %dma_wait3A_682, %dma_wait3A_683] : memref<2x128x129xf32, #tpu.memory_space<vmem>> -> memref<1x32x128xf32, #tpu.memory_space<vmem>>
    %dma_wait3A_685 = tpu.memref_squeeze %dma_wait3A_684 : memref<1x32x128xf32, #tpu.memory_space<vmem>> -> memref<32x128xf32, #tpu.memory_space<vmem>>
    tpu.wait_dma2 semaphore(%arg11 : memref<!tpu.dma_semaphore, #tpu.memory_space<semaphore_mem>>) src(%dma_wait3A_685 : memref<32x128xf32, #tpu.memory_space<vmem>>) dst(%dma_wait3A_681 : memref<32x128xf32, #tpu.memory_space<hbm>>)
    %dma_wait3A_686 = arith.constant 1 : i32
    %dma_wait3A_687 = arith.constant 0 : i32
    %dma_wait3A_688 = arith.constant 0 : i32
    %dma_wait3A_689 = arith.constant 96 : i32
    %dma_wait3A_690 = arith.constant 0 : i32
    %dma_wait3A_691 = tpu.memref_slice %arg7[%dma_wait3A_686, %dma_wait3A_689, %dma_wait3A_690] : memref<2x128x129xf32, #tpu.memory_space<vmem>> -> memref<1x32x128xf32, #tpu.memory_space<vmem>>
    %dma_wait3A_692 = tpu.memref_squeeze %dma_wait3A_691 : memref<1x32x128xf32, #tpu.memory_space<vmem>> -> memref<32x128xf32, #tpu.memory_space<vmem>>
    %dma_wait3A_693 = arith.constant 0 : i32
    %dma_wait3A_694 = arith.constant 0 : i32
    %dma_wait3A_695 = tpu.memref_slice %arg4[%dma_wait3A_687, %dma_wait3A_688, %dma_wait3A_693, %dma_wait3A_694] : memref<200x4x1024x128xf32, #tpu.memory_space<hbm>> -> memref<1x1x32x128xf32, #tpu.memory_space<hbm>>
    %dma_wait3A_696 = tpu.memref_squeeze %dma_wait3A_695 : memref<1x1x32x128xf32, #tpu.memory_space<hbm>> -> memref<32x128xf32, #tpu.memory_space<hbm>>
    %dma_wait3A_697 = arith.constant 0 : i32
    %dma_wait3A_698 = arith.constant 0 : i32
    %dma_wait3A_699 = tpu.memref_slice %arg4[%dma_wait3A_687, %dma_wait3A_688, %dma_wait3A_697, %dma_wait3A_698] : memref<200x4x1024x128xf32, #tpu.memory_space<hbm>> -> memref<1x1x32x128xf32, #tpu.memory_space<hbm>>
    %dma_wait3A_700 = tpu.memref_squeeze %dma_wait3A_699 : memref<1x1x32x128xf32, #tpu.memory_space<hbm>> -> memref<32x128xf32, #tpu.memory_space<hbm>>
    %dma_wait3A_701 = arith.constant 96 : i32
    %dma_wait3A_702 = arith.constant 0 : i32
    %dma_wait3A_703 = tpu.memref_slice %arg7[%dma_wait3A_686, %dma_wait3A_701, %dma_wait3A_702] : memref<2x128x129xf32, #tpu.memory_space<vmem>> -> memref<1x32x128xf32, #tpu.memory_space<vmem>>
    %dma_wait3A_704 = tpu.memref_squeeze %dma_wait3A_703 : memref<1x32x128xf32, #tpu.memory_space<vmem>> -> memref<32x128xf32, #tpu.memory_space<vmem>>
    tpu.wait_dma2 semaphore(%arg11 : memref<!tpu.dma_semaphore, #tpu.memory_space<semaphore_mem>>) src(%dma_wait3A_704 : memref<32x128xf32, #tpu.memory_space<vmem>>) dst(%dma_wait3A_700 : memref<32x128xf32, #tpu.memory_space<hbm>>)
    return
  }
}

</mosaic_0001>

<sc_bundles>
// kernel: kernel.3.cloned.1.call-start
scs
__scs_entry_jumppad:
0x0: {  	(pc) =	sbr.rel $0x88, $3  }
0x1: {  	(tag) =	ssettag $0x0;
	lr =	simm.s32 $0x1  }
0x2: {  	[smem:$0x3F9F] =	sst lr;
	_ =	strace $0xD0000000  }
0x3: {  	_ = 	snop  }
0x4: {  	_ = 	snop  }
0x5: {  	_ = 	snop  }
0x6: {  	_ = 	snop  }
0x7: {  	_ = 	snop  }
__scs_overlays_trampoline_lowered:
0x8: {  	[smem:$0x3FAE] =	sst s0  }
0x9: {  	[smem:$0x3FAF] =	sst s1  }
0xa: {  	[smem:$0x3FB0] =	sst s2  }
0xb: {  	[smem:$0x3FB1] =	sst s3  }
0xc: {  	[smem:$0x3FB2] =	sst s4  }
0xd: {  	[smem:$0x3FB3] =	sst s5  }
0xe: {  	[smem:$0x3FB4] =	sst s6  }
0xf: {  	[smem:$0x3FB5] =	sst s7  }
0x10: {  	[smem:$0x3FB6] =	sst s8  }
0x11: {  	[smem:$0x3FB7] =	sst s9;
	s0 =	simm.s32 @!p0 $0x0  }
0x12: {  	s1 =	sld [smem:$0x3F9D];
	s0 =	simm.s32 @p0 $0x1  }
0x13: {  	[smem:$0x3FB8] =	sst s0;
	s0 =	simm.s32 @!p1 $0x0  }
0x14: {  	s2 =	sld [smem:$0x3F9C];
	s0 =	simm.s32 @p1 $0x1  }
0x15: {  	[smem:$0x3FB9] =	sst s0;
	s0 =	simm.s32 @!p2 $0x0  }
0x16: {  	s3 =	sld [smem:$0x3FDB];
	s0 =	simm.s32 @p2 $0x1  }
0x17: {  	s4 =	simm.s32 $0x1BF5;
	[smem:$0x3FBB] =	sst s0  }
0x18: {  	s0 =	sld [smem:$0x3F9E];
	_ =	swait.ge [sflag:s4], $0x0  }
0x19: {  	s7 =	sld [smem:$0x3F9F]  }
0x1a: {  	s8 =	sadd.s32 $0xFFFFE003, lr  }
0x1b: {  	s9 =	sadd.s32 $0xFFFFFEF7, lr;
	s5 =	simm.s32 $0xFFFFFFFF;
	p2 =	slt.u32 s8, $0xFFFFF086  }
0x1c: {  	p1 =	slt.u32 s9, $0xF7A;
	s5 =	simm.s32 @!p2 $0x0  }
0x1d: {  	s5 =	simm.s32 @p1 $0x1;
	p0 =	seq.s32 s7, s2  }
0x1e: {  	s7 =	smul.u32 @!p0 $0xF7A, s2;
	p2 =	seq.s32 @!p0 s5, $0x0  }
0x1f: {  	s9 =	smul.u32 $0xF7A, s1;
	s8 =	simm.s32 @!p0 $0x1BF5;
	p2 =	por !p2, p0  }
0x20: {  	[sflag:s8] =	ssyncset.s32 @!p0 $0xFFFFF086;
	s6 =	sadd.s32 @!p0 s3, s7;
	s7 =	simm.s32 @!p0 $0x108  }
0x21: {  	s3 =	sadd.s32 s3, s9;
	s6 =	sadd.s32 @!p0 $0x88, s6;
	s7 =	simm.s32 @p2 $0x1082  }
0x22: {  	[simem:s7], [sflag:s8] =	dma.local @!p0 [hbm:s6], $0xF7A  }
0x23: {  	s9 =	sor.u32 $0xD0000000, s2;
	s6 =	simm.s32 $0x108;
	_ =	swait.ge @!p0 [sflag:s8], $0x0  }
0x24: {  	s3 =	sadd.s32 $0x88, s3;
	s6 =	simm.s32 @!p1 $0x1082;
	[sflag:s4] =	ssyncset.s32 $0xFFFFF086  }
0x25: {  	[simem:s6], [sflag:s4] =	dma.local [hbm:s3], $0xF7A  }
0x26: {  	[smem:$0x3F9F] =	sst s1;
	(tag) =	ssettag s2;
	_ =	strace s9  }
0x27: {  	s1 =	sld [smem:$0x3FAF]  }
0x28: {  	s2 =	sld [smem:$0x3FB0]  }
0x29: {  	s4 =	sld [smem:$0x3FB2]  }
0x2a: {  	p0 =	seq.s32 s5, $0x0;
	s5 =	sld [smem:$0x3FB3]  }
0x2b: {  	s6 =	sld [smem:$0x3FB4]  }
0x2c: {  	s7 =	sld [smem:$0x3FB5]  }
0x2d: {  	s3 =	simm.s32 $0x108;
	s8 =	sld [smem:$0x3FB6]  }
0x2e: {  	s3 =	simm.s32 @!p0 $0x1082;
	s9 =	sld [smem:$0x3FB7]  }
0x2f: {  	lr =	sadd.s32 s0, s3;
	s0 =	sld [smem:$0x3FAE]  }
0x30: {  	s3 =	sld [smem:$0x3FB1]  }
0x31: {  	[smem:$0x3FBA] =	sst s10  }
0x32: {  	s10 =	sld [smem:$0x3FB8];
	_ =	sdelay $0x3  }
0x33: {  	p0 =	seq.s32 s10, $0x1;
	s10 =	sld [smem:$0x3FBA];
	_ =	sdelay $0x3  }
0x34: {  	[smem:$0x3FBA] =	sst s10  }
0x35: {  	s10 =	sld [smem:$0x3FB9];
	_ =	sdelay $0x3  }
0x36: {  	p1 =	seq.s32 s10, $0x1;
	s10 =	sld [smem:$0x3FBA];
	_ =	sdelay $0x3  }
0x37: {  	[smem:$0x3FBA] =	sst s10  }
0x38: {  	s10 =	sld [smem:$0x3FBB]  }
0x39: {  	_ = 	snop;
	(pc) =	sbr.ind lr, $3  }
0x3a: {  	_ = 	snop  }
0x3b: {  	_ = 	snop  }
0x3c: {  	p2 =	seq.s32 s10, $0x1;
	s10 =	sld [smem:$0x3FBA]  }
0x3d: {  	_ =	shalt  }
0x3e: {  	_ =	shalt  }
0x3f: {  	_ =	shalt  }
0x40: {  	_ =	shalt  }
0x41: {  	_ =	shalt  }
0x42: {  	_ =	shalt  }
0x43: {  	_ =	shalt  }
0x44: {  	_ =	shalt  }
0x45: {  	_ =	shalt  }
0x46: {  	_ =	shalt  }
0x47: {  	_ =	shalt  }
0x48: {  	_ =	shalt  }
0x49: {  	_ =	shalt  }
0x4a: {  	_ =	shalt  }
0x4b: {  	_ =	shalt  }
0x4c: {  	_ =	shalt  }
0x4d: {  	_ =	shalt  }
0x4e: {  	_ =	shalt  }
0x4f: {  	_ =	shalt  }
0x50: {  	_ =	shalt  }
0x51: {  	_ =	shalt  }
0x52: {  	_ =	shalt  }
0x53: {  	_ =	shalt  }
0x54: {  	_ =	shalt  }
0x55: {  	_ =	shalt  }
0x56: {  	_ =	shalt  }
0x57: {  	_ =	shalt  }
0x58: {  	_ =	shalt  }
0x59: {  	_ =	shalt  }
0x5a: {  	_ =	shalt  }
0x5b: {  	_ =	shalt  }
0x5c: {  	_ =	shalt  }
0x5d: {  	_ =	shalt  }
0x5e: {  	_ =	shalt  }
0x5f: {  	_ =	shalt  }
0x60: {  	_ =	shalt  }
0x61: {  	_ =	shalt  }
0x62: {  	_ =	shalt  }
0x63: {  	_ =	shalt  }
0x64: {  	_ =	shalt  }
0x65: {  	_ =	shalt  }
0x66: {  	_ =	shalt  }
0x67: {  	_ =	shalt  }
0x68: {  	_ =	shalt  }
0x69: {  	_ =	shalt  }
0x6a: {  	_ =	shalt  }
0x6b: {  	_ =	shalt  }
0x6c: {  	_ =	shalt  }
0x6d: {  	_ =	shalt  }
0x6e: {  	_ =	shalt  }
0x6f: {  	_ =	shalt  }
0x70: {  	_ =	shalt  }
0x71: {  	_ =	shalt  }
0x72: {  	_ =	shalt  }
0x73: {  	_ =	shalt  }
0x74: {  	_ =	shalt  }
0x75: {  	_ =	shalt  }
0x76: {  	_ =	shalt  }
0x77: {  	_ =	shalt  }
0x78: {  	_ =	shalt  }
0x79: {  	_ =	shalt  }
0x7a: {  	_ =	shalt  }
0x7b: {  	_ =	shalt  }
0x7c: {  	_ =	shalt  }
0x7d: {  	_ =	shalt  }
0x7e: {  	_ =	shalt  }
0x7f: {  	_ =	shalt  }
0x80: {  	_ =	shalt  }
0x81: {  	_ =	shalt  }
0x82: {  	_ =	shalt  }
0x83: {  	_ =	shalt  }
0x84: {  	_ =	shalt  }
0x85: {  	_ =	shalt  }
0x86: {  	_ =	shalt  }
0x87: {  	_ =	shalt  }
.Lfunc_end0:
.L_simem_size_0:
called_computation_lowered:
.L_overlay_start_0:
0x88: {  	s2 =	sld [smem:$0x3FD9]  }
0x89: {  	s3 =	sld [smem:$0x3FFE];
	_ =	sdelay $0x1  }
0x8a: {  	s1 =	srdreg.scid  }
0x8b: {  	s0 =	sand.u32 $0x1, s1  }
0x8c: {  	s17 =	sshll.u32 s0, $0xA;
	s2 =	sadd.s32 s3, s2  }
0x8d: {  	s2 =	sadd.s32 s2, s17  }
0x8e: {  	[smem:$0x3FC6] =	sst s2  }
0x8f: {  	_ = 	snop  }
0x90: {  	s2 =	sld [smem:$0x3FD0];
	(tm) =	ssettm $0x1  }
0x91: {  	s18 =	sld [smem:$0x3FFB];
	_ =	sdelay $0x3  }
0x92: {  	_ =	strace s18  }
0x93: {  	s3 =	sld [smem:$0x3FFC];
	_ =	sdelay $0x3  }
0x94: {  	_ =	strace s3  }
0x95: {  	s3 =	sld [smem:$0x3FFD];
	_ =	sdelay $0x3  }
0x96: {  	_ =	strace s3  }
0x97: {  	_ =	strace $0x8FFFFFFF  }
0x98: {  	s19 =	sld [smem:$0x3FDB];
	_ =	sdelay $0x1  }
0x99: {  	s4 =	simm.s32 $_scs_section_size  }
0x9a: {  	s5 =	simm.s32 $_size__tile_overlayer_lowered;
	s6 =	simm.s32 $_tile_overlayer_lowered  }
0x9b: {  	s22 =	simm.s32 $0x1BFF;
	s21 =	sshll.u32 s6, $0x1;
	s3 =	sadd.s32 s4, s19  }
0x9c: {  	s7 =	simm.s32 $0x0;
	s20 =	sshll.u32 s5, $0x1;
	s5 =	sadd.s32 s21, s3  }
0x9d: {  	[timem:s7], [sflag:s22] =	dma.local [hbm:s5], s20  }
0x9e: {  	_ =	swait.ge [sflag:s22], s20  }
0x9f: {  	s4 =	ssub.s32 $0x0, s20;
	[sflag:s22] =	ssyncset.done $0x0  }
0xa0: {  	[sflag:s22] =	ssyncadd.s32 s4;
	_ =	sdelay $0x1  }
0xa1: {  	s23 =	simm.s32 $0x1B8B  }
0xa2: {  	_ =	swait.ge [sflag:s23], $0x1  }
0xa3: {  	[sflag:s23] =	ssyncset.done $0x0  }
0xa4: {  	s25 =	simm.s32 $0x1B8E;
	s24 =	sld [smem:$0x3FFE];
	[sflag:s23] =	ssyncadd.s32 $0xFFFFFFFF  }
0xa5: {  	s26 =	simm.s32 $execute0_lowered;
	[smem:$0x3FD2] =	sst s25  }
0xa6: {  	s5 =	sshll.u32 s26, $0x1;
	_ =	strace $0x80000046;
	[dreg:$0x1] =	wrdreg $0xFFFFFFFF  }
0xa7: {  	s28 =	simm.s32 $_size_execute0_lowered;
	s3 =	sadd.s32 s3, s5;
	[dreg:$0x0] =	wrdreg $0x0  }
0xa8: {  	s5 =	sshll.u32 s28, $0x1;
	[dreg:$0x2] =	wrdreg s3  }
0xa9: {  	[dreg:$0x3] =	wrdreg s5  }
0xaa: {  	[dreg:$0x4] =	wrdreg $0xC0  }
0xab: {  	_ =	task [dreg:s7], $0x5FFFF  }
0xac: {  	[dreg:$0x1] =	wrdreg $0xFFFFFFFF  }
0xad: {  	[dreg:$0x0] =	wrdreg $0x60  }
0xae: {  	[dreg:$0x2] =	wrdreg s24  }
0xaf: {  	[dreg:$0x3] =	wrdreg s2  }
0xb0: {  	[dreg:$0x4] =	wrdreg $0x9  }
0xb1: {  	_ =	task.clear_ibuf [dreg:s7], $0x5FFFF;
	_ =	strace $0x90000046  }
0xb2: {  	s29 =	simm.s32 $0x9;
	_ =	strace $0x80000048  }
0xb3: {  	_ =	swait.ge [sflag:s29], $0x1  }
0xb4: {  	[sflag:s29] =	ssyncadd.s32 $0xFFFFFFFF  }
0xb5: {  	_ =	strace $0x90000048  }
0xb6: {  	_ =	sfence  }
0xb7: {  	s30 =	sld [smem:$0x0];
	_ =	sdelay $0x2  }
0xb8: {  	s31 =	sshll.u32 s1, $0xD;
	s1 =	sshrl.u32 s1, $0x2  }
0xb9: {  	s3 =	sand.u32 $0x4000, s31;
	s1 =	sadd.s32 s1, s30  }
0xba: {  	s0 =	sor.u32 s3, s0;
	s1 =	sshll.u32 s1, $0x11  }
0xbb: {  	s0 =	sor.u32 s1, s0  }
0xbc: {  	s0 =	sadd.s32 $0x8F2B, s0  }
0xbd: {  	[sflag:s0] =	ssyncadd.remote.s32 $0x1  }
0xbe: {  	_ =	sfence.sel $0xFFFF  }
0xbf: {  	[dreg:$0x0] =	wrdreg $0xFFFFFFFF;
	(pc) =	sbr.abs _section_cstart, $3  }
0xc0: {  	[dreg:$0x1] =	wrdreg $0xFFFFFFFF  }
0xc1: {  	_ =	task.clear_ibuf [dreg:s7], $0x2FFFF;
	_ =	strace $0x9FFFFFFF  }
0xc2: {  	(tm) =	ssettm $0x7FFFFFFF  }
0xc3: {  	_ =	shalt  }
tec
execute0_lowered:
.L_overlay_start_1:
0x0: {  	(tag) =	ssettag $0x1  }
0x1: {  	v0 =	vimm.s32 $0x14B8;
	vm14 =	vcmask $0x300  }
0x2: {  	v1 =	vimm.s32 $0x36B8;
	vm13 =	vcmask $0x704;
	vm12 =	vcmask $0xB08  }
0x3: {  	vm11 =	vcmask $0xF0C;
	vm10 =	vcmask $0x1310;
	vm9 =	vcmask $0x1714  }
0x4: {  	vm8 =	vcmask $0x1B18;
	vm7 =	vcmask $0x1F1C;
	vm6 =	vcmask $0x2320  }
0x5: {  	vm5 =	vcmask $0x2724;
	vm4 =	vcmask $0x2B28;
	vm3 =	vcmask $0x2F2C  }
0x6: {  	vm2 =	vcmask $0x3330;
	vm1 =	vcmask $0x3734;
	vm0 =	vcmask $0x3B38  }
0x7: {  	v2 =	vimm.s32 $0x18F8;
	v3 =	vimm.s32 $0x3AF8;
	v4 =	vimm.s32 $0x1D38  }
0x8: {  	v5 =	vimm.s32 $0x3F38;
	v6 =	vimm.s32 $0x2178;
	v7 =	vimm.s32 $0x4378  }
0x9: {  	v0 =	vsel vm14, $0x0, v0;
	v1 =	vsel vm14, $0x2200, v1;
	v2 =	vsel vm14, $0x440, v2  }
0xa: {  	v3 =	vsel vm14, $0x2640, v3;
	v4 =	vsel vm14, $0x880, v4;
	v5 =	vsel vm14, $0x2A80, v5  }
0xb: {  	v6 =	vsel vm14, $0xCC0, v6;
	v7 =	vsel vm14, $0x2EC0, v7;
	v0 =	vsel vm13, $0x88, v0  }
0xc: {  	v1 =	vsel vm13, $0x2288, v1;
	v2 =	vsel vm13, $0x4C8, v2;
	v3 =	vsel vm13, $0x26C8, v3  }
0xd: {  	v4 =	vsel vm13, $0x908, v4;
	v5 =	vsel vm13, $0x2B08, v5;
	v6 =	vsel vm13, $0xD48, v6  }
0xe: {  	v7 =	vsel vm13, $0x2F48, v7;
	v0 =	vsel vm12, $0x110, v0;
	v1 =	vsel vm12, $0x2310, v1  }
0xf: {  	v2 =	vsel vm12, $0x550, v2;
	v3 =	vsel vm12, $0x2750, v3;
	v4 =	vsel vm12, $0x990, v4  }
0x10: {  	v5 =	vsel vm12, $0x2B90, v5;
	v6 =	vsel vm12, $0xDD0, v6;
	v7 =	vsel vm12, $0x2FD0, v7  }
0x11: {  	v0 =	vsel vm11, $0x198, v0;
	v1 =	vsel vm11, $0x2398, v1;
	v2 =	vsel vm11, $0x5D8, v2  }
0x12: {  	v3 =	vsel vm11, $0x27D8, v3;
	v4 =	vsel vm11, $0xA18, v4;
	v5 =	vsel vm11, $0x2C18, v5  }
0x13: {  	v6 =	vsel vm11, $0xE58, v6;
	v7 =	vsel vm11, $0x3058, v7;
	v0 =	vsel vm10, $0x220, v0  }
0x14: {  	v1 =	vsel vm10, $0x2420, v1;
	v2 =	vsel vm10, $0x660, v2;
	v3 =	vsel vm10, $0x2860, v3  }
0x15: {  	v4 =	vsel vm10, $0xAA0, v4;
	v5 =	vsel vm10, $0x2CA0, v5;
	v6 =	vsel vm10, $0xEE0, v6  }
0x16: {  	v7 =	vsel vm10, $0x30E0, v7;
	v0 =	vsel vm9, $0x2A8, v0;
	v1 =	vsel vm9, $0x24A8, v1  }
0x17: {  	v2 =	vsel vm9, $0x6E8, v2;
	v3 =	vsel vm9, $0x28E8, v3;
	v4 =	vsel vm9, $0xB28, v4  }
0x18: {  	v5 =	vsel vm9, $0x2D28, v5;
	v6 =	vsel vm9, $0xF68, v6;
	v7 =	vsel vm9, $0x3168, v7  }
0x19: {  	v0 =	vsel vm8, $0x330, v0;
	v1 =	vsel vm8, $0x2530, v1;
	v2 =	vsel vm8, $0x770, v2  }
0x1a: {  	v3 =	vsel vm8, $0x2970, v3;
	v4 =	vsel vm8, $0xBB0, v4;
	v5 =	vsel vm8, $0x2DB0, v5  }
0x1b: {  	v6 =	vsel vm8, $0xFF0, v6;
	v7 =	vsel vm8, $0x31F0, v7;
	v0 =	vsel vm7, $0x3B8, v0  }
0x1c: {  	v1 =	vsel vm7, $0x25B8, v1;
	v2 =	vsel vm7, $0x7F8, v2;
	v3 =	vsel vm7, $0x29F8, v3  }
0x1d: {  	v4 =	vsel vm7, $0xC38, v4;
	v5 =	vsel vm7, $0x2E38, v5;
	v6 =	vsel vm7, $0x1078, v6  }
0x1e: {  	v7 =	vsel vm7, $0x3278, v7;
	v0 =	vsel vm6, $0x1100, v0;
	v1 =	vsel vm6, $0x3300, v1  }
0x1f: {  	v2 =	vsel vm6, $0x1540, v2;
	v3 =	vsel vm6, $0x3740, v3;
	v4 =	vsel vm6, $0x1980, v4  }
0x20: {  	v5 =	vsel vm6, $0x3B80, v5;
	v6 =	vsel vm6, $0x1DC0, v6;
	v7 =	vsel vm6, $0x3FC0, v7  }
0x21: {  	v0 =	vsel vm5, $0x1188, v0;
	v1 =	vsel vm5, $0x3388, v1;
	v2 =	vsel vm5, $0x15C8, v2  }
0x22: {  	v3 =	vsel vm5, $0x37C8, v3;
	v4 =	vsel vm5, $0x1A08, v4;
	v5 =	vsel vm5, $0x3C08, v5  }
0x23: {  	s0 =	rddreg [dreg:$0x0];
	v6 =	vsel vm5, $0x1E48, v6;
	v7 =	vsel vm5, $0x4048, v7;
	v0 =	vsel vm4, $0x1210, v0  }
0x24: {  	s1 =	rddreg [dreg:$0x1];
	v1 =	vsel vm4, $0x3410, v1;
	v2 =	vsel vm4, $0x1650, v2;
	v3 =	vsel vm4, $0x3850, v3  }
0x25: {  	s3 =	simm.s32 $0x0;
	s2 =	srdreg.scid;
	s4 =	stileid.u32;
	v4 =	vsel vm4, $0x1A90, v4;
	v5 =	vsel vm4, $0x3C90, v5;
	v6 =	vsel vm4, $0x1ED0, v6  }
0x26: {  	s23 =	simm.s32 $0x1;
	s24 =	simm.s32 $0x8400;
	s25 =	simm.s32 $0x2;
	v7 =	vsel vm4, $0x40D0, v7;
	v0 =	vsel vm3, $0x1298, v0;
	v1 =	vsel vm3, $0x3498, v1  }
0x27: {  	s26 =	simm.s32 $0xC800;
	s30 =	simm.s32 $0x0;
	[smem:$0x7FF] =	sst s3;
	v2 =	vsel vm3, $0x16D8, v2;
	v3 =	vsel vm3, $0x38D8, v3;
	v4 =	vsel vm3, $0x1B18, v4  }
0x28: {  	s2 =	sand.u32 $0x1, s2;
	s4 =	sshll.u32 s4, $0x1;
	s5 =	sadd.s32 $0xF42A00, s0;
	v5 =	vsel vm3, $0x3D18, v5;
	v6 =	vsel vm3, $0x1F58, v6;
	v7 =	vsel vm3, $0x4158, v7  }
0x29: {  	s11 =	sadd.s32 $0x4000, s1;
	s12 =	sadd.s32 $0x8000, s1;
	s13 =	sadd.s32 $0xC000, s1;
	v0 =	vsel vm2, $0x1320, v0;
	v1 =	vsel vm2, $0x3520, v1;
	v2 =	vsel vm2, $0x1760, v2  }
0x2a: {  	s14 =	sadd.s32 $0x10000, s1;
	s15 =	sadd.s32 $0x14000, s1;
	s16 =	sadd.s32 $0x18000, s1;
	v3 =	vsel vm2, $0x3960, v3;
	v4 =	vsel vm2, $0x1BA0, v4;
	v5 =	vsel vm2, $0x3DA0, v5  }
0x2b: {  	s17 =	sadd.s32 $0x1C000, s1;
	s6 =	sor.u32 s2, s4;
	s4 =	sadd.s32 $0x600, s0;
	v6 =	vsel vm2, $0x1FE0, v6;
	v7 =	vsel vm2, $0x41E0, v7;
	v0 =	vsel vm1, $0x13A8, v0  }
.Ltmp0:
0x2c: {  	s2 =	ssub.s32 $0x2, s2;
	s7 =	sshll.u32 s6, $0x6;
	v1 =	vsel vm1, $0x35A8, v1;
	v2 =	vsel vm1, $0x17E8, v2;
	v3 =	vsel vm1, $0x39E8, v3;
	(pc) =	sbr.rel .LBB2_1-.Ltmp0, $4  }
0x2d: {  	_ =	strace $0x80000047;
	s29 =	sshrl.u32 s2, $0x1;
	s8 =	sadd.s32 s4, s7;
	v4 =	vsel vm1, $0x1C28, v4;
	v5 =	vsel vm1, $0x3E28, v5;
	v6 =	vsel vm1, $0x2068, v6  }
0x2e: {  	s0 =	ssub.s32 s2, s29;
	[dreg:$0x3] =	wrdreg s8;
	s31 =	sadd.s32 $0x800, s8;
	v7 =	vsel vm1, $0x4268, v7;
	v0 =	vsel vm0, $0x1430, v0;
	v1 =	vsel vm0, $0x3630, v1  }
0x2f: {  	s7 =	sshll.u32 s6, $0x9;
	s0 =	smax.u32 s0, $0x1;
	[dreg:$0x4] =	wrdreg s31;
	v2 =	vsel vm0, $0x1870, v2;
	v3 =	vsel vm0, $0x3A70, v3;
	v4 =	vsel vm0, $0x1CB0, v4  }
0x30: {  	s9 =	sor.u32 $0x8000, s7;
	s10 =	sor.u32 $0xC000, s7;
	[dreg:$0x5] =	wrdreg s0;
	v5 =	vsel vm0, $0x3EB0, v5;
	v6 =	vsel vm0, $0x20F0, v6;
	v7 =	vsel vm0, $0x42F0, v7  }
.LBB2_57:
0x31: {  	s0 =	simm.s32 $0x3  }
0x32: {  	_ =	swait.ge [sflag:s0], $0x1000  }
0x33: {  	[sflag:s0] =	ssyncset.done $0x0  }
0x34: {  	[sflag:s0] =	ssyncadd.s32 $0xFFFFF000  }
0x35: {  	_ =	swait.ge [sflag:s0], $0x1000  }
0x36: {  	[sflag:s0] =	ssyncset.done $0x0  }
0x37: {  	[sflag:s0] =	ssyncadd.s32 $0xFFFFF000  }
0x38: {  	_ =	swait.ge [sflag:s0], $0x1000  }
0x39: {  	[sflag:s0] =	ssyncset.done $0x0  }
0x3a: {  	[sflag:s0] =	ssyncadd.s32 $0xFFFFF000  }
0x3b: {  	_ =	swait.ge [sflag:s0], $0x1000  }
0x3c: {  	[sflag:s0] =	ssyncset.done $0x0  }
0x3d: {  	s2 =	simm.s32 $0x4;
	[sflag:s0] =	ssyncadd.s32 $0xFFFFF000  }
0x3e: {  	_ =	swait.ge [sflag:s2], $0x1000  }
0x3f: {  	[sflag:s2] =	ssyncset.done $0x0  }
0x40: {  	[sflag:s2] =	ssyncadd.s32 $0xFFFFF000  }
0x41: {  	_ =	swait.ge [sflag:s2], $0x1000  }
0x42: {  	[sflag:s2] =	ssyncset.done $0x0  }
0x43: {  	[sflag:s2] =	ssyncadd.s32 $0xFFFFF000  }
0x44: {  	_ =	swait.ge [sflag:s2], $0x1000  }
0x45: {  	[sflag:s2] =	ssyncset.done $0x0  }
0x46: {  	[sflag:s2] =	ssyncadd.s32 $0xFFFFF000  }
0x47: {  	_ =	swait.ge [sflag:s2], $0x1000  }
0x48: {  	s30 =	sadd.s32 $0x1, s30;
	s31 =	rddreg [dreg:$0x5]  }
0x49: {  	p0 =	sne.s32 s30, s31  }
.Ltmp1:
0x4a: {  	_ = 	snop;
	(pc) =	sbr.rel @!p0 .LBB2_58-.Ltmp1, $3  }
0x4b: {  	_ =	sdelay $0x1  }
0x4c: {  	[sflag:s2] =	ssyncset.done $0x0  }
0x4d: {  	[sflag:s2] =	ssyncadd.s32 $0xFFFFF000  }
.LBB2_1:
0x4e: {  	s0 =	rddreg [dreg:$0x3];
	s2 =	simm.s32 $0x5  }
0x4f: {  	[tilespmem:s3], [sflag:$0x5] =	stream.linear.gather [hbm4b:s0+s3], $0x200, $0x38;
	[tilespmem:$0x10C00] =	vst v63  }
0x50: {  	_ =	swait.ge [sflag:s2], $0x200  }
0x51: {  	[sflag:s2] =	ssyncset.done $0x0  }
0x52: {  	s6 =	simm.s32 $0x200;
	s22 =	simm.s32 $0x400;
	[sflag:s2] =	ssyncadd.s32 $0xFFFFFE00  }
0x53: {  	[tilespmem:s22], [sflag:$0x1] =	stream.indirect.gather [hbm4b:s5+s6], $0x20, s3, s6, $0xb8;
	[tilespmem:$0x10C00] =	vst v63  }
0x54: {  	s28 =	rddreg [dreg:$0x4]  }
0x55: {  	[tilespmem:s6], [sflag:$0x5] =	stream.linear.gather [hbm4b:s28+s3], $0x200, $0x38;
	[tilespmem:$0x10C00] =	vst v63  }
0x56: {  	_ =	swait.ge [sflag:s2], $0x200  }
0x57: {  	[sflag:s2] =	ssyncset.done $0x0  }
0x58: {  	s29 =	simm.s32 $0x4400;
	s31 =	simm.s32 $0x0;
	[sflag:s2] =	ssyncadd.s32 $0xFFFFFE00  }
0x59: {  	[tilespmem:s29], [sflag:$0x2] =	stream.indirect.gather [hbm4b:s5+s6], $0x20, s6, s6, $0xb8;
	[tilespmem:$0x10C00] =	vst v63  }
.LBB2_2:
0x5a: {  	_ =	swait.ge [sflag:s23], $0x4000  }
0x5b: {  	p0 =	seq.s32 s31, $0x0;
	[sflag:s23] =	ssyncset.done $0x0  }
0x5c: {  	s0 =	simm.s32 @!p0 $0x3;
	[sflag:s23] =	ssyncadd.s32 $0xFFFFC000  }
0x5d: {  	_ =	swait.ge @!p0 [sflag:s0], $0x1000  }
0x5e: {  	[sflag:s0] =	ssyncset.done @!p0 $0x0  }
0x5f: {  	[sflag:s0] =	ssyncadd.s32 @!p0 $0xFFFFF000  }
0x60: {  	_ =	swait.ge @!p0 [sflag:s0], $0x1000  }
0x61: {  	[sflag:s0] =	ssyncset.done @!p0 $0x0  }
0x62: {  	[sflag:s0] =	ssyncadd.s32 @!p0 $0xFFFFF000  }
0x63: {  	_ =	swait.ge @!p0 [sflag:s0], $0x1000  }
0x64: {  	[sflag:s0] =	ssyncset.done @!p0 $0x0  }
0x65: {  	[sflag:s0] =	ssyncadd.s32 @!p0 $0xFFFFF000  }
0x66: {  	s2 =	simm.s32 $0x3;
	_ =	swait.ge @!p0 [sflag:s0], $0x1000  }
0x67: {  	s6 =	simm.s32 $0x0;
	v8 =	vmov s2;
	[sflag:s0] =	ssyncset.done @!p0 $0x0  }
0x68: {  	s8 =	simm.s32 $0x440;
	v9 =	vmov s6;
	v13 =	vand.u32 $0x7F, v8;
	[sflag:s0] =	ssyncadd.s32 @!p0 $0xFFFFF000  }
0x69: {  	v12 =	vand.u32 $0x7C, v9;
	v9 =	vadd.s32 v0, v13;
	v8 =	vld [tilespmem:s8+$0x20]  }
0x6a: {  	s19 =	simm.s32 $0x1;
	v16 =	vadd.s32 v0, v12;
	v15 =	vld [tilespmem:s8+$0xFFFFFFC0]  }
0x6b: {  	s20 =	simm.s32 $0x2;
	v10 =	vmov s19  }
0x6c: {  	v11 =	vand.u32 $0x7D, v10;
	v10 =	vmov s20  }
0x6d: {  	v18 =	vadd.s32 v0, v11;
	v10 =	vand.u32 $0x7E, v10;
	v17 =	vld [tilespmem:s8+$0xFFFFFFE0]  }
0x6e: {  	s21 =	simm.s32 $0x7;
	v21 =	vadd.s32 v0, v10;
	v20 =	vld [tilespmem:s8+$0x0];
	[tilespmem:v9+s24+$0x0] =	vst.idx.msk $0xffff, v8  }
0x6f: {  	s22 =	simm.s32 $0x4;
	v14 =	vmov s21;
	v23 =	vadd.s32 v1, v13;
	[tilespmem:v16+s24+$0x0] =	vst.idx.msk $0xffff, v15;
	v22 =	vld [tilespmem:s8+$0x30]  }
0x70: {  	s28 =	simm.s32 $0x5;
	s6 =	simm.s32 $0x4C0;
	v30 =	vadd.s32 v1, v12;
	v16 =	vand.u32 $0x7F, v14;
	v15 =	vmov s22;
	v24 =	vld [tilespmem:s8+$0xFFFFFFD0]  }
0x71: {  	s29 =	simm.s32 $0x6;
	v31 =	vld [tilespmem:s6+$0x20];
	v8 =	vmov s28;
	v32 =	vadd.s32 v0, v16;
	v19 =	vand.u32 $0x7C, v15  }
0x72: {  	v27 =	vld [tilespmem:s6+$0xFFFFFFC0];
	[tilespmem:v18+s24+$0x0] =	vst.idx.msk $0xffff, v17;
	v17 =	vmov s29;
	v9 =	vand.u32 $0x7D, v8;
	v29 =	vadd.s32 v0, v19  }
0x73: {  	v25 =	vld [tilespmem:s6+$0xFFFFFFE0];
	[tilespmem:v21+s24+$0x0] =	vst.idx.msk $0xffff, v20;
	v8 =	vand.u32 $0x7E, v17;
	v28 =	vadd.s32 v0, v9  }
0x74: {  	v20 =	vld [tilespmem:s6+$0x0];
	v26 =	vadd.s32 v0, v8;
	[tilespmem:v23+s24+$0x0] =	vst.idx.msk $0xffff, v22  }
0x75: {  	s18 =	simm.s32 $0x8;
	s2 =	simm.s32 $0x8;
	s19 =	simm.s32 $0xC;
	v21 =	vld [tilespmem:s8+$0xFFFFFFF0];
	[tilespmem:v30+s24+$0x0] =	vst.idx.msk $0xffff, v24;
	v22 =	vadd.s32 v1, v11  }
0x76: {  	s20 =	simm.s32 $0xB;
	s0 =	sshll.u32 s31, $0xF;
	v18 =	vmov v9;
	v17 =	vmov v8;
	[tilespmem:v32+s24+$0x0] =	vst.idx.msk $0xffff, v31;
	v23 =	vld [tilespmem:s8+$0x10];
	v24 =	vadd.s32 v1, v10;
	s8 =	simm.s32 $0x4C0  }
.LBB2_3:
0x77: {  	p1 =	slt.u32 s19, $0x7C;
	v30 =	vmov s20;
	[tilespmem:v29+s24+$0x0] =	vst.idx.msk $0xffff, v27;
	v31 =	vld [tilespmem:s6+$0x30];
	v32 =	vadd.s32 v1, v16  }
0x78: {  	v27 =	vmov s18;
	s20 =	sadd.s32 $0x1, s18;
	v33 =	vadd.s32 v1, v19;
	s6 =	sadd.s32 $0x80, s6;
	v16 =	vand.u32 $0x7F, v30;
	v30 =	vld [tilespmem:s8+$0xFFFFFFD0];
	[tilespmem:v28+s24+$0x0] =	vst.idx.msk $0xffff, v25  }
0x79: {  	v19 =	vand.u32 $0x7C, v27;
	v25 =	vmov s20;
	s20 =	sadd.s32 $0x2, s18;
	s18 =	smov.u32 s19;
	v34 =	vld [tilespmem:s6+$0x20];
	v35 =	vadd.s32 v0, v16;
	[tilespmem:v26+s24+$0x0] =	vst.idx.msk $0xffff, v20  }
.Ltmp2:
0x7a: {  	v29 =	vadd.s32 v0, v19;
	v36 =	vand.u32 $0x7D, v25;
	v20 =	vmov s20;
	v27 =	vld [tilespmem:s6+$0xFFFFFFC0];
	[tilespmem:v22+s24+$0x0] =	vst.idx.msk $0xffff, v21;
	(pc) =	sbr.rel @p1 .LBB2_3-.Ltmp2, $4  }
0x7b: {  	v28 =	vadd.s32 v0, v36;
	v37 =	vand.u32 $0x7E, v20;
	v25 =	vld [tilespmem:s6+$0xFFFFFFE0];
	[tilespmem:v24+s24+$0x0] =	vst.idx.msk $0xffff, v23  }
0x7c: {  	v26 =	vadd.s32 v0, v37;
	v20 =	vld [tilespmem:s6+$0x0];
	[tilespmem:v32+s24+$0x0] =	vst.idx.msk $0xffff, v31  }
0x7d: {  	v22 =	vadd.s32 v1, v18;
	v18 =	vmov v36;
	[tilespmem:v33+s24+$0x0] =	vst.idx.msk $0xffff, v30;
	v21 =	vld [tilespmem:s8+$0xFFFFFFF0]  }
0x7e: {  	s19 =	sadd.s32 $0x4, s19;
	s20 =	sadd.s32 $0x3, s18;
	v24 =	vadd.s32 v1, v17;
	v17 =	vmov v37;
	[tilespmem:v35+s24+$0x0] =	vst.idx.msk $0xffff, v34;
	v23 =	vld [tilespmem:s8+$0x10];
	s8 =	smov.u32 s6  }
0x7f: {  	_ =	sdelay $0x3  }
0x80: {  	v30 =	vmov s20;
	[tilespmem:v29+s24+$0x0] =	vst.idx.msk $0xffff, v27;
	v53 =	vld [tilespmem:s6+$0x30];
	v16 =	vadd.s32 v1, v16  }
0x81: {  	v54 =	vmov s18;
	s19 =	sadd.s32 $0x1, s18;
	v19 =	vadd.s32 v1, v19;
	s22 =	sadd.s32 $0x80, s6;
	v30 =	vand.u32 $0x7F, v30;
	v31 =	vld [tilespmem:s8+$0xFFFFFFD0];
	[tilespmem:v28+s24+$0x0] =	vst.idx.msk $0xffff, v25  }
0x82: {  	s28 =	sadd.s32 $0x2, s18;
	v55 =	vand.u32 $0x7C, v54;
	v56 =	vmov s19;
	v57 =	vld [tilespmem:s22+$0x20];
	v32 =	vadd.s32 v0, v30;
	[tilespmem:v26+s24+$0x0] =	vst.idx.msk $0xffff, v20  }
0x83: {  	v33 =	vmov s28;
	v20 =	vld [tilespmem:s22+$0xFFFFFFC0];
	v58 =	vadd.s32 v0, v55;
	v28 =	vand.u32 $0x7D, v56;
	[tilespmem:v22+s24+$0x0] =	vst.idx.msk $0xffff, v21  }
0x84: {  	v33 =	vand.u32 $0x7E, v33;
	v21 =	vld [tilespmem:s22+$0xFFFFFFE0];
	v22 =	vadd.s32 v0, v28;
	[tilespmem:v24+s24+$0x0] =	vst.idx.msk $0xffff, v23  }
0x85: {  	v59 =	vadd.s32 v0, v33;
	v23 =	vld [tilespmem:s22+$0x0];
	[tilespmem:v16+s24+$0x0] =	vst.idx.msk $0xffff, v53  }
0x86: {  	v18 =	vadd.s32 v1, v18;
	v16 =	vld [tilespmem:s8+$0xFFFFFFF0];
	[tilespmem:v19+s24+$0x0] =	vst.idx.msk $0xffff, v31  }
0x87: {  	v17 =	vadd.s32 v1, v17;
	v19 =	vld [tilespmem:s8+$0x10];
	[tilespmem:v32+s24+$0x0] =	vst.idx.msk $0xffff, v57  }
0x88: {  	v60 =	vadd.s32 v1, v30;
	[tilespmem:v58+s24+$0x0] =	vst.idx.msk $0xffff, v20;
	v20 =	vld [tilespmem:s22+$0x30]  }
0x89: {  	v25 =	vadd.s32 v1, v55;
	v61 =	vld [tilespmem:s22+$0xFFFFFFD0];
	[tilespmem:v22+s24+$0x0] =	vst.idx.msk $0xffff, v21  }
0x8a: {  	v22 =	vadd.s32 v1, v28;
	[tilespmem:v59+s24+$0x0] =	vst.idx.msk $0xffff, v23;
	v21 =	vld [tilespmem:s22+$0xFFFFFFF0]  }
0x8b: {  	[tilespmem:v18+s24+$0x0] =	vst.idx.msk $0xffff, v16;
	v16 =	vld [tilespmem:s22+$0x10];
	v18 =	vadd.s32 v1, v33  }
0x8c: {  	[tilespmem:v17+s24+$0x0] =	vst.idx.msk $0xffff, v19  }
0x8d: {  	[tilespmem:v60+s24+$0x0] =	vst.idx.msk $0xffff, v20  }
0x8e: {  	[tilespmem:v25+s24+$0x0] =	vst.idx.msk $0xffff, v61  }
0x8f: {  	[tilespmem:v22+s24+$0x0] =	vst.idx.msk $0xffff, v21  }
0x90: {  	s29 =	simm.s32 $0x1470;
	[tilespmem:v18+s24+$0x0] =	vst.idx.msk $0xffff, v16  }
0x91: {  	v17 =	vadd.s32 v2, v13;
	v16 =	vld [tilespmem:s29+$0xFFFFFFF0]  }
0x92: {  	v19 =	vadd.s32 v2, v12;
	v18 =	vld [tilespmem:s29+$0xFFFFFF90];
	_ =	sdelay $0x2  }
0x93: {  	v21 =	vadd.s32 v2, v11;
	v20 =	vld [tilespmem:s29+$0xFFFFFFB0]  }
0x94: {  	v23 =	vadd.s32 v2, v10;
	v22 =	vld [tilespmem:s29+$0xFFFFFFD0];
	[tilespmem:v17+s24+$0x0] =	vst.idx.msk $0xffff, v16  }
0x95: {  	[tilespmem:v19+s24+$0x0] =	vst.idx.msk $0xffff, v18;
	v17 =	vadd.s32 v3, v13;
	v16 =	vld [tilespmem:s29+$0x0]  }
0x96: {  	v62 =	vadd.s32 v3, v12;
	s6 =	simm.s32 $0x14F0;
	v13 =	vand.u32 $0x7F, v14;
	v14 =	vld [tilespmem:s29+$0xFFFFFFA0]  }
0x97: {  	v12 =	vand.u32 $0x7C, v15;
	v25 =	vld [tilespmem:s6+$0xFFFFFFF0];
	v63 =	vadd.s32 v2, v13  }
0x98: {  	[tilespmem:v21+s24+$0x0] =	vst.idx.msk $0xffff, v20;
	v20 =	vld [tilespmem:s6+$0xFFFFFF90];
	v21 =	vadd.s32 v2, v12  }
0x99: {  	[tilespmem:v23+s24+$0x0] =	vst.idx.msk $0xffff, v22;
	v18 =	vld [tilespmem:s6+$0xFFFFFFB0];
	v19 =	vadd.s32 v2, v9  }
0x9a: {  	v15 =	vld [tilespmem:s6+$0xFFFFFFD0];
	[tilespmem:v17+s24+$0x0] =	vst.idx.msk $0xffff, v16;
	v17 =	vadd.s32 v2, v8  }
0x9b: {  	v11 =	vadd.s32 v3, v11;
	[tilespmem:v62+s24+$0x0] =	vst.idx.msk $0xffff, v14;
	v14 =	vld [tilespmem:s29+$0xFFFFFFC0]  }
0x9c: {  	s18 =	simm.s32 $0xC;
	s19 =	simm.s32 $0xB;
	s8 =	simm.s32 $0x14F0;
	v10 =	vadd.s32 v3, v10;
	[tilespmem:v63+s24+$0x0] =	vst.idx.msk $0xffff, v25;
	v16 =	vld [tilespmem:s29+$0xFFFFFFE0]  }
.LBB2_5:
0x9d: {  	p1 =	slt.u32 s18, $0x7C;
	v22 =	vmov s19;
	[tilespmem:v21+s24+$0x0] =	vst.idx.msk $0xffff, v20;
	v23 =	vld [tilespmem:s6+$0x0];
	v24 =	vadd.s32 v3, v13  }
0x9e: {  	v20 =	vmov s2;
	s19 =	sadd.s32 $0x1, s2;
	v25 =	vadd.s32 v3, v12;
	s6 =	sadd.s32 $0x80, s6;
	v13 =	vand.u32 $0x7F, v22;
	v22 =	vld [tilespmem:s8+$0xFFFFFFA0];
	[tilespmem:v19+s24+$0x0] =	vst.idx.msk $0xffff, v18  }
0x9f: {  	v12 =	vand.u32 $0x7C, v20;
	v18 =	vmov s19;
	s19 =	sadd.s32 $0x2, s2;
	s2 =	smov.u32 s18;
	v26 =	vld [tilespmem:s6+$0xFFFFFFF0];
	v27 =	vadd.s32 v2, v13;
	[tilespmem:v17+s24+$0x0] =	vst.idx.msk $0xffff, v15  }
.Ltmp3:
0xa0: {  	v21 =	vadd.s32 v2, v12;
	v28 =	vand.u32 $0x7D, v18;
	v15 =	vmov s19;
	v20 =	vld [tilespmem:s6+$0xFFFFFF90];
	[tilespmem:v11+s24+$0x0] =	vst.idx.msk $0xffff, v14;
	(pc) =	sbr.rel @p1 .LBB2_5-.Ltmp3, $4  }
0xa1: {  	v19 =	vadd.s32 v2, v28;
	v29 =	vand.u32 $0x7E, v15;
	v18 =	vld [tilespmem:s6+$0xFFFFFFB0];
	[tilespmem:v10+s24+$0x0] =	vst.idx.msk $0xffff, v16  }
0xa2: {  	v17 =	vadd.s32 v2, v29;
	v15 =	vld [tilespmem:s6+$0xFFFFFFD0];
	[tilespmem:v24+s24+$0x0] =	vst.idx.msk $0xffff, v23  }
0xa3: {  	v11 =	vadd.s32 v3, v9;
	v9 =	vmov v28;
	[tilespmem:v25+s24+$0x0] =	vst.idx.msk $0xffff, v22;
	v14 =	vld [tilespmem:s8+$0xFFFFFFC0]  }
0xa4: {  	s18 =	sadd.s32 $0x4, s18;
	s19 =	sadd.s32 $0x3, s2;
	v10 =	vadd.s32 v3, v8;
	v8 =	vmov v29;
	[tilespmem:v27+s24+$0x0] =	vst.idx.msk $0xffff, v26;
	v16 =	vld [tilespmem:s8+$0xFFFFFFE0];
	s8 =	smov.u32 s6  }
0xa5: {  	_ =	sdelay $0x3  }
0xa6: {  	v22 =	vmov s19;
	[tilespmem:v21+s24+$0x0] =	vst.idx.msk $0xffff, v20;
	v20 =	vld [tilespmem:s6+$0x0];
	v13 =	vadd.s32 v3, v13  }
0xa7: {  	v21 =	vmov s2;
	s18 =	sadd.s32 $0x1, s2;
	v12 =	vadd.s32 v3, v12;
	s28 =	sadd.s32 $0x80, s6;
	v22 =	vand.u32 $0x7F, v22;
	v23 =	vld [tilespmem:s8+$0xFFFFFFA0];
	[tilespmem:v19+s24+$0x0] =	vst.idx.msk $0xffff, v18  }
0xa8: {  	s29 =	sadd.s32 $0x2, s2;
	v18 =	vand.u32 $0x7C, v21;
	v19 =	vmov s18;
	v21 =	vld [tilespmem:s28+$0xFFFFFFF0];
	v24 =	vadd.s32 v2, v22;
	[tilespmem:v17+s24+$0x0] =	vst.idx.msk $0xffff, v15  }
0xa9: {  	v25 =	vmov s29;
	v15 =	vld [tilespmem:s28+$0xFFFFFF90];
	v17 =	vadd.s32 v2, v18;
	v19 =	vand.u32 $0x7D, v19;
	[tilespmem:v11+s24+$0x0] =	vst.idx.msk $0xffff, v14  }
0xaa: {  	v25 =	vand.u32 $0x7E, v25;
	v11 =	vld [tilespmem:s28+$0xFFFFFFB0];
	v14 =	vadd.s32 v2, v19;
	[tilespmem:v10+s24+$0x0] =	vst.idx.msk $0xffff, v16  }
0xab: {  	v10 =	vld [tilespmem:s28+$0xFFFFFFD0];
	v16 =	vadd.s32 v2, v25;
	[tilespmem:v13+s24+$0x0] =	vst.idx.msk $0xffff, v20  }
0xac: {  	v9 =	vadd.s32 v3, v9;
	[tilespmem:v12+s24+$0x0] =	vst.idx.msk $0xffff, v23;
	v12 =	vld [tilespmem:s8+$0xFFFFFFC0]  }
0xad: {  	v8 =	vadd.s32 v3, v8;
	v13 =	vld [tilespmem:s8+$0xFFFFFFE0];
	[tilespmem:v24+s24+$0x0] =	vst.idx.msk $0xffff, v21  }
0xae: {  	[tilespmem:v17+s24+$0x0] =	vst.idx.msk $0xffff, v15;
	v17 =	vadd.s32 v3, v22;
	v15 =	vld [tilespmem:s28+$0x0]  }
0xaf: {  	v18 =	vadd.s32 v3, v18;
	v20 =	vld [tilespmem:s28+$0xFFFFFFA0];
	[tilespmem:v14+s24+$0x0] =	vst.idx.msk $0xffff, v11  }
0xb0: {  	v11 =	vadd.s32 v3, v19;
	[tilespmem:v16+s24+$0x0] =	vst.idx.msk $0xffff, v10;
	v10 =	vld [tilespmem:s28+$0xFFFFFFC0]  }
0xb1: {  	p2 =	por $0x1, $0x1;
	[tilespmem:v9+s24+$0x0] =	vst.idx.msk $0xffff, v12;
	v9 =	vld [tilespmem:s28+$0xFFFFFFE0];
	v12 =	vadd.s32 v3, v25  }
.Ltmp4:
0xb2: {  	[tilespmem:v8+s24+$0x0] =	vst.idx.msk $0xffff, v13;
	(pc) =	sbr.rel @!p2 .LBB2_13-.Ltmp4, $4  }
0xb3: {  	s2 =	simm.s32 $0x0;
	[tilespmem:v17+s24+$0x0] =	vst.idx.msk $0xffff, v15  }
0xb4: {  	s21 =	simm.s32 $0x3;
	s22 =	simm.s32 $0x4;
	p3 =	por $0x0, $0x0;
	[tilespmem:v18+s24+$0x0] =	vst.idx.msk $0xffff, v20  }
0xb5: {  	p1 =	por $0x0, $0x0;
	s19 =	simm.s32 $0x3;
	s6 =	simm.s32 $0x2470;
	[tilespmem:v11+s24+$0x0] =	vst.idx.msk $0xffff, v10  }
0xb6: {  	p4 =	por $0x0, $0x0;
	s18 =	simm.s32 $0x0;
	s8 =	simm.s32 $0x2470;
	[tilespmem:v12+s24+$0x0] =	vst.idx.msk $0xffff, v9  }
0xb7: {  	v8 =	vmov s21  }
0xb8: {  	v8 =	vand.u32 $0x7F, v8  }
0xb9: {  	v17 =	vld [tilespmem:s8+$0xFFFFFFF0];
	p4 =	por $0x1, $0x1;
	v19 =	vadd.s32 v4, v8  }
.Ltmp5:
0xba: {  	_ = 	snop;
	(pc) =	sbr.rel @!p4 .LBB2_8-.Ltmp5, $4  }
0xbb: {  	v9 =	vmov s2;
	s6 =	simm.s32 $0x1;
	s18 =	simm.s32 $0x2  }
0xbc: {  	v13 =	vld [tilespmem:s8+$0xFFFFFF90];
	v9 =	vand.u32 $0x7C, v9;
	v10 =	vmov s6;
	v12 =	vmov s18  }
0xbd: {  	v11 =	vld [tilespmem:s8+$0xFFFFFFB0];
	v15 =	vadd.s32 v4, v9;
	v18 =	vand.u32 $0x7D, v10;
	v16 =	vand.u32 $0x7E, v12  }
0xbe: {  	s19 =	simm.s32 $0x7;
	p3 =	por $0x1, $0x1;
	s18 =	simm.s32 $0x8;
	v10 =	vld [tilespmem:s8+$0xFFFFFFD0];
	v14 =	vadd.s32 v4, v18;
	v12 =	vadd.s32 v4, v16;
	[tilespmem:v19+s24+$0x0] =	vst.idx.msk $0xffff, v17  }
0xbf: {  	_ =	sdelay $0x3  }
0xc0: {  	v17 =	vmov s19;
	v19 =	vld [tilespmem:s8+$0x0];
	v20 =	vadd.s32 v5, v8;
	[tilespmem:v15+s24+$0x0] =	vst.idx.msk $0xffff, v13  }
0xc1: {  	v21 =	vadd.s32 v5, v9;
	s6 =	simm.s32 $0x24F0;
	v9 =	vmov s22;
	s29 =	simm.s32 $0x5;
	v8 =	vand.u32 $0x7F, v17;
	v17 =	vld [tilespmem:s8+$0xFFFFFFA0]  }
0xc2: {  	s20 =	simm.s32 $0x6;
	p5 =	por $0x1, $0x1;
	v24 =	vld [tilespmem:s6+$0xFFFFFFF0];
	v9 =	vand.u32 $0x7C, v9;
	v25 =	vadd.s32 v4, v8;
	[tilespmem:v14+s24+$0x0] =	vst.idx.msk $0xffff, v11;
	v14 =	vmov s29  }
.Ltmp6:
0xc3: {  	v13 =	vld [tilespmem:s6+$0xFFFFFF90];
	v15 =	vadd.s32 v4, v9;
	[tilespmem:v12+s24+$0x0] =	vst.idx.msk $0xffff, v10;
	v10 =	vmov s20;
	v23 =	vand.u32 $0x7D, v14;
	(pc) =	sbr.rel @!p5 .LBB2_10-.Ltmp6, $4  }
0xc4: {  	v11 =	vld [tilespmem:s6+$0xFFFFFFB0];
	v22 =	vand.u32 $0x7E, v10;
	v14 =	vadd.s32 v4, v23  }
0xc5: {  	v10 =	vld [tilespmem:s6+$0xFFFFFFD0];
	[tilespmem:v20+s24+$0x0] =	vst.idx.msk $0xffff, v19;
	v12 =	vadd.s32 v4, v22  }
0xc6: {  	s19 =	simm.s32 $0xB;
	v19 =	vadd.s32 v5, v18;
	[tilespmem:v21+s24+$0x0] =	vst.idx.msk $0xffff, v17;
	v17 =	vld [tilespmem:s8+$0xFFFFFFC0]  }
0xc7: {  	s28 =	simm.s32 $0xC;
	p4 =	por $0x1, $0x1;
	s20 =	simm.s32 $0x24F0;
	v20 =	vld [tilespmem:s8+$0xFFFFFFE0];
	[tilespmem:v25+s24+$0x0] =	vst.idx.msk $0xffff, v24;
	v21 =	vadd.s32 v5, v16  }
.LBB2_11:
0xc8: {  	p5 =	slt.u32 s28, $0x7C;
	v16 =	vmov s19;
	[tilespmem:v15+s24+$0x0] =	vst.idx.msk $0xffff, v13;
	v18 =	vld [tilespmem:s6+$0x0];
	v24 =	vadd.s32 v5, v8  }
0xc9: {  	v13 =	vmov s18;
	s19 =	sadd.s32 $0x1, s18;
	v25 =	vadd.s32 v5, v9;
	s6 =	sadd.s32 $0x80, s6;
	v8 =	vand.u32 $0x7F, v16;
	v16 =	vld [tilespmem:s20+$0xFFFFFFA0];
	[tilespmem:v14+s24+$0x0] =	vst.idx.msk $0xffff, v11  }
0xca: {  	v9 =	vand.u32 $0x7C, v13;
	v11 =	vmov s19;
	s19 =	sadd.s32 $0x2, s18;
	s18 =	smov.u32 s28;
	v26 =	vld [tilespmem:s6+$0xFFFFFFF0];
	v27 =	vadd.s32 v4, v8;
	[tilespmem:v12+s24+$0x0] =	vst.idx.msk $0xffff, v10  }
.Ltmp7:
0xcb: {  	v15 =	vadd.s32 v4, v9;
	v28 =	vand.u32 $0x7D, v11;
	v10 =	vmov s19;
	v13 =	vld [tilespmem:s6+$0xFFFFFF90];
	[tilespmem:v19+s24+$0x0] =	vst.idx.msk $0xffff, v17;
	(pc) =	sbr.rel @p5 .LBB2_11-.Ltmp7, $4  }
0xcc: {  	v14 =	vadd.s32 v4, v28;
	v29 =	vand.u32 $0x7E, v10;
	v11 =	vld [tilespmem:s6+$0xFFFFFFB0];
	[tilespmem:v21+s24+$0x0] =	vst.idx.msk $0xffff, v20  }
0xcd: {  	v12 =	vadd.s32 v4, v29;
	v10 =	vld [tilespmem:s6+$0xFFFFFFD0];
	[tilespmem:v24+s24+$0x0] =	vst.idx.msk $0xffff, v18  }
0xce: {  	v19 =	vadd.s32 v5, v23;
	v23 =	vmov v28;
	[tilespmem:v25+s24+$0x0] =	vst.idx.msk $0xffff, v16;
	v17 =	vld [tilespmem:s20+$0xFFFFFFC0]  }
0xcf: {  	s28 =	sadd.s32 $0x4, s28;
	s19 =	sadd.s32 $0x3, s18;
	v21 =	vadd.s32 v5, v22;
	v22 =	vmov v29;
	[tilespmem:v27+s24+$0x0] =	vst.idx.msk $0xffff, v26;
	v20 =	vld [tilespmem:s20+$0xFFFFFFE0];
	s20 =	smov.u32 s6  }
0xd0: {  	v18 =	vmov v23;
	v16 =	vmov v22  }
.LBB2_13:
0xd1: {  	_ =	sdelay $0x3  }
0xd2: {  	[tilespmem:v15+s24+$0x0] =	vst.idx.msk @p3 $0xffff, v13;
	v13 =	vld @p3 [tilespmem:s6+$0x0];
	s6 =	sadd.s32 @p3 $0x80, s6  }
0xd3: {  	v48 =	vmov s19;
	v8 =	vadd.s32 @p3 v5, v8;
	v22 =	vld @p3 [tilespmem:s20+$0xFFFFFFA0];
	s8 =	smov.u32 @p3 s6  }
0xd4: {  	v23 =	vmov s18;
	s28 =	sadd.s32 $0x1, s18;
	v9 =	vadd.s32 @p3 v5, v9;
	[tilespmem:v14+s24+$0x0] =	vst.idx.msk @p3 $0xffff, v11;
	v15 =	vand.u32 $0x7F, v48;
	v49 =	vld [tilespmem:s8+$0xFFFFFFF0]  }
0xd5: {  	s29 =	sadd.s32 $0x2, s18;
	v50 =	vand.u32 $0x7C, v23;
	v51 =	vmov s28;
	[tilespmem:v12+s24+$0x0] =	vst.idx.msk @p3 $0xffff, v10;
	v24 =	vadd.s32 v4, v15;
	v52 =	vld [tilespmem:s8+$0xFFFFFF90]  }
0xd6: {  	v25 =	vmov s29;
	v53 =	vadd.s32 v4, v50;
	v23 =	vand.u32 $0x7D, v51;
	[tilespmem:v19+s24+$0x0] =	vst.idx.msk @p4 $0xffff, v17;
	v54 =	vld [tilespmem:s8+$0xFFFFFFB0]  }
0xd7: {  	v25 =	vand.u32 $0x7E, v25;
	v56 =	vld [tilespmem:s8+$0xFFFFFFD0];
	v55 =	vadd.s32 v4, v23;
	[tilespmem:v21+s24+$0x0] =	vst.idx.msk @p4 $0xffff, v20  }
0xd8: {  	v57 =	vadd.s32 v4, v25;
	[tilespmem:v8+s24+$0x0] =	vst.idx.msk @p3 $0xffff, v13;
	v8 =	vld @p3 [tilespmem:s20+$0xFFFFFFC0];
	v13 =	vadd.s32 @p3 v5, v18  }
0xd9: {  	v16 =	vadd.s32 @p3 v5, v16;
	[tilespmem:v9+s24+$0x0] =	vst.idx.msk @p3 $0xffff, v22;
	v9 =	vld @p3 [tilespmem:s20+$0xFFFFFFE0];
	v13 =	vpsel p3, v13, v0  }
0xda: {  	v11 =	vpsel p3, v16, v0;
	[tilespmem:v24+s24+$0x0] =	vst.idx.msk $0xffff, v49  }
0xdb: {  	v59 =	vadd.s32 v5, v15;
	[tilespmem:v53+s24+$0x0] =	vst.idx.msk $0xffff, v52;
	v58 =	vld [tilespmem:s8+$0x0]  }
0xdc: {  	v14 =	vadd.s32 v5, v50;
	v60 =	vld [tilespmem:s8+$0xFFFFFFA0];
	[tilespmem:v55+s24+$0x0] =	vst.idx.msk $0xffff, v54  }
0xdd: {  	v62 =	vadd.s32 v5, v23;
	[tilespmem:v57+s24+$0x0] =	vst.idx.msk $0xffff, v56;
	v61 =	vld [tilespmem:s8+$0xFFFFFFC0];
	v8 =	vpsel p3, v8, v0  }
0xde: {  	v63 =	vadd.s32 v5, v25;
	v9 =	vpsel p3, v9, v0;
	[tilespmem:v13+s24+$0x0] =	vst.idx.msk @p3 $0xffff, v8;
	v8 =	vld [tilespmem:s8+$0xFFFFFFE0]  }
.Ltmp8:
0xdf: {  	[tilespmem:v11+s24+$0x0] =	vst.idx.msk @p3 $0xffff, v9;
	(pc) =	sbr.rel @!p2 .LBB2_14-.Ltmp8, $4  }
0xe0: {  	[tilespmem:v59+s24+$0x0] =	vst.idx.msk $0xffff, v58  }
0xe1: {  	[tilespmem:v14+s24+$0x0] =	vst.idx.msk $0xffff, v60  }
0xe2: {  	[tilespmem:v62+s24+$0x0] =	vst.idx.msk $0xffff, v61  }
0xe3: {  	s8 =	simm.s32 $0x3470;
	[tilespmem:v63+s24+$0x0] =	vst.idx.msk $0xffff, v8  }
0xe4: {  	v8 =	vmov s21  }
0xe5: {  	v8 =	vand.u32 $0x7F, v8  }
0xe6: {  	v17 =	vld [tilespmem:s8+$0xFFFFFFF0];
	p3 =	por $0x1, $0x1;
	v19 =	vadd.s32 v6, v8  }
.Ltmp9:
0xe7: {  	_ = 	snop;
	(pc) =	sbr.rel @!p3 .LBB2_16-.Ltmp9, $4  }
0xe8: {  	v9 =	vmov s2;
	s29 =	simm.s32 $0x1;
	s6 =	simm.s32 $0x2  }
0xe9: {  	v13 =	vld [tilespmem:s8+$0xFFFFFF90];
	v9 =	vand.u32 $0x7C, v9;
	v10 =	vmov s29;
	v12 =	vmov s6  }
0xea: {  	v11 =	vld [tilespmem:s8+$0xFFFFFFB0];
	v15 =	vadd.s32 v6, v9;
	v18 =	vand.u32 $0x7D, v10;
	v16 =	vand.u32 $0x7E, v12  }
0xeb: {  	s21 =	simm.s32 $0x7;
	s2 =	simm.s32 $0x8;
	p2 =	por $0x1, $0x1;
	v10 =	vld [tilespmem:s8+$0xFFFFFFD0];
	v14 =	vadd.s32 v6, v18;
	v12 =	vadd.s32 v6, v16;
	[tilespmem:v19+s24+$0x0] =	vst.idx.msk $0xffff, v17  }
0xec: {  	_ =	sdelay $0x3  }
0xed: {  	v17 =	vmov s21;
	v19 =	vld [tilespmem:s8+$0x0];
	v20 =	vadd.s32 v7, v8;
	[tilespmem:v15+s24+$0x0] =	vst.idx.msk $0xffff, v13  }
0xee: {  	v21 =	vadd.s32 v7, v9;
	s6 =	simm.s32 $0x34F0;
	v9 =	vmov s22;
	s18 =	simm.s32 $0x5;
	v8 =	vand.u32 $0x7F, v17;
	v17 =	vld [tilespmem:s8+$0xFFFFFFA0]  }
0xef: {  	s19 =	simm.s32 $0x6;
	p3 =	por $0x1, $0x1;
	v24 =	vld [tilespmem:s6+$0xFFFFFFF0];
	v9 =	vand.u32 $0x7C, v9;
	v25 =	vadd.s32 v6, v8;
	[tilespmem:v14+s24+$0x0] =	vst.idx.msk $0xffff, v11;
	v14 =	vmov s18  }
.Ltmp10:
0xf0: {  	v13 =	vld [tilespmem:s6+$0xFFFFFF90];
	v15 =	vadd.s32 v6, v9;
	[tilespmem:v12+s24+$0x0] =	vst.idx.msk $0xffff, v10;
	v10 =	vmov s19;
	v23 =	vand.u32 $0x7D, v14;
	(pc) =	sbr.rel @!p3 .LBB2_18-.Ltmp10, $4  }
0xf1: {  	v11 =	vld [tilespmem:s6+$0xFFFFFFB0];
	v22 =	vand.u32 $0x7E, v10;
	v14 =	vadd.s32 v6, v23  }
0xf2: {  	v10 =	vld [tilespmem:s6+$0xFFFFFFD0];
	[tilespmem:v20+s24+$0x0] =	vst.idx.msk $0xffff, v19;
	v12 =	vadd.s32 v6, v22  }
0xf3: {  	s21 =	simm.s32 $0xB;
	v19 =	vadd.s32 v7, v18;
	[tilespmem:v21+s24+$0x0] =	vst.idx.msk $0xffff, v17;
	v17 =	vld [tilespmem:s8+$0xFFFFFFC0]  }
0xf4: {  	p1 =	por $0x1, $0x1;
	s18 =	simm.s32 $0x34F0;
	s19 =	simm.s32 $0xC;
	v20 =	vld [tilespmem:s8+$0xFFFFFFE0];
	[tilespmem:v25+s24+$0x0] =	vst.idx.msk $0xffff, v24;
	v21 =	vadd.s32 v7, v16  }
.LBB2_19:
0xf5: {  	p3 =	slt.u32 s19, $0x7C;
	v16 =	vmov s21;
	[tilespmem:v15+s24+$0x0] =	vst.idx.msk $0xffff, v13;
	v18 =	vld [tilespmem:s6+$0x0];
	v24 =	vadd.s32 v7, v8  }
0xf6: {  	v13 =	vmov s2;
	s20 =	sadd.s32 $0x1, s2;
	v25 =	vadd.s32 v7, v9;
	s6 =	sadd.s32 $0x80, s6;
	v8 =	vand.u32 $0x7F, v16;
	v16 =	vld [tilespmem:s18+$0xFFFFFFA0];
	[tilespmem:v14+s24+$0x0] =	vst.idx.msk $0xffff, v11  }
0xf7: {  	v9 =	vand.u32 $0x7C, v13;
	v11 =	vmov s20;
	s20 =	sadd.s32 $0x2, s2;
	s2 =	smov.u32 s19;
	v26 =	vld [tilespmem:s6+$0xFFFFFFF0];
	v27 =	vadd.s32 v6, v8;
	[tilespmem:v12+s24+$0x0] =	vst.idx.msk $0xffff, v10  }
.Ltmp11:
0xf8: {  	v15 =	vadd.s32 v6, v9;
	v28 =	vand.u32 $0x7D, v11;
	v10 =	vmov s20;
	v13 =	vld [tilespmem:s6+$0xFFFFFF90];
	[tilespmem:v19+s24+$0x0] =	vst.idx.msk $0xffff, v17;
	(pc) =	sbr.rel @p3 .LBB2_19-.Ltmp11, $4  }
0xf9: {  	v14 =	vadd.s32 v6, v28;
	v29 =	vand.u32 $0x7E, v10;
	v11 =	vld [tilespmem:s6+$0xFFFFFFB0];
	[tilespmem:v21+s24+$0x0] =	vst.idx.msk $0xffff, v20  }
0xfa: {  	v12 =	vadd.s32 v6, v29;
	v10 =	vld [tilespmem:s6+$0xFFFFFFD0];
	[tilespmem:v24+s24+$0x0] =	vst.idx.msk $0xffff, v18  }
0xfb: {  	v19 =	vadd.s32 v7, v23;
	v23 =	vmov v28;
	[tilespmem:v25+s24+$0x0] =	vst.idx.msk $0xffff, v16;
	v17 =	vld [tilespmem:s18+$0xFFFFFFC0]  }
0xfc: {  	s19 =	sadd.s32 $0x4, s19;
	s21 =	sadd.s32 $0x3, s2;
	v21 =	vadd.s32 v7, v22;
	v22 =	vmov v29;
	[tilespmem:v27+s24+$0x0] =	vst.idx.msk $0xffff, v26;
	v20 =	vld [tilespmem:s18+$0xFFFFFFE0];
	s18 =	smov.u32 s6  }
0xfd: {  	v18 =	vmov v23;
	v16 =	vmov v22  }
.LBB2_21:
0xfe: {  	_ =	sdelay $0x3  }
0xff: {  	[tilespmem:v15+s24+$0x0] =	vst.idx.msk @p2 $0xffff, v13;
	v13 =	vld @p2 [tilespmem:s6+$0x0];
	s6 =	sadd.s32 @p2 $0x80, s6  }
0x100: {  	v48 =	vmov s21;
	v8 =	vadd.s32 @p2 v7, v8;
	v22 =	vld @p2 [tilespmem:s18+$0xFFFFFFA0];
	s8 =	smov.u32 @p2 s6  }
0x101: {  	v23 =	vmov s2;
	s22 =	sadd.s32 $0x1, s2;
	v9 =	vadd.s32 @p2 v7, v9;
	[tilespmem:v14+s24+$0x0] =	vst.idx.msk @p2 $0xffff, v11;
	v15 =	vand.u32 $0x7F, v48;
	v49 =	vld [tilespmem:s8+$0xFFFFFFF0]  }
0x102: {  	s28 =	sadd.s32 $0x2, s2;
	v50 =	vand.u32 $0x7C, v23;
	v51 =	vmov s22;
	[tilespmem:v12+s24+$0x0] =	vst.idx.msk @p2 $0xffff, v10;
	v24 =	vadd.s32 v6, v15;
	v52 =	vld [tilespmem:s8+$0xFFFFFF90]  }
0x103: {  	v25 =	vmov s28;
	v53 =	vadd.s32 v6, v50;
	v23 =	vand.u32 $0x7D, v51;
	[tilespmem:v19+s24+$0x0] =	vst.idx.msk @p1 $0xffff, v17;
	v54 =	vld [tilespmem:s8+$0xFFFFFFB0]  }
0x104: {  	v25 =	vand.u32 $0x7E, v25;
	v56 =	vld [tilespmem:s8+$0xFFFFFFD0];
	v55 =	vadd.s32 v6, v23;
	[tilespmem:v21+s24+$0x0] =	vst.idx.msk @p1 $0xffff, v20  }
0x105: {  	v57 =	vadd.s32 v6, v25;
	[tilespmem:v8+s24+$0x0] =	vst.idx.msk @p2 $0xffff, v13;
	v8 =	vld @p2 [tilespmem:s18+$0xFFFFFFC0];
	v13 =	vadd.s32 @p2 v7, v18  }
0x106: {  	v16 =	vadd.s32 @p2 v7, v16;
	[tilespmem:v9+s24+$0x0] =	vst.idx.msk @p2 $0xffff, v22;
	v9 =	vld @p2 [tilespmem:s18+$0xFFFFFFE0];
	v13 =	vpsel p2, v13, v0  }
0x107: {  	v11 =	vpsel p2, v16, v0;
	[tilespmem:v24+s24+$0x0] =	vst.idx.msk $0xffff, v49  }
0x108: {  	v59 =	vadd.s32 v7, v15;
	[tilespmem:v53+s24+$0x0] =	vst.idx.msk $0xffff, v52;
	v58 =	vld [tilespmem:s8+$0x0]  }
0x109: {  	v14 =	vadd.s32 v7, v50;
	v60 =	vld [tilespmem:s8+$0xFFFFFFA0];
	[tilespmem:v55+s24+$0x0] =	vst.idx.msk $0xffff, v54  }
0x10a: {  	v62 =	vadd.s32 v7, v23;
	[tilespmem:v57+s24+$0x0] =	vst.idx.msk $0xffff, v56;
	v61 =	vld [tilespmem:s8+$0xFFFFFFC0];
	v8 =	vpsel p2, v8, v0  }
0x10b: {  	v63 =	vadd.s32 v7, v25;
	v9 =	vpsel p2, v9, v0;
	[tilespmem:v13+s24+$0x0] =	vst.idx.msk @p2 $0xffff, v8;
	v8 =	vld [tilespmem:s8+$0xFFFFFFE0]  }
0x10c: {  	[tilespmem:v11+s24+$0x0] =	vst.idx.msk @p2 $0xffff, v9  }
0x10d: {  	p1 =	seq.s32 s31, $0x63;
	[tilespmem:v59+s24+$0x0] =	vst.idx.msk $0xffff, v58  }
0x10e: {  	s2 =	sadd.s32 @!p1 s9, s0;
	[tilespmem:v14+s24+$0x0] =	vst.idx.msk $0xffff, v60  }
0x10f: {  	s2 =	sshrl.u32 @!p1 s2, $0x3;
	[tilespmem:v62+s24+$0x0] =	vst.idx.msk $0xffff, v61  }
0x110: {  	s6 =	simm.s32 @!p1 $0x0;
	s2 =	sadd.s32 @!p1 s4, s2;
	[tilespmem:v63+s24+$0x0] =	vst.idx.msk $0xffff, v8  }
0x111: {  	[tilespmem:s6], [sflag:$0x5] =	stream.linear.gather @!p1 [hbm4b:s2+s6], $0x200, $0x38;
	[tilespmem:$0x10C00] =	vst v63  }
0x112: {  	s2 =	simm.s32 @!p1 $0x5  }
0x113: {  	_ =	swait.ge @!p1 [sflag:s2], $0x200  }
0x114: {  	s29 =	sshll.u32 s31, $0x11;
	[sflag:s2] =	ssyncset.done @!p1 $0x0  }
0x115: {  	s8 =	simm.s32 @!p1 $0x400;
	[sflag:s2] =	ssyncadd.s32 @!p1 $0xFFFFFE00;
	s2 =	simm.s32 @!p1 $0x200  }
0x116: {  	[tilespmem:s8], [sflag:$0x1] =	stream.indirect.gather @!p1 [hbm4b:s5+s2], $0x20, s6, s2, $0xb8;
	[tilespmem:$0x10C00] =	vst v63  }
0x117: {  	s2 =	sor.u32 s7, s29  }
0x118: {  	s19 =	simm.s32 $0x8488;
	s6 =	sadd.s32 s1, s2  }
0x119: {  	s18 =	simm.s32 $0x10;
	s8 =	simm.s32 $0x8400;
	s20 =	sadd.s32 $0x0, s6  }
.LBB2_22:
0x11a: {  	[hbm4b:s20+s3] =	stream.linear.scatter [tilespmem:s8], [sflag:$0x3], $0x80, $0x38;
	[tilespmem:$0x10C00] =	vst v63  }
0x11b: {  	s20 =	smov.u32 s18;
	s8 =	smov.u32 s19;
	p2 =	sne.s32 s18, $0x1F0  }
.Ltmp12:
0x11c: {  	s18 =	sadd.s32 $0x10, s18;
	(pc) =	sbr.rel @p2 .LBB2_22-.Ltmp12, $2  }
0x11d: {  	_ =	sdelay $0x2  }
0x11e: {  	s19 =	sadd.s32 $0x88, s19;
	s20 =	sadd.s32 s20, s6  }
0x11f: {  	[hbm4b:s20+s3] =	stream.linear.scatter [tilespmem:s8], [sflag:$0x3], $0x80, $0x38;
	[tilespmem:$0x10C00] =	vst v63  }
0x120: {  	s6 =	sadd.s32 s2, s11;
	s8 =	simm.s32 $0x9500  }
0x121: {  	s18 =	simm.s32 $0x10;
	s19 =	simm.s32 $0x9588;
	s20 =	sadd.s32 $0x0, s6  }
.LBB2_24:
0x122: {  	[hbm4b:s20+s3] =	stream.linear.scatter [tilespmem:s8], [sflag:$0x3], $0x80, $0x38;
	[tilespmem:$0x10C00] =	vst v63  }
0x123: {  	s20 =	smov.u32 s18;
	s8 =	smov.u32 s19;
	p2 =	sne.s32 s18, $0x1F0  }
.Ltmp13:
0x124: {  	s18 =	sadd.s32 $0x10, s18;
	(pc) =	sbr.rel @p2 .LBB2_24-.Ltmp13, $2  }
0x125: {  	_ =	sdelay $0x2  }
0x126: {  	s19 =	sadd.s32 $0x88, s19;
	s20 =	sadd.s32 s20, s6  }
0x127: {  	[hbm4b:s20+s3] =	stream.linear.scatter [tilespmem:s8], [sflag:$0x3], $0x80, $0x38;
	[tilespmem:$0x10C00] =	vst v63  }
0x128: {  	s6 =	sadd.s32 s2, s12;
	s8 =	simm.s32 $0xA600  }
0x129: {  	s18 =	simm.s32 $0x10;
	s19 =	simm.s32 $0xA688;
	s20 =	sadd.s32 $0x0, s6  }
.LBB2_26:
0x12a: {  	[hbm4b:s20+s3] =	stream.linear.scatter [tilespmem:s8], [sflag:$0x3], $0x80, $0x38;
	[tilespmem:$0x10C00] =	vst v63  }
0x12b: {  	s20 =	smov.u32 s18;
	s8 =	smov.u32 s19;
	p2 =	sne.s32 s18, $0x1F0  }
.Ltmp14:
0x12c: {  	s18 =	sadd.s32 $0x10, s18;
	(pc) =	sbr.rel @p2 .LBB2_26-.Ltmp14, $2  }
0x12d: {  	_ =	sdelay $0x2  }
0x12e: {  	s19 =	sadd.s32 $0x88, s19;
	s20 =	sadd.s32 s20, s6  }
0x12f: {  	[hbm4b:s20+s3] =	stream.linear.scatter [tilespmem:s8], [sflag:$0x3], $0x80, $0x38;
	[tilespmem:$0x10C00] =	vst v63  }
0x130: {  	s6 =	sadd.s32 s2, s13;
	s8 =	simm.s32 $0xB700  }
0x131: {  	s18 =	simm.s32 $0x10;
	s19 =	simm.s32 $0xB788;
	s20 =	sadd.s32 $0x0, s6  }
.LBB2_28:
0x132: {  	[hbm4b:s20+s3] =	stream.linear.scatter [tilespmem:s8], [sflag:$0x3], $0x80, $0x38;
	[tilespmem:$0x10C00] =	vst v63  }
0x133: {  	s20 =	smov.u32 s18;
	s8 =	smov.u32 s19;
	p2 =	sne.s32 s18, $0x1F0  }
.Ltmp15:
0x134: {  	s18 =	sadd.s32 $0x10, s18;
	(pc) =	sbr.rel @p2 .LBB2_28-.Ltmp15, $2  }
0x135: {  	_ =	sdelay $0x2  }
0x136: {  	s19 =	sadd.s32 $0x88, s19;
	s20 =	sadd.s32 s20, s6  }
0x137: {  	[hbm4b:s20+s3] =	stream.linear.scatter [tilespmem:s8], [sflag:$0x3], $0x80, $0x38;
	[tilespmem:$0x10C00] =	vst v63  }
0x138: {  	_ =	swait.ge [sflag:s25], $0x4000  }
0x139: {  	[sflag:s25] =	ssyncset.done $0x0  }
0x13a: {  	s6 =	simm.s32 @!p0 $0x4;
	[sflag:s25] =	ssyncadd.s32 $0xFFFFC000  }
0x13b: {  	_ =	swait.ge @!p0 [sflag:s6], $0x1000  }
0x13c: {  	[sflag:s6] =	ssyncset.done @!p0 $0x0  }
0x13d: {  	[sflag:s6] =	ssyncadd.s32 @!p0 $0xFFFFF000  }
0x13e: {  	_ =	swait.ge @!p0 [sflag:s6], $0x1000  }
0x13f: {  	[sflag:s6] =	ssyncset.done @!p0 $0x0  }
0x140: {  	[sflag:s6] =	ssyncadd.s32 @!p0 $0xFFFFF000  }
0x141: {  	_ =	swait.ge @!p0 [sflag:s6], $0x1000  }
0x142: {  	[sflag:s6] =	ssyncset.done @!p0 $0x0  }
0x143: {  	[sflag:s6] =	ssyncadd.s32 @!p0 $0xFFFFF000  }
0x144: {  	s29 =	simm.s32 $0x3;
	_ =	swait.ge @!p0 [sflag:s6], $0x1000  }
0x145: {  	s18 =	simm.s32 $0x0;
	v8 =	vmov s29;
	[sflag:s6] =	ssyncset.done @!p0 $0x0  }
0x146: {  	s19 =	simm.s32 $0x4470;
	v9 =	vmov s18;
	v13 =	vand.u32 $0x7F, v8;
	[sflag:s6] =	ssyncadd.s32 @!p0 $0xFFFFF000  }
0x147: {  	v12 =	vand.u32 $0x7C, v9;
	v9 =	vadd.s32 v0, v13;
	v8 =	vld [tilespmem:s19+$0xFFFFFFF0]  }
0x148: {  	s18 =	simm.s32 $0x1;
	v16 =	vadd.s32 v0, v12;
	v15 =	vld [tilespmem:s19+$0xFFFFFF90]  }
0x149: {  	s20 =	simm.s32 $0x2;
	v10 =	vmov s18  }
0x14a: {  	v11 =	vand.u32 $0x7D, v10;
	v10 =	vmov s20  }
0x14b: {  	v18 =	vadd.s32 v0, v11;
	v10 =	vand.u32 $0x7E, v10;
	v17 =	vld [tilespmem:s19+$0xFFFFFFB0]  }
0x14c: {  	s21 =	simm.s32 $0x7;
	v21 =	vadd.s32 v0, v10;
	v20 =	vld [tilespmem:s19+$0xFFFFFFD0];
	[tilespmem:v9+s26+$0x0] =	vst.idx.msk $0xffff, v8  }
0x14d: {  	s22 =	simm.s32 $0x4;
	v14 =	vmov s21;
	v23 =	vadd.s32 v1, v13;
	[tilespmem:v16+s26+$0x0] =	vst.idx.msk $0xffff, v15;
	v22 =	vld [tilespmem:s19+$0x0]  }
0x14e: {  	s28 =	simm.s32 $0x5;
	v30 =	vadd.s32 v1, v12;
	s6 =	simm.s32 $0x44F0;
	v16 =	vand.u32 $0x7F, v14;
	v15 =	vmov s22;
	v24 =	vld [tilespmem:s19+$0xFFFFFFA0]  }
0x14f: {  	s29 =	simm.s32 $0x6;
	v31 =	vld [tilespmem:s6+$0xFFFFFFF0];
	v8 =	vmov s28;
	v32 =	vadd.s32 v0, v16;
	v19 =	vand.u32 $0x7C, v15  }
0x150: {  	v27 =	vld [tilespmem:s6+$0xFFFFFF90];
	[tilespmem:v18+s26+$0x0] =	vst.idx.msk $0xffff, v17;
	v17 =	vmov s29;
	v9 =	vand.u32 $0x7D, v8;
	v29 =	vadd.s32 v0, v19  }
0x151: {  	v26 =	vld [tilespmem:s6+$0xFFFFFFB0];
	[tilespmem:v21+s26+$0x0] =	vst.idx.msk $0xffff, v20;
	v8 =	vand.u32 $0x7E, v17;
	v28 =	vadd.s32 v0, v9  }
0x152: {  	v21 =	vld [tilespmem:s6+$0xFFFFFFD0];
	v25 =	vadd.s32 v0, v8;
	[tilespmem:v23+s26+$0x0] =	vst.idx.msk $0xffff, v22  }
0x153: {  	s8 =	simm.s32 $0x8;
	s21 =	simm.s32 $0xB;
	v20 =	vld [tilespmem:s19+$0xFFFFFFC0];
	[tilespmem:v30+s26+$0x0] =	vst.idx.msk $0xffff, v24;
	v22 =	vadd.s32 v1, v11  }
0x154: {  	s18 =	simm.s32 $0x44F0;
	s20 =	simm.s32 $0xC;
	v18 =	vmov v9;
	v17 =	vmov v8;
	[tilespmem:v32+s26+$0x0] =	vst.idx.msk $0xffff, v31;
	v23 =	vld [tilespmem:s19+$0xFFFFFFE0];
	v24 =	vadd.s32 v1, v10;
	s19 =	simm.s32 $0x8  }
.LBB2_30:
0x155: {  	p0 =	slt.u32 s20, $0x7C;
	v30 =	vmov s21;
	[tilespmem:v29+s26+$0x0] =	vst.idx.msk $0xffff, v27;
	v31 =	vld [tilespmem:s6+$0x0];
	v32 =	vadd.s32 v1, v16  }
0x156: {  	v27 =	vmov s19;
	s21 =	sadd.s32 $0x1, s19;
	v33 =	vadd.s32 v1, v19;
	s6 =	sadd.s32 $0x80, s6;
	v16 =	vand.u32 $0x7F, v30;
	v30 =	vld [tilespmem:s18+$0xFFFFFFA0];
	[tilespmem:v28+s26+$0x0] =	vst.idx.msk $0xffff, v26  }
0x157: {  	v19 =	vand.u32 $0x7C, v27;
	v26 =	vmov s21;
	s21 =	sadd.s32 $0x2, s19;
	s19 =	smov.u32 s20;
	v34 =	vld [tilespmem:s6+$0xFFFFFFF0];
	v35 =	vadd.s32 v0, v16;
	[tilespmem:v25+s26+$0x0] =	vst.idx.msk $0xffff, v21  }
.Ltmp16:
0x158: {  	v29 =	vadd.s32 v0, v19;
	v36 =	vand.u32 $0x7D, v26;
	v21 =	vmov s21;
	v27 =	vld [tilespmem:s6+$0xFFFFFF90];
	[tilespmem:v22+s26+$0x0] =	vst.idx.msk $0xffff, v20;
	(pc) =	sbr.rel @p0 .LBB2_30-.Ltmp16, $4  }
0x159: {  	v28 =	vadd.s32 v0, v36;
	v37 =	vand.u32 $0x7E, v21;
	v26 =	vld [tilespmem:s6+$0xFFFFFFB0];
	[tilespmem:v24+s26+$0x0] =	vst.idx.msk $0xffff, v23  }
0x15a: {  	v25 =	vadd.s32 v0, v37;
	v21 =	vld [tilespmem:s6+$0xFFFFFFD0];
	[tilespmem:v32+s26+$0x0] =	vst.idx.msk $0xffff, v31  }
0x15b: {  	v22 =	vadd.s32 v1, v18;
	v18 =	vmov v36;
	[tilespmem:v33+s26+$0x0] =	vst.idx.msk $0xffff, v30;
	v20 =	vld [tilespmem:s18+$0xFFFFFFC0]  }
0x15c: {  	s20 =	sadd.s32 $0x4, s20;
	s21 =	sadd.s32 $0x3, s19;
	v24 =	vadd.s32 v1, v17;
	v17 =	vmov v37;
	[tilespmem:v35+s26+$0x0] =	vst.idx.msk $0xffff, v34;
	v23 =	vld [tilespmem:s18+$0xFFFFFFE0];
	s18 =	smov.u32 s6  }
0x15d: {  	_ =	sdelay $0x3  }
0x15e: {  	v30 =	vmov s21;
	[tilespmem:v29+s26+$0x0] =	vst.idx.msk $0xffff, v27;
	v53 =	vld [tilespmem:s6+$0x0];
	v16 =	vadd.s32 v1, v16  }
0x15f: {  	v54 =	vmov s19;
	s20 =	sadd.s32 $0x1, s19;
	v19 =	vadd.s32 v1, v19;
	s22 =	sadd.s32 $0x80, s6;
	v30 =	vand.u32 $0x7F, v30;
	v31 =	vld [tilespmem:s18+$0xFFFFFFA0];
	[tilespmem:v28+s26+$0x0] =	vst.idx.msk $0xffff, v26  }
0x160: {  	s28 =	sadd.s32 $0x2, s19;
	v55 =	vand.u32 $0x7C, v54;
	v56 =	vmov s20;
	v57 =	vld [tilespmem:s22+$0xFFFFFFF0];
	v32 =	vadd.s32 v0, v30;
	[tilespmem:v25+s26+$0x0] =	vst.idx.msk $0xffff, v21  }
0x161: {  	v33 =	vmov s28;
	v21 =	vld [tilespmem:s22+$0xFFFFFF90];
	v58 =	vadd.s32 v0, v55;
	v28 =	vand.u32 $0x7D, v56;
	[tilespmem:v22+s26+$0x0] =	vst.idx.msk $0xffff, v20  }
0x162: {  	v33 =	vand.u32 $0x7E, v33;
	v20 =	vld [tilespmem:s22+$0xFFFFFFB0];
	v22 =	vadd.s32 v0, v28;
	[tilespmem:v24+s26+$0x0] =	vst.idx.msk $0xffff, v23  }
0x163: {  	v59 =	vadd.s32 v0, v33;
	v23 =	vld [tilespmem:s22+$0xFFFFFFD0];
	[tilespmem:v16+s26+$0x0] =	vst.idx.msk $0xffff, v53  }
0x164: {  	v18 =	vadd.s32 v1, v18;
	v16 =	vld [tilespmem:s18+$0xFFFFFFC0];
	[tilespmem:v19+s26+$0x0] =	vst.idx.msk $0xffff, v31  }
0x165: {  	v17 =	vadd.s32 v1, v17;
	v19 =	vld [tilespmem:s18+$0xFFFFFFE0];
	[tilespmem:v32+s26+$0x0] =	vst.idx.msk $0xffff, v57  }
0x166: {  	v60 =	vadd.s32 v1, v30;
	[tilespmem:v58+s26+$0x0] =	vst.idx.msk $0xffff, v21;
	v21 =	vld [tilespmem:s22+$0x0]  }
0x167: {  	v26 =	vadd.s32 v1, v55;
	v61 =	vld [tilespmem:s22+$0xFFFFFFA0];
	[tilespmem:v22+s26+$0x0] =	vst.idx.msk $0xffff, v20  }
0x168: {  	v22 =	vadd.s32 v1, v28;
	[tilespmem:v59+s26+$0x0] =	vst.idx.msk $0xffff, v23;
	v20 =	vld [tilespmem:s22+$0xFFFFFFC0]  }
0x169: {  	[tilespmem:v18+s26+$0x0] =	vst.idx.msk $0xffff, v16;
	v16 =	vld [tilespmem:s22+$0xFFFFFFE0];
	v18 =	vadd.s32 v1, v33  }
0x16a: {  	[tilespmem:v17+s26+$0x0] =	vst.idx.msk $0xffff, v19  }
0x16b: {  	[tilespmem:v60+s26+$0x0] =	vst.idx.msk $0xffff, v21  }
0x16c: {  	[tilespmem:v26+s26+$0x0] =	vst.idx.msk $0xffff, v61  }
0x16d: {  	[tilespmem:v22+s26+$0x0] =	vst.idx.msk $0xffff, v20  }
0x16e: {  	s29 =	simm.s32 $0x5400;
	[tilespmem:v18+s26+$0x0] =	vst.idx.msk $0xffff, v16  }
0x16f: {  	v17 =	vadd.s32 v2, v13;
	v16 =	vld [tilespmem:s29+$0x60]  }
0x170: {  	v19 =	vadd.s32 v2, v12;
	v18 =	vld [tilespmem:s29+$0x0];
	_ =	sdelay $0x2  }
0x171: {  	v21 =	vadd.s32 v2, v11;
	v20 =	vld [tilespmem:s29+$0x20]  }
0x172: {  	v23 =	vadd.s32 v2, v10;
	v22 =	vld [tilespmem:s29+$0x40];
	[tilespmem:v17+s26+$0x0] =	vst.idx.msk $0xffff, v16  }
0x173: {  	[tilespmem:v19+s26+$0x0] =	vst.idx.msk $0xffff, v18;
	v17 =	vadd.s32 v3, v13;
	v16 =	vld [tilespmem:s29+$0x70]  }
0x174: {  	v62 =	vadd.s32 v3, v12;
	s6 =	simm.s32 $0x5480;
	v13 =	vand.u32 $0x7F, v14;
	v14 =	vld [tilespmem:s29+$0x10]  }
0x175: {  	v12 =	vand.u32 $0x7C, v15;
	v25 =	vld [tilespmem:s6+$0x60];
	v63 =	vadd.s32 v2, v13  }
0x176: {  	[tilespmem:v21+s26+$0x0] =	vst.idx.msk $0xffff, v20;
	v20 =	vld [tilespmem:s6+$0x0];
	v21 =	vadd.s32 v2, v12  }
0x177: {  	[tilespmem:v23+s26+$0x0] =	vst.idx.msk $0xffff, v22;
	v18 =	vld [tilespmem:s6+$0x20];
	v19 =	vadd.s32 v2, v9  }
0x178: {  	v15 =	vld [tilespmem:s6+$0x40];
	[tilespmem:v17+s26+$0x0] =	vst.idx.msk $0xffff, v16;
	v17 =	vadd.s32 v2, v8  }
0x179: {  	v11 =	vadd.s32 v3, v11;
	[tilespmem:v62+s26+$0x0] =	vst.idx.msk $0xffff, v14;
	v14 =	vld [tilespmem:s29+$0x30]  }
0x17a: {  	s19 =	simm.s32 $0xC;
	s20 =	simm.s32 $0xB;
	s18 =	simm.s32 $0x5480;
	v10 =	vadd.s32 v3, v10;
	[tilespmem:v63+s26+$0x0] =	vst.idx.msk $0xffff, v25;
	v16 =	vld [tilespmem:s29+$0x50]  }
.LBB2_32:
0x17b: {  	p0 =	slt.u32 s19, $0x7C;
	v22 =	vmov s20;
	[tilespmem:v21+s26+$0x0] =	vst.idx.msk $0xffff, v20;
	v23 =	vld [tilespmem:s6+$0x70];
	v24 =	vadd.s32 v3, v13  }
0x17c: {  	v20 =	vmov s8;
	s20 =	sadd.s32 $0x1, s8;
	v25 =	vadd.s32 v3, v12;
	s6 =	sadd.s32 $0x80, s6;
	v13 =	vand.u32 $0x7F, v22;
	v22 =	vld [tilespmem:s18+$0x10];
	[tilespmem:v19+s26+$0x0] =	vst.idx.msk $0xffff, v18  }
0x17d: {  	v12 =	vand.u32 $0x7C, v20;
	v18 =	vmov s20;
	s20 =	sadd.s32 $0x2, s8;
	s8 =	smov.u32 s19;
	v26 =	vld [tilespmem:s6+$0x60];
	v27 =	vadd.s32 v2, v13;
	[tilespmem:v17+s26+$0x0] =	vst.idx.msk $0xffff, v15  }
.Ltmp17:
0x17e: {  	v21 =	vadd.s32 v2, v12;
	v28 =	vand.u32 $0x7D, v18;
	v15 =	vmov s20;
	v20 =	vld [tilespmem:s6+$0x0];
	[tilespmem:v11+s26+$0x0] =	vst.idx.msk $0xffff, v14;
	(pc) =	sbr.rel @p0 .LBB2_32-.Ltmp17, $4  }
0x17f: {  	v19 =	vadd.s32 v2, v28;
	v29 =	vand.u32 $0x7E, v15;
	v18 =	vld [tilespmem:s6+$0x20];
	[tilespmem:v10+s26+$0x0] =	vst.idx.msk $0xffff, v16  }
0x180: {  	v17 =	vadd.s32 v2, v29;
	v15 =	vld [tilespmem:s6+$0x40];
	[tilespmem:v24+s26+$0x0] =	vst.idx.msk $0xffff, v23  }
0x181: {  	v11 =	vadd.s32 v3, v9;
	v9 =	vmov v28;
	[tilespmem:v25+s26+$0x0] =	vst.idx.msk $0xffff, v22;
	v14 =	vld [tilespmem:s18+$0x30]  }
0x182: {  	s19 =	sadd.s32 $0x4, s19;
	s20 =	sadd.s32 $0x3, s8;
	v10 =	vadd.s32 v3, v8;
	v8 =	vmov v29;
	[tilespmem:v27+s26+$0x0] =	vst.idx.msk $0xffff, v26;
	v16 =	vld [tilespmem:s18+$0x50];
	s18 =	smov.u32 s6  }
0x183: {  	_ =	sdelay $0x3  }
0x184: {  	v22 =	vmov s20;
	[tilespmem:v21+s26+$0x0] =	vst.idx.msk $0xffff, v20;
	v20 =	vld [tilespmem:s6+$0x70];
	v13 =	vadd.s32 v3, v13  }
0x185: {  	v21 =	vmov s8;
	s19 =	sadd.s32 $0x1, s8;
	v12 =	vadd.s32 v3, v12;
	s22 =	sadd.s32 $0x80, s6;
	v22 =	vand.u32 $0x7F, v22;
	v23 =	vld [tilespmem:s18+$0x10];
	[tilespmem:v19+s26+$0x0] =	vst.idx.msk $0xffff, v18  }
0x186: {  	s29 =	sadd.s32 $0x2, s8;
	v18 =	vand.u32 $0x7C, v21;
	v19 =	vmov s19;
	v21 =	vld [tilespmem:s22+$0x60];
	v24 =	vadd.s32 v2, v22;
	[tilespmem:v17+s26+$0x0] =	vst.idx.msk $0xffff, v15  }
0x187: {  	v25 =	vmov s29;
	v15 =	vld [tilespmem:s22+$0x0];
	v17 =	vadd.s32 v2, v18;
	v19 =	vand.u32 $0x7D, v19;
	[tilespmem:v11+s26+$0x0] =	vst.idx.msk $0xffff, v14  }
0x188: {  	v25 =	vand.u32 $0x7E, v25;
	v11 =	vld [tilespmem:s22+$0x20];
	v14 =	vadd.s32 v2, v19;
	[tilespmem:v10+s26+$0x0] =	vst.idx.msk $0xffff, v16  }
0x189: {  	v10 =	vld [tilespmem:s22+$0x40];
	v16 =	vadd.s32 v2, v25;
	[tilespmem:v13+s26+$0x0] =	vst.idx.msk $0xffff, v20  }
0x18a: {  	v9 =	vadd.s32 v3, v9;
	[tilespmem:v12+s26+$0x0] =	vst.idx.msk $0xffff, v23;
	v12 =	vld [tilespmem:s18+$0x30]  }
0x18b: {  	v8 =	vadd.s32 v3, v8;
	v13 =	vld [tilespmem:s18+$0x50];
	[tilespmem:v24+s26+$0x0] =	vst.idx.msk $0xffff, v21  }
0x18c: {  	[tilespmem:v17+s26+$0x0] =	vst.idx.msk $0xffff, v15;
	v17 =	vadd.s32 v3, v22;
	v15 =	vld [tilespmem:s22+$0x70]  }
0x18d: {  	v18 =	vadd.s32 v3, v18;
	v20 =	vld [tilespmem:s22+$0x10];
	[tilespmem:v14+s26+$0x0] =	vst.idx.msk $0xffff, v11  }
0x18e: {  	v11 =	vadd.s32 v3, v19;
	[tilespmem:v16+s26+$0x0] =	vst.idx.msk $0xffff, v10;
	v10 =	vld [tilespmem:s22+$0x30]  }
0x18f: {  	p2 =	por $0x1, $0x1;
	[tilespmem:v9+s26+$0x0] =	vst.idx.msk $0xffff, v12;
	v9 =	vld [tilespmem:s22+$0x50];
	v12 =	vadd.s32 v3, v25  }
.Ltmp18:
0x190: {  	[tilespmem:v8+s26+$0x0] =	vst.idx.msk $0xffff, v13;
	(pc) =	sbr.rel @!p2 .LBB2_40-.Ltmp18, $4  }
0x191: {  	s21 =	simm.s32 $0x0;
	[tilespmem:v17+s26+$0x0] =	vst.idx.msk $0xffff, v15  }
0x192: {  	s8 =	simm.s32 $0x4;
	p3 =	por $0x0, $0x0;
	p0 =	por $0x0, $0x0;
	[tilespmem:v18+s26+$0x0] =	vst.idx.msk $0xffff, v20  }
0x193: {  	s28 =	simm.s32 $0x3;
	s20 =	simm.s32 $0x6400;
	s6 =	simm.s32 $0x0;
	[tilespmem:v11+s26+$0x0] =	vst.idx.msk $0xffff, v10  }
0x194: {  	p4 =	por $0x0, $0x0;
	s18 =	simm.s32 $0x6400;
	s22 =	simm.s32 $0x3;
	[tilespmem:v12+s26+$0x0] =	vst.idx.msk $0xffff, v9  }
0x195: {  	v8 =	vmov s22  }
0x196: {  	v8 =	vand.u32 $0x7F, v8  }
0x197: {  	v17 =	vld [tilespmem:s18+$0x60];
	p4 =	por $0x1, $0x1;
	v19 =	vadd.s32 v4, v8  }
.Ltmp19:
0x198: {  	_ = 	snop;
	(pc) =	sbr.rel @!p4 .LBB2_35-.Ltmp19, $4  }
0x199: {  	v9 =	vmov s21;
	s6 =	simm.s32 $0x1;
	s19 =	simm.s32 $0x2  }
0x19a: {  	v13 =	vld [tilespmem:s18+$0x0];
	v9 =	vand.u32 $0x7C, v9;
	v10 =	vmov s6;
	v12 =	vmov s19  }
0x19b: {  	v11 =	vld [tilespmem:s18+$0x20];
	v15 =	vadd.s32 v4, v9;
	v18 =	vand.u32 $0x7D, v10;
	v16 =	vand.u32 $0x7E, v12  }
0x19c: {  	s28 =	simm.s32 $0x7;
	p3 =	por $0x1, $0x1;
	s6 =	simm.s32 $0x8;
	v10 =	vld [tilespmem:s18+$0x40];
	v14 =	vadd.s32 v4, v18;
	v12 =	vadd.s32 v4, v16;
	[tilespmem:v19+s26+$0x0] =	vst.idx.msk $0xffff, v17  }
0x19d: {  	_ =	sdelay $0x3  }
0x19e: {  	v17 =	vmov s28;
	v19 =	vld [tilespmem:s18+$0x70];
	v20 =	vadd.s32 v5, v8;
	[tilespmem:v15+s26+$0x0] =	vst.idx.msk $0xffff, v13  }
0x19f: {  	v21 =	vadd.s32 v5, v9;
	s20 =	simm.s32 $0x6480;
	v9 =	vmov s8;
	s19 =	simm.s32 $0x5;
	v8 =	vand.u32 $0x7F, v17;
	v17 =	vld [tilespmem:s18+$0x10]  }
0x1a0: {  	s28 =	simm.s32 $0x6;
	p5 =	por $0x1, $0x1;
	v24 =	vld [tilespmem:s20+$0x60];
	v9 =	vand.u32 $0x7C, v9;
	v25 =	vadd.s32 v4, v8;
	[tilespmem:v14+s26+$0x0] =	vst.idx.msk $0xffff, v11;
	v14 =	vmov s19  }
.Ltmp20:
0x1a1: {  	v13 =	vld [tilespmem:s20+$0x0];
	v15 =	vadd.s32 v4, v9;
	[tilespmem:v12+s26+$0x0] =	vst.idx.msk $0xffff, v10;
	v10 =	vmov s28;
	v23 =	vand.u32 $0x7D, v14;
	(pc) =	sbr.rel @!p5 .LBB2_37-.Ltmp20, $4  }
0x1a2: {  	v11 =	vld [tilespmem:s20+$0x20];
	v22 =	vand.u32 $0x7E, v10;
	v14 =	vadd.s32 v4, v23  }
0x1a3: {  	v10 =	vld [tilespmem:s20+$0x40];
	[tilespmem:v20+s26+$0x0] =	vst.idx.msk $0xffff, v19;
	v12 =	vadd.s32 v4, v22  }
0x1a4: {  	s29 =	simm.s32 $0xC;
	v19 =	vadd.s32 v5, v18;
	[tilespmem:v21+s26+$0x0] =	vst.idx.msk $0xffff, v17;
	v17 =	vld [tilespmem:s18+$0x30]  }
0x1a5: {  	p4 =	por $0x1, $0x1;
	s19 =	simm.s32 $0x6480;
	s28 =	simm.s32 $0xB;
	v20 =	vld [tilespmem:s18+$0x50];
	[tilespmem:v25+s26+$0x0] =	vst.idx.msk $0xffff, v24;
	v21 =	vadd.s32 v5, v16  }
.LBB2_38:
0x1a6: {  	p5 =	slt.u32 s29, $0x7C;
	v16 =	vmov s28;
	[tilespmem:v15+s26+$0x0] =	vst.idx.msk $0xffff, v13;
	v18 =	vld [tilespmem:s20+$0x70];
	v24 =	vadd.s32 v5, v8  }
0x1a7: {  	v13 =	vmov s6;
	s28 =	sadd.s32 $0x1, s6;
	v25 =	vadd.s32 v5, v9;
	s20 =	sadd.s32 $0x80, s20;
	v8 =	vand.u32 $0x7F, v16;
	v16 =	vld [tilespmem:s19+$0x10];
	[tilespmem:v14+s26+$0x0] =	vst.idx.msk $0xffff, v11  }
0x1a8: {  	v9 =	vand.u32 $0x7C, v13;
	v11 =	vmov s28;
	s28 =	sadd.s32 $0x2, s6;
	s6 =	smov.u32 s29;
	v26 =	vld [tilespmem:s20+$0x60];
	v27 =	vadd.s32 v4, v8;
	[tilespmem:v12+s26+$0x0] =	vst.idx.msk $0xffff, v10  }
.Ltmp21:
0x1a9: {  	v15 =	vadd.s32 v4, v9;
	v28 =	vand.u32 $0x7D, v11;
	v10 =	vmov s28;
	v13 =	vld [tilespmem:s20+$0x0];
	[tilespmem:v19+s26+$0x0] =	vst.idx.msk $0xffff, v17;
	(pc) =	sbr.rel @p5 .LBB2_38-.Ltmp21, $4  }
0x1aa: {  	v14 =	vadd.s32 v4, v28;
	v29 =	vand.u32 $0x7E, v10;
	v11 =	vld [tilespmem:s20+$0x20];
	[tilespmem:v21+s26+$0x0] =	vst.idx.msk $0xffff, v20  }
0x1ab: {  	v12 =	vadd.s32 v4, v29;
	v10 =	vld [tilespmem:s20+$0x40];
	[tilespmem:v24+s26+$0x0] =	vst.idx.msk $0xffff, v18  }
0x1ac: {  	v19 =	vadd.s32 v5, v23;
	v23 =	vmov v28;
	[tilespmem:v25+s26+$0x0] =	vst.idx.msk $0xffff, v16;
	v17 =	vld [tilespmem:s19+$0x30]  }
0x1ad: {  	s29 =	sadd.s32 $0x4, s29;
	s28 =	sadd.s32 $0x3, s6;
	v21 =	vadd.s32 v5, v22;
	v22 =	vmov v29;
	[tilespmem:v27+s26+$0x0] =	vst.idx.msk $0xffff, v26;
	v20 =	vld [tilespmem:s19+$0x50];
	s19 =	smov.u32 s20  }
0x1ae: {  	v18 =	vmov v23;
	v16 =	vmov v22  }
.LBB2_40:
0x1af: {  	_ =	sdelay $0x3  }
0x1b0: {  	[tilespmem:v15+s26+$0x0] =	vst.idx.msk @p3 $0xffff, v13;
	v13 =	vld @p3 [tilespmem:s20+$0x70];
	s20 =	sadd.s32 @p3 $0x80, s20  }
0x1b1: {  	v48 =	vmov s28;
	v8 =	vadd.s32 @p3 v5, v8;
	v22 =	vld @p3 [tilespmem:s19+$0x10];
	s18 =	smov.u32 @p3 s20  }
0x1b2: {  	v23 =	vmov s6;
	s28 =	sadd.s32 $0x1, s6;
	v9 =	vadd.s32 @p3 v5, v9;
	[tilespmem:v14+s26+$0x0] =	vst.idx.msk @p3 $0xffff, v11;
	v15 =	vand.u32 $0x7F, v48;
	v49 =	vld [tilespmem:s18+$0x60]  }
0x1b3: {  	s29 =	sadd.s32 $0x2, s6;
	v50 =	vand.u32 $0x7C, v23;
	v51 =	vmov s28;
	[tilespmem:v12+s26+$0x0] =	vst.idx.msk @p3 $0xffff, v10;
	v24 =	vadd.s32 v4, v15;
	v52 =	vld [tilespmem:s18+$0x0]  }
0x1b4: {  	v25 =	vmov s29;
	v53 =	vadd.s32 v4, v50;
	v23 =	vand.u32 $0x7D, v51;
	[tilespmem:v19+s26+$0x0] =	vst.idx.msk @p4 $0xffff, v17;
	v54 =	vld [tilespmem:s18+$0x20]  }
0x1b5: {  	v25 =	vand.u32 $0x7E, v25;
	v56 =	vld [tilespmem:s18+$0x40];
	v55 =	vadd.s32 v4, v23;
	[tilespmem:v21+s26+$0x0] =	vst.idx.msk @p4 $0xffff, v20  }
0x1b6: {  	v57 =	vadd.s32 v4, v25;
	[tilespmem:v8+s26+$0x0] =	vst.idx.msk @p3 $0xffff, v13;
	v8 =	vld @p3 [tilespmem:s19+$0x30];
	v13 =	vadd.s32 @p3 v5, v18  }
0x1b7: {  	v16 =	vadd.s32 @p3 v5, v16;
	[tilespmem:v9+s26+$0x0] =	vst.idx.msk @p3 $0xffff, v22;
	v9 =	vld @p3 [tilespmem:s19+$0x50];
	v13 =	vpsel p3, v13, v0  }
0x1b8: {  	v11 =	vpsel p3, v16, v0;
	[tilespmem:v24+s26+$0x0] =	vst.idx.msk $0xffff, v49  }
0x1b9: {  	v59 =	vadd.s32 v5, v15;
	[tilespmem:v53+s26+$0x0] =	vst.idx.msk $0xffff, v52;
	v58 =	vld [tilespmem:s18+$0x70]  }
0x1ba: {  	v14 =	vadd.s32 v5, v50;
	v60 =	vld [tilespmem:s18+$0x10];
	[tilespmem:v55+s26+$0x0] =	vst.idx.msk $0xffff, v54  }
0x1bb: {  	v62 =	vadd.s32 v5, v23;
	[tilespmem:v57+s26+$0x0] =	vst.idx.msk $0xffff, v56;
	v61 =	vld [tilespmem:s18+$0x30];
	v8 =	vpsel p3, v8, v0  }
0x1bc: {  	v63 =	vadd.s32 v5, v25;
	v9 =	vpsel p3, v9, v0;
	[tilespmem:v13+s26+$0x0] =	vst.idx.msk @p3 $0xffff, v8;
	v8 =	vld [tilespmem:s18+$0x50]  }
.Ltmp22:
0x1bd: {  	[tilespmem:v11+s26+$0x0] =	vst.idx.msk @p3 $0xffff, v9;
	(pc) =	sbr.rel @!p2 .LBB2_41-.Ltmp22, $4  }
0x1be: {  	[tilespmem:v59+s26+$0x0] =	vst.idx.msk $0xffff, v58  }
0x1bf: {  	[tilespmem:v14+s26+$0x0] =	vst.idx.msk $0xffff, v60  }
0x1c0: {  	[tilespmem:v62+s26+$0x0] =	vst.idx.msk $0xffff, v61  }
0x1c1: {  	s18 =	simm.s32 $0x7400;
	[tilespmem:v63+s26+$0x0] =	vst.idx.msk $0xffff, v8  }
0x1c2: {  	v8 =	vmov s22  }
0x1c3: {  	v8 =	vand.u32 $0x7F, v8  }
0x1c4: {  	v17 =	vld [tilespmem:s18+$0x60];
	p3 =	por $0x1, $0x1;
	v19 =	vadd.s32 v6, v8  }
.Ltmp23:
0x1c5: {  	_ = 	snop;
	(pc) =	sbr.rel @!p3 .LBB2_43-.Ltmp23, $4  }
0x1c6: {  	v9 =	vmov s21;
	s6 =	simm.s32 $0x1;
	s19 =	simm.s32 $0x2  }
0x1c7: {  	v13 =	vld [tilespmem:s18+$0x0];
	v9 =	vand.u32 $0x7C, v9;
	v10 =	vmov s6;
	v12 =	vmov s19  }
0x1c8: {  	v11 =	vld [tilespmem:s18+$0x20];
	v15 =	vadd.s32 v6, v9;
	v18 =	vand.u32 $0x7D, v10;
	v16 =	vand.u32 $0x7E, v12  }
0x1c9: {  	s22 =	simm.s32 $0x7;
	s21 =	simm.s32 $0x8;
	p2 =	por $0x1, $0x1;
	v10 =	vld [tilespmem:s18+$0x40];
	v14 =	vadd.s32 v6, v18;
	v12 =	vadd.s32 v6, v16;
	[tilespmem:v19+s26+$0x0] =	vst.idx.msk $0xffff, v17  }
0x1ca: {  	_ =	sdelay $0x3  }
0x1cb: {  	v17 =	vmov s22;
	v19 =	vld [tilespmem:s18+$0x70];
	v20 =	vadd.s32 v7, v8;
	[tilespmem:v15+s26+$0x0] =	vst.idx.msk $0xffff, v13  }
0x1cc: {  	v21 =	vadd.s32 v7, v9;
	s6 =	simm.s32 $0x7480;
	v9 =	vmov s8;
	s29 =	simm.s32 $0x5;
	v8 =	vand.u32 $0x7F, v17;
	v17 =	vld [tilespmem:s18+$0x10]  }
0x1cd: {  	s19 =	simm.s32 $0x6;
	p3 =	por $0x1, $0x1;
	v24 =	vld [tilespmem:s6+$0x60];
	v9 =	vand.u32 $0x7C, v9;
	v25 =	vadd.s32 v6, v8;
	[tilespmem:v14+s26+$0x0] =	vst.idx.msk $0xffff, v11;
	v14 =	vmov s29  }
.Ltmp24:
0x1ce: {  	v13 =	vld [tilespmem:s6+$0x0];
	v15 =	vadd.s32 v6, v9;
	[tilespmem:v12+s26+$0x0] =	vst.idx.msk $0xffff, v10;
	v10 =	vmov s19;
	v23 =	vand.u32 $0x7D, v14;
	(pc) =	sbr.rel @!p3 .LBB2_45-.Ltmp24, $4  }
0x1cf: {  	v11 =	vld [tilespmem:s6+$0x20];
	v22 =	vand.u32 $0x7E, v10;
	v14 =	vadd.s32 v6, v23  }
0x1d0: {  	v10 =	vld [tilespmem:s6+$0x40];
	[tilespmem:v20+s26+$0x0] =	vst.idx.msk $0xffff, v19;
	v12 =	vadd.s32 v6, v22  }
0x1d1: {  	s22 =	simm.s32 $0xB;
	v19 =	vadd.s32 v7, v18;
	[tilespmem:v21+s26+$0x0] =	vst.idx.msk $0xffff, v17;
	v17 =	vld [tilespmem:s18+$0x30]  }
0x1d2: {  	p0 =	por $0x1, $0x1;
	s8 =	simm.s32 $0x7480;
	s19 =	simm.s32 $0xC;
	v20 =	vld [tilespmem:s18+$0x50];
	[tilespmem:v25+s26+$0x0] =	vst.idx.msk $0xffff, v24;
	v21 =	vadd.s32 v7, v16  }
.LBB2_46:
0x1d3: {  	p3 =	slt.u32 s19, $0x7C;
	v16 =	vmov s22;
	[tilespmem:v15+s26+$0x0] =	vst.idx.msk $0xffff, v13;
	v18 =	vld [tilespmem:s6+$0x70];
	v24 =	vadd.s32 v7, v8  }
0x1d4: {  	v13 =	vmov s21;
	s20 =	sadd.s32 $0x1, s21;
	v25 =	vadd.s32 v7, v9;
	s6 =	sadd.s32 $0x80, s6;
	v8 =	vand.u32 $0x7F, v16;
	v16 =	vld [tilespmem:s8+$0x10];
	[tilespmem:v14+s26+$0x0] =	vst.idx.msk $0xffff, v11  }
0x1d5: {  	v9 =	vand.u32 $0x7C, v13;
	v11 =	vmov s20;
	s20 =	sadd.s32 $0x2, s21;
	s21 =	smov.u32 s19;
	v26 =	vld [tilespmem:s6+$0x60];
	v27 =	vadd.s32 v6, v8;
	[tilespmem:v12+s26+$0x0] =	vst.idx.msk $0xffff, v10  }
.Ltmp25:
0x1d6: {  	v15 =	vadd.s32 v6, v9;
	v28 =	vand.u32 $0x7D, v11;
	v10 =	vmov s20;
	v13 =	vld [tilespmem:s6+$0x0];
	[tilespmem:v19+s26+$0x0] =	vst.idx.msk $0xffff, v17;
	(pc) =	sbr.rel @p3 .LBB2_46-.Ltmp25, $4  }
0x1d7: {  	v14 =	vadd.s32 v6, v28;
	v29 =	vand.u32 $0x7E, v10;
	v11 =	vld [tilespmem:s6+$0x20];
	[tilespmem:v21+s26+$0x0] =	vst.idx.msk $0xffff, v20  }
0x1d8: {  	v12 =	vadd.s32 v6, v29;
	v10 =	vld [tilespmem:s6+$0x40];
	[tilespmem:v24+s26+$0x0] =	vst.idx.msk $0xffff, v18  }
0x1d9: {  	v19 =	vadd.s32 v7, v23;
	v23 =	vmov v28;
	[tilespmem:v25+s26+$0x0] =	vst.idx.msk $0xffff, v16;
	v17 =	vld [tilespmem:s8+$0x30]  }
0x1da: {  	s19 =	sadd.s32 $0x4, s19;
	s22 =	sadd.s32 $0x3, s21;
	v21 =	vadd.s32 v7, v22;
	v22 =	vmov v29;
	[tilespmem:v27+s26+$0x0] =	vst.idx.msk $0xffff, v26;
	v20 =	vld [tilespmem:s8+$0x50];
	s8 =	smov.u32 s6  }
0x1db: {  	v18 =	vmov v23;
	v16 =	vmov v22  }
.LBB2_48:
0x1dc: {  	_ =	sdelay $0x3  }
0x1dd: {  	[tilespmem:v15+s26+$0x0] =	vst.idx.msk @p2 $0xffff, v13;
	v13 =	vld @p2 [tilespmem:s6+$0x70];
	s6 =	sadd.s32 @p2 $0x80, s6  }
0x1de: {  	v48 =	vmov s22;
	v8 =	vadd.s32 @p2 v7, v8;
	v22 =	vld @p2 [tilespmem:s8+$0x10];
	s18 =	smov.u32 @p2 s6  }
0x1df: {  	v23 =	vmov s21;
	s28 =	sadd.s32 $0x1, s21;
	v9 =	vadd.s32 @p2 v7, v9;
	[tilespmem:v14+s26+$0x0] =	vst.idx.msk @p2 $0xffff, v11;
	v15 =	vand.u32 $0x7F, v48;
	v49 =	vld [tilespmem:s18+$0x60]  }
0x1e0: {  	s29 =	sadd.s32 $0x2, s21;
	v50 =	vand.u32 $0x7C, v23;
	v51 =	vmov s28;
	[tilespmem:v12+s26+$0x0] =	vst.idx.msk @p2 $0xffff, v10;
	v24 =	vadd.s32 v6, v15;
	v52 =	vld [tilespmem:s18+$0x0]  }
0x1e1: {  	v25 =	vmov s29;
	v53 =	vadd.s32 v6, v50;
	v23 =	vand.u32 $0x7D, v51;
	[tilespmem:v19+s26+$0x0] =	vst.idx.msk @p0 $0xffff, v17;
	v54 =	vld [tilespmem:s18+$0x20]  }
0x1e2: {  	v25 =	vand.u32 $0x7E, v25;
	v56 =	vld [tilespmem:s18+$0x40];
	v55 =	vadd.s32 v6, v23;
	[tilespmem:v21+s26+$0x0] =	vst.idx.msk @p0 $0xffff, v20  }
0x1e3: {  	v57 =	vadd.s32 v6, v25;
	[tilespmem:v8+s26+$0x0] =	vst.idx.msk @p2 $0xffff, v13;
	v8 =	vld @p2 [tilespmem:s8+$0x30];
	v13 =	vadd.s32 @p2 v7, v18  }
0x1e4: {  	v16 =	vadd.s32 @p2 v7, v16;
	[tilespmem:v9+s26+$0x0] =	vst.idx.msk @p2 $0xffff, v22;
	v9 =	vld @p2 [tilespmem:s8+$0x50];
	v13 =	vpsel p2, v13, v0  }
0x1e5: {  	v11 =	vpsel p2, v16, v0;
	[tilespmem:v24+s26+$0x0] =	vst.idx.msk $0xffff, v49  }
0x1e6: {  	v59 =	vadd.s32 v7, v15;
	[tilespmem:v53+s26+$0x0] =	vst.idx.msk $0xffff, v52;
	v58 =	vld [tilespmem:s18+$0x70]  }
0x1e7: {  	v14 =	vadd.s32 v7, v50;
	v60 =	vld [tilespmem:s18+$0x10];
	[tilespmem:v55+s26+$0x0] =	vst.idx.msk $0xffff, v54  }
0x1e8: {  	v62 =	vadd.s32 v7, v23;
	[tilespmem:v57+s26+$0x0] =	vst.idx.msk $0xffff, v56;
	v61 =	vld [tilespmem:s18+$0x30];
	v8 =	vpsel p2, v8, v0  }
0x1e9: {  	v63 =	vadd.s32 v7, v25;
	v9 =	vpsel p2, v9, v0;
	[tilespmem:v13+s26+$0x0] =	vst.idx.msk @p2 $0xffff, v8;
	v8 =	vld [tilespmem:s18+$0x50]  }
0x1ea: {  	[tilespmem:v11+s26+$0x0] =	vst.idx.msk @p2 $0xffff, v9  }
0x1eb: {  	[tilespmem:v59+s26+$0x0] =	vst.idx.msk $0xffff, v58  }
0x1ec: {  	s0 =	sadd.s32 @!p1 s10, s0;
	[tilespmem:v14+s26+$0x0] =	vst.idx.msk $0xffff, v60  }
0x1ed: {  	s0 =	sshrl.u32 @!p1 s0, $0x3;
	[tilespmem:v62+s26+$0x0] =	vst.idx.msk $0xffff, v61  }
0x1ee: {  	s6 =	simm.s32 @!p1 $0x0;
	s0 =	sadd.s32 @!p1 s4, s0;
	s8 =	simm.s32 @!p1 $0x200;
	[tilespmem:v63+s26+$0x0] =	vst.idx.msk $0xffff, v8  }
0x1ef: {  	[tilespmem:s8], [sflag:$0x5] =	stream.linear.gather @!p1 [hbm4b:s0+s6], $0x200, $0x38;
	[tilespmem:$0x10C00] =	vst v63  }
0x1f0: {  	s0 =	simm.s32 @!p1 $0x5  }
0x1f1: {  	_ =	swait.ge @!p1 [sflag:s0], $0x200  }
0x1f2: {  	[sflag:s0] =	ssyncset.done @!p1 $0x0  }
0x1f3: {  	[sflag:s0] =	ssyncadd.s32 @!p1 $0xFFFFFE00;
	s0 =	simm.s32 @!p1 $0x4400  }
0x1f4: {  	[tilespmem:s0], [sflag:$0x2] =	stream.indirect.gather @!p1 [hbm4b:s5+s8], $0x20, s8, s8, $0xb8;
	[tilespmem:$0x10C00] =	vst v63  }
0x1f5: {  	s18 =	simm.s32 $0xC888;
	s0 =	sadd.s32 s2, s14  }
0x1f6: {  	s6 =	simm.s32 $0xC800;
	s8 =	simm.s32 $0x10;
	s19 =	sadd.s32 $0x0, s0  }
.LBB2_49:
0x1f7: {  	[hbm4b:s19+s3] =	stream.linear.scatter [tilespmem:s6], [sflag:$0x4], $0x80, $0x38;
	[tilespmem:$0x10C00] =	vst v63  }
0x1f8: {  	s19 =	smov.u32 s8;
	s6 =	smov.u32 s18;
	p0 =	sne.s32 s8, $0x1F0  }
.Ltmp26:
0x1f9: {  	s8 =	sadd.s32 $0x10, s8;
	(pc) =	sbr.rel @p0 .LBB2_49-.Ltmp26, $2  }
0x1fa: {  	_ =	sdelay $0x2  }
0x1fb: {  	s18 =	sadd.s32 $0x88, s18;
	s19 =	sadd.s32 s19, s0  }
0x1fc: {  	[hbm4b:s19+s3] =	stream.linear.scatter [tilespmem:s6], [sflag:$0x4], $0x80, $0x38;
	[tilespmem:$0x10C00] =	vst v63  }
0x1fd: {  	s0 =	sadd.s32 s2, s15;
	s6 =	simm.s32 $0xD900  }
0x1fe: {  	s8 =	simm.s32 $0x10;
	s18 =	simm.s32 $0xD988;
	s19 =	sadd.s32 $0x0, s0  }
.LBB2_51:
0x1ff: {  	[hbm4b:s19+s3] =	stream.linear.scatter [tilespmem:s6], [sflag:$0x4], $0x80, $0x38;
	[tilespmem:$0x10C00] =	vst v63  }
0x200: {  	s19 =	smov.u32 s8;
	s6 =	smov.u32 s18;
	p0 =	sne.s32 s8, $0x1F0  }
.Ltmp27:
0x201: {  	s8 =	sadd.s32 $0x10, s8;
	(pc) =	sbr.rel @p0 .LBB2_51-.Ltmp27, $2  }
0x202: {  	_ =	sdelay $0x2  }
0x203: {  	s18 =	sadd.s32 $0x88, s18;
	s19 =	sadd.s32 s19, s0  }
0x204: {  	[hbm4b:s19+s3] =	stream.linear.scatter [tilespmem:s6], [sflag:$0x4], $0x80, $0x38;
	[tilespmem:$0x10C00] =	vst v63  }
0x205: {  	s0 =	sadd.s32 s2, s16;
	s6 =	simm.s32 $0xEA00  }
0x206: {  	s8 =	simm.s32 $0x10;
	s18 =	simm.s32 $0xEA88;
	s19 =	sadd.s32 $0x0, s0  }
.LBB2_53:
0x207: {  	[hbm4b:s19+s3] =	stream.linear.scatter [tilespmem:s6], [sflag:$0x4], $0x80, $0x38;
	[tilespmem:$0x10C00] =	vst v63  }
0x208: {  	s19 =	smov.u32 s8;
	s6 =	smov.u32 s18;
	p0 =	sne.s32 s8, $0x1F0  }
.Ltmp28:
0x209: {  	s8 =	sadd.s32 $0x10, s8;
	(pc) =	sbr.rel @p0 .LBB2_53-.Ltmp28, $2  }
0x20a: {  	_ =	sdelay $0x2  }
0x20b: {  	s18 =	sadd.s32 $0x88, s18;
	s19 =	sadd.s32 s19, s0  }
0x20c: {  	[hbm4b:s19+s3] =	stream.linear.scatter [tilespmem:s6], [sflag:$0x4], $0x80, $0x38;
	[tilespmem:$0x10C00] =	vst v63  }
0x20d: {  	s0 =	sadd.s32 s2, s17;
	s2 =	simm.s32 $0xFB00  }
0x20e: {  	s6 =	simm.s32 $0x10;
	s8 =	simm.s32 $0xFB88;
	s18 =	sadd.s32 $0x0, s0  }
.LBB2_55:
0x20f: {  	[hbm4b:s18+s3] =	stream.linear.scatter [tilespmem:s2], [sflag:$0x4], $0x80, $0x38;
	[tilespmem:$0x10C00] =	vst v63  }
0x210: {  	s18 =	smov.u32 s6;
	s2 =	smov.u32 s8;
	p0 =	sne.s32 s6, $0x1F0  }
.Ltmp29:
0x211: {  	s6 =	sadd.s32 $0x10, s6;
	(pc) =	sbr.rel @p0 .LBB2_55-.Ltmp29, $2  }
0x212: {  	_ =	sdelay $0x2  }
0x213: {  	s8 =	sadd.s32 $0x88, s8;
	s18 =	sadd.s32 s18, s0  }
0x214: {  	s31 =	sadd.s32 $0x1, s31  }
0x215: {  	p0 =	sne.s32 s31, $0x64  }
.Ltmp30:
0x216: {  	_ = 	snop;
	(pc) =	sbr.rel @p0 .LBB2_2-.Ltmp30, $4  }
.Ltmp31:
0x217: {  	_ = 	snop;
	(pc) =	sbr.rel @!p0 .LBB2_57-.Ltmp31, $4  }
0x218: {  	_ = 	snop  }
0x219: {  	_ = 	snop  }
0x21a: {  	[hbm4b:s18+s3] =	stream.linear.scatter [tilespmem:s2], [sflag:$0x4], $0x80, $0x38;
	[tilespmem:$0x10C00] =	vst v63  }
0x21b: {  	_ = 	snop  }
.LBB2_14:
.Ltmp32:
0x21c: {  	(pc) =	sbr.rel .LBB2_21-.Ltmp32, $2  }
0x21d: {  	_ =	sdelay $0x2  }
0x21e: {  	s6 =	simm.s32 $0x3470;
	p2 =	por $0x0, $0x0  }
.LBB2_41:
.Ltmp33:
0x21f: {  	(pc) =	sbr.rel .LBB2_48-.Ltmp33, $2  }
0x220: {  	_ =	sdelay $0x2  }
0x221: {  	s6 =	simm.s32 $0x7400;
	p2 =	por $0x0, $0x0  }
.LBB2_8:
.Ltmp34:
0x222: {  	(pc) =	sbr.rel .LBB2_13-.Ltmp34, $3  }
0x223: {  	_ =	sdelay $0x1  }
0x224: {  	s6 =	simm.s32 $0x2470  }
0x225: {  	s18 =	simm.s32 $0x4;
	s20 =	simm.s32 $0x2470;
	p4 =	por $0x0, $0x0  }
.LBB2_16:
.Ltmp35:
0x226: {  	(pc) =	sbr.rel .LBB2_21-.Ltmp35, $2  }
0x227: {  	_ =	sdelay $0x2  }
0x228: {  	s6 =	simm.s32 $0x3470;
	s2 =	simm.s32 $0x4;
	s18 =	simm.s32 $0x3470  }
.LBB2_35:
.Ltmp36:
0x229: {  	(pc) =	sbr.rel .LBB2_40-.Ltmp36, $3  }
0x22a: {  	_ =	sdelay $0x1  }
0x22b: {  	s20 =	simm.s32 $0x6400  }
0x22c: {  	s6 =	simm.s32 $0x4;
	s19 =	simm.s32 $0x6400;
	p4 =	por $0x0, $0x0  }
.LBB2_43:
.Ltmp37:
0x22d: {  	(pc) =	sbr.rel .LBB2_48-.Ltmp37, $2  }
0x22e: {  	_ =	sdelay $0x2  }
0x22f: {  	s6 =	simm.s32 $0x7400;
	s21 =	simm.s32 $0x4;
	s8 =	simm.s32 $0x7400  }
.LBB2_10:
.Ltmp38:
0x230: {  	(pc) =	sbr.rel .LBB2_13-.Ltmp38, $2  }
0x231: {  	_ =	sdelay $0x2  }
0x232: {  	s20 =	simm.s32 $0x24F0;
	v18 =	vmov v23;
	v16 =	vmov v22  }
.LBB2_18:
.Ltmp39:
0x233: {  	(pc) =	sbr.rel .LBB2_21-.Ltmp39, $2  }
0x234: {  	_ =	sdelay $0x2  }
0x235: {  	s18 =	simm.s32 $0x34F0;
	v18 =	vmov v23;
	v16 =	vmov v22  }
.LBB2_37:
.Ltmp40:
0x236: {  	(pc) =	sbr.rel .LBB2_40-.Ltmp40, $2  }
0x237: {  	_ =	sdelay $0x2  }
0x238: {  	s19 =	simm.s32 $0x6480;
	v18 =	vmov v23;
	v16 =	vmov v22  }
.LBB2_45:
.Ltmp41:
0x239: {  	(pc) =	sbr.rel .LBB2_48-.Ltmp41, $2  }
0x23a: {  	_ =	sdelay $0x2  }
0x23b: {  	s8 =	simm.s32 $0x7480;
	v18 =	vmov v23;
	v16 =	vmov v22  }
.LBB2_58:
0x23c: {  	_ =	sfence.sel $0x180000  }
0x23d: {  	[bflag:$0x0] =	sbarrier.arrive $0xFFFF  }
0x23e: {  	_ =	strace $0x90000047  }
0x23f: {  	s0 =	stileid.u32;
	[bflag:$0x2] =	sbarrier.arrive $0xFFFF  }
0x240: {  	p0 =	sne.s32 s0, $0x0;
	s0 =	rddreg [dreg:$0x2]  }
0x241: {  	s0 =	sadd.s32 @!p0 $0x100000, s0  }
0x242: {  	[sflag:s0] =	ssyncadd.tile.s32 @!p0 $0x1;
	_ =	shalt  }
.Lfunc_end2:
_tile_overlayer_lowered:
.L_overlay_start_2:
0x243: {  	(tag) =	ssettag $0x2  }
0x244: {  	s0 =	rddreg [dreg:$0x0];
	s2 =	stileid.u32  }
0x245: {  	s1 =	rddreg [dreg:$0x1];
	p0 =	sne.s32 s2, $0x0  }
0x246: {  	s3 =	rddreg [dreg:$0x2];
	[bflag:$0x3] =	sbarrier.arrive $0xFFFF;
	s2 =	simm.s32 @!p0 $0x1C05  }
0x247: {  	[timem:s3], [sflag:s2] =	dma.local @!p0 [hbm:s0], s1  }
0x248: {  	s0 =	simm.s32 @!p0 $0x5  }
0x249: {  	_ =	swait.ge @!p0 [sflag:s0], s1  }
0x24a: {  	s1 =	ssub.s32 @!p0 $0x0, s1;
	[sflag:s0] =	ssyncset.done @!p0 $0x0  }
0x24b: {  	[sflag:s0] =	ssyncadd.s32 @!p0 s1  }
0x24c: {  	[bflag:$0x3] =	sbarrier.arrive $0xFFFF  }
0x24d: {  	_ =	shalt  }

</sc_bundles>
